<compile_context>
chip_gen: v7x
topology: tpu7x:2x2x1
jax: 0.10.2.dev20260603
libtpu: 0.0.44.dev20260713+nightly
codegen_flags: <defaults>
</compile_context>

<pallas_src>
import jax
import jax.numpy as jnp
from jax import lax
from jax.experimental import pallas as pl
from jax.experimental.pallas import tpu as pltpu
from jax.experimental.pallas import tpu_sc as plsc

N = 10000
E = 320000
DIN = 128
DH = 128
DOUT = 64

NC = 2
NS = 16
NW = NC * NS
CHUNK = 80
EPW = 10240
EPAD = NW * EPW
NCHUNK = EPW // CHUNK
NPHASE = 4
HC = NCHUNK // NPHASE
NACC = N + CHUNK
RSTEP = 624
RSPAN = 640

TILE = 1000
NBLK = N // TILE
_PREC = lax.Precision.HIGHEST



NBUF = 4
HGRP = HC // NBUF
CDEP = 8
CGRP = NCHUNK // CDEP


def _sc_agg_body(x_hbm, src_hbm, dst_hbm, zrow_hbm, out_hbm,
                 src_v, dst_v, b0, b1, b2, b3,
                 g0, g1, g2, g3, s0, s1, s2, s3, acc_sh):
    cid = lax.axis_index("c")
    sid = lax.axis_index("s")
    wid = sid * NC + cid
    bufs = (b0, b1, b2, b3)
    gsem = (g0, g1, g2, g3)
    ssem = (s0, s1, s2, s3)

    pltpu.sync_copy(zrow_hbm, acc_sh.at[pl.ds(sid * RSTEP, RSPAN)])
    plsc.subcore_barrier()

    def gather(c, b):
        pltpu.async_copy(x_hbm.at[src_v.at[c]], bufs[b], gsem[b])

    def gather_wait(c, b):
        pltpu.make_async_copy(x_hbm.at[src_v.at[c]], bufs[b], gsem[b]).wait()

    def scatter(c, b):
        pltpu.async_copy(bufs[b], acc_sh.at[dst_v.at[c]], ssem[b], add=True)

    def scatter_wait(c, b):
        pltpu.make_async_copy(bufs[b], acc_sh.at[dst_v.at[c]], ssem[b]).wait()

    def phase(p, carry):
        pltpu.sync_copy(src_hbm.at[wid, pl.ds(p * HC, HC)], src_v)
        pltpu.sync_copy(dst_hbm.at[wid, pl.ds(p * HC, HC)], dst_v)
        for b in range(NBUF):
            gather(b, b)

        def body(g, carry2):
            base = g * NBUF
            for b in range(NBUF):
                gather_wait(base + b, b)
                scatter(base + b, b)
            for b in range(NBUF):
                scatter_wait(base + b, b)
                gather(base + NBUF + b, b)
            return carry2

        lax.fori_loop(0, HGRP - 1, body, 0)
        last = (HGRP - 1) * NBUF
        for b in range(NBUF):
            gather_wait(last + b, b)
            scatter(last + b, b)
        for b in range(NBUF):
            scatter_wait(last + b, b)
        return carry

    lax.fori_loop(0, NPHASE, phase, 0)
    plsc.subcore_barrier()

    row0 = cid * N + sid * RSTEP
    pltpu.sync_copy(acc_sh.at[pl.ds(sid * RSTEP, RSPAN)],
                    out_hbm.at[pl.ds(row0, RSPAN)])


def _make_sc_agg(d):
    mesh = plsc.VectorSubcoreMesh(core_axis_name="c", subcore_axis_name="s")
    out_type = jax.ShapeDtypeStruct((NC * N, d), jnp.float32)
    scratch = (
        [pltpu.VMEM((HC, CHUNK), jnp.int32)] * 2
        + [pltpu.VMEM((CHUNK, d), jnp.float32)] * NBUF
        + [pltpu.SemaphoreType.DMA] * (2 * NBUF)
        + [pltpu.VMEM_SHARED((NACC, d), jnp.float32)]
    )
    return pl.kernel(_sc_agg_body, out_type=out_type, scratch_types=scratch,
                     mesh=mesh)


def _sc_cnt_body(dst_hbm, zcnt_hbm, ones_hbm, cnt_hbm,
                 dst_v, ones_v, s0, s1, s2, s3, s4, s5, s6, s7, cnt_sh):
    cid = lax.axis_index("c")
    sid = lax.axis_index("s")
    wid = sid * NC + cid
    ssem = (s0, s1, s2, s3, s4, s5, s6, s7)

    pltpu.sync_copy(zcnt_hbm, cnt_sh.at[pl.ds(sid * RSTEP, RSPAN)])
    pltpu.sync_copy(ones_hbm, ones_v)
    pltpu.sync_copy(dst_hbm.at[wid], dst_v)
    plsc.subcore_barrier()

    def scatter(c, b):
        pltpu.async_copy(ones_v, cnt_sh.at[dst_v.at[c]], ssem[b], add=True)

    def scatter_wait(c, b):
        pltpu.make_async_copy(ones_v, cnt_sh.at[dst_v.at[c]], ssem[b]).wait()

    for b in range(CDEP):
        scatter(b, b)

    def body(g, carry):
        base = g * CDEP
        for b in range(CDEP):
            scatter_wait(base + b, b)
            scatter(base + CDEP + b, b)
        return carry

    lax.fori_loop(0, CGRP - 1, body, 0)
    last = (CGRP - 1) * CDEP
    for b in range(CDEP):
        scatter_wait(last + b, b)
    plsc.subcore_barrier()

    row0 = cid * N + sid * RSTEP
    pltpu.sync_copy(cnt_sh.at[pl.ds(sid * RSTEP, RSPAN)],
                    cnt_hbm.at[pl.ds(row0, RSPAN)])


def _make_sc_cnt():
    mesh = plsc.VectorSubcoreMesh(core_axis_name="c", subcore_axis_name="s")
    out_type = jax.ShapeDtypeStruct((NC * N, DH), jnp.float32)
    scratch = [
        pltpu.VMEM((NCHUNK, CHUNK), jnp.int32),
        pltpu.VMEM((CHUNK, DH), jnp.float32),
        pltpu.SemaphoreType.DMA, pltpu.SemaphoreType.DMA,
        pltpu.SemaphoreType.DMA, pltpu.SemaphoreType.DMA,
        pltpu.SemaphoreType.DMA, pltpu.SemaphoreType.DMA,
        pltpu.SemaphoreType.DMA, pltpu.SemaphoreType.DMA,
        pltpu.VMEM_SHARED((NACC, DH), jnp.float32),
    ]
    return pl.kernel(_sc_cnt_body, out_type=out_type, scratch_types=scratch,
                     mesh=mesh)



def _layer_body(p0, p1, c0, c1, h_ref, w_ref, r_ref, b_ref, g_ref, bt_ref,
                out_ref, z_scr, st_scr):
    ph = pl.program_id(0)
    i = pl.program_id(1)

    @pl.when(ph == 0)
    def _():
        cnt = c0[:, 0:1] + c1[:, 0:1]
        inv = 1.0 / jnp.maximum(cnt, 1.0)
        t = (p0[...] + p1[...]) * inv
        z = (jnp.dot(t, w_ref[...], preferred_element_type=jnp.float32,
                     precision=_PREC)
             + jnp.dot(h_ref[...], r_ref[...],
                       preferred_element_type=jnp.float32, precision=_PREC)
             + b_ref[...])
        z_scr[pl.ds(i * TILE, TILE), :] = z

        @pl.when(i == 0)
        def _():
            st_scr[...] = jnp.zeros_like(st_scr)

        st_scr[0:1, :] += jnp.sum(z, axis=0, keepdims=True)
        st_scr[1:2, :] += jnp.sum(z * z, axis=0, keepdims=True)

    @pl.when(ph == 1)
    def _():
        m = st_scr[0:1, :] / N
        v = st_scr[1:2, :] / N - m * m
        z = z_scr[pl.ds(i * TILE, TILE), :]
        zn = (z - m) * lax.rsqrt(v + 1e-5) * g_ref[...] + bt_ref[...]
        out_ref[...] = jnp.maximum(zn, 0.0)


def _final_body(p0, p1, c0, c1, h_ref, w_ref, r_ref, b_ref, out_ref):
    cnt = c0[:, 0:1] + c1[:, 0:1]
    inv = 1.0 / jnp.maximum(cnt, 1.0)
    t = (p0[...] + p1[...]) * inv
    z = (jnp.dot(t, w_ref[...], preferred_element_type=jnp.float32,
                 precision=_PREC)
         + jnp.dot(h_ref[...], r_ref[...], preferred_element_type=jnp.float32,
                   precision=_PREC)
         + b_ref[...])
    zmax = jnp.max(z, axis=1, keepdims=True)
    lse = jnp.log(jnp.sum(jnp.exp(z - zmax), axis=1, keepdims=True)) + zmax
    out_ref[...] = z - lse


def _part_specs2(d):
    return [pl.BlockSpec((TILE, d), lambda ph, i: (i * (1 - ph), 0)),
            pl.BlockSpec((TILE, d), lambda ph, i: (i * (1 - ph) + NBLK, 0))]


def _fixed_spec2(r, c):
    return pl.BlockSpec((r, c), lambda ph, i: (0, 0))


def _layer(parts, cnts, h, W, R, b, g, bt):
    return pl.pallas_call(
        _layer_body,
        grid=(2, NBLK),
        in_specs=_part_specs2(DH) + _part_specs2(DH)
        + [pl.BlockSpec((TILE, DH), lambda ph, i: (i * (1 - ph), 0)),
           _fixed_spec2(DH, DH), _fixed_spec2(DH, DH), _fixed_spec2(1, DH),
           _fixed_spec2(1, DH), _fixed_spec2(1, DH)],
        out_specs=pl.BlockSpec((TILE, DH), lambda ph, i: (i * ph, 0)),
        out_shape=jax.ShapeDtypeStruct((N, DH), jnp.float32),
        scratch_shapes=[pltpu.VMEM((N, DH), jnp.float32),
                        pltpu.VMEM((8, DH), jnp.float32)],
    )(parts, parts, cnts, cnts, h, W, R, b.reshape(1, DH),
      g.reshape(1, DH), bt.reshape(1, DH))


def _part_specs(d):
    return [pl.BlockSpec((TILE, d), lambda i: (i, 0)),
            pl.BlockSpec((TILE, d), lambda i: (i + NBLK, 0))]


def _row_spec(d):
    return pl.BlockSpec((TILE, d), lambda i: (i, 0))


def _fixed_spec(r, c):
    return pl.BlockSpec((r, c), lambda i: (0, 0))


def _final(parts, cnts, h, W3, R3, b3):
    return pl.pallas_call(
        _final_body,
        grid=(NBLK,),
        in_specs=_part_specs(DH) + _part_specs(DH)
        + [_row_spec(DH), _fixed_spec(DH, DOUT), _fixed_spec(DH, DOUT),
           _fixed_spec(1, DOUT)],
        out_specs=_row_spec(DOUT),
        out_shape=jax.ShapeDtypeStruct((N, DOUT), jnp.float32),
    )(parts, parts, cnts, cnts, h, W3, R3, b3.reshape(1, DOUT))



def kernel(x, edge_index, W1, R1, b1, g1, bt1, W2, R2, b2, g2, bt2, W3, R3, b3):
    pad = EPAD - E
    dst = jnp.concatenate(
        [edge_index[0],
         N + (jnp.arange(pad, dtype=jnp.int32) % (NACC - N))]).reshape(
            NW, NCHUNK, CHUNK)
    src = jnp.concatenate(
        [edge_index[1],
         (jnp.arange(pad, dtype=jnp.int32) * 79) % N]).reshape(
            NW, NCHUNK, CHUNK)
    zrow = jnp.zeros((RSPAN, DH), jnp.float32)
    ones = jnp.ones((CHUNK, DH), jnp.float32)

    agg128 = _make_sc_agg(DH)

    cnts = _make_sc_cnt()(dst, zrow, ones)
    s1 = agg128(x, src, dst, zrow)
    h1 = _layer(s1, cnts, x, W1, R1, b1, g1, bt1)

    s2 = agg128(h1, src, dst, zrow)
    h2 = _layer(s2, cnts, h1, W2, R2, b2, g2, bt2)

    s3 = agg128(h2, src, dst, zrow)
    return _final(s3, cnts, h2, W3, R3, b3)

# --- scband reference (transcript-rebuilt; emitter-appended) ---
"""Pipeline reference for scband-sage-67662914781314 (READ-ONLY COPY).

The authoritative reference and input builder live on the scoring server;
editing this copy changes nothing except your own understanding.
"""

import jax, jax.numpy as jnp
import numpy as np

N = 10000
E = 320000
DIN = 128
DH = 128
DOUT = 64


def _glorot(key, fan_in, fan_out):
    limit = np.sqrt(6.0 / (fan_in + fan_out))
    return jax.random.uniform(key, (fan_in, fan_out), dtype=jnp.float32, minval=-limit, maxval=limit)


def setup_inputs(seed: int = 0) -> dict:
    key = jax.random.key(seed)
    ks = jax.random.split(key, 16)
    x = jax.random.normal(ks[0], (N, DIN), dtype=jnp.float32)
    edge_index = jax.random.randint(ks[1], (2, E), 0, N, dtype=jnp.int32)
    W1 = _glorot(ks[2], DIN, DH)
    R1 = _glorot(ks[3], DIN, DH)
    b1 = jnp.zeros((DH,), dtype=jnp.float32)
    g1 = jnp.ones((DH,), dtype=jnp.float32)
    bt1 = jnp.zeros((DH,), dtype=jnp.float32)
    W2 = _glorot(ks[4], DH, DH)
    R2 = _glorot(ks[5], DH, DH)
    b2 = jnp.zeros((DH,), dtype=jnp.float32)
    g2 = jnp.ones((DH,), dtype=jnp.float32)
    bt2 = jnp.zeros((DH,), dtype=jnp.float32)
    W3 = _glorot(ks[6], DH, DOUT)
    R3 = _glorot(ks[7], DH, DOUT)
    b3 = jnp.zeros((DOUT,), dtype=jnp.float32)
    return {"x": x, "edge_index": edge_index,
            "W1": W1, "R1": R1, "b1": b1, "g1": g1, "bt1": bt1,
            "W2": W2, "R2": R2, "b2": b2, "g2": g2, "bt2": bt2,
            "W3": W3, "R3": R3, "b3": b3}


def _agg_mean(x, edge_index):
    # adj.matmul(x, reduce='mean'): row 0 = dst, row 1 = src
    dst = edge_index[0]
    src = edge_index[1]
    msg = jnp.take(x, src, axis=0)
    s = jax.ops.segment_sum(msg, dst, num_segments=N)
    cnt = jax.ops.segment_sum(jnp.ones((E,), dtype=jnp.float32), dst, num_segments=N)
    return s / jnp.clip(cnt, 1.0)[:, None]


def _sage_conv(x, edge_index, W, R, b):
    agg = _agg_mean(x, edge_index)
    return agg @ W + x @ R + b


def _batchnorm(x, g, bt, eps=1e-5):
    m = jnp.mean(x, axis=0)
    v = jnp.var(x, axis=0)
    return g * (x - m) / jnp.sqrt(v + eps) + bt


def reference(x, edge_index, W1, R1, b1, g1, bt1, W2, R2, b2, g2, bt2, W3, R3, b3):
    h = _sage_conv(x, edge_index, W1, R1, b1)
    h = _batchnorm(h, g1, bt1)
    h = jax.nn.relu(h)
    # dropout is identity in eval / deterministic reference
    h = _sage_conv(h, edge_index, W2, R2, b2)
    h = _batchnorm(h, g2, bt2)
    h = jax.nn.relu(h)
    h = _sage_conv(h, edge_index, W3, R3, b3)
    return jax.nn.log_softmax(h, axis=-1)

if __name__ == "__main__":
    import jax
    _d = setup_inputs()
    print(jax.jit(kernel)(*tuple(_d.values())))

</pallas_src>

<mosaic_0001>
#map = affine_map<(d0, d1) -> (0, 0, 0)>
#map1 = affine_map<(d0, d1) -> (0, 0)>
module attributes {stable_mosaic.version = 14 : i64} {
  func.func @_sc_cnt_body(%arg0: i32, %arg1: i32, %arg2: memref<32x128x80xi32, #tpu.memory_space<hbm>>, %arg3: memref<640x128xf32, #tpu.memory_space<hbm>>, %arg4: memref<80x128xf32, #tpu.memory_space<hbm>>, %arg5: memref<20000x128xf32, #tpu.memory_space<hbm>>, %arg6: memref<128x80xi32, #tpu.memory_space<vmem>>, %arg7: memref<80x128xf32, #tpu.memory_space<vmem>>, %arg8: memref<!tpu.dma_semaphore, #tpu.memory_space<semaphore_mem>>, %arg9: memref<!tpu.dma_semaphore, #tpu.memory_space<semaphore_mem>>, %arg10: memref<!tpu.dma_semaphore, #tpu.memory_space<semaphore_mem>>, %arg11: memref<!tpu.dma_semaphore, #tpu.memory_space<semaphore_mem>>, %arg12: memref<!tpu.dma_semaphore, #tpu.memory_space<semaphore_mem>>, %arg13: memref<!tpu.dma_semaphore, #tpu.memory_space<semaphore_mem>>, %arg14: memref<!tpu.dma_semaphore, #tpu.memory_space<semaphore_mem>>, %arg15: memref<!tpu.dma_semaphore, #tpu.memory_space<semaphore_mem>>, %arg16: memref<10080x128xf32, #tpu.memory_space<vmem_shared>>) attributes {dimension_semantics = [#tpu.dimension_semantics<core_parallel>, #tpu.dimension_semantics<subcore_parallel>], iteration_bounds = array<i64: 2, 16>, scalar_prefetch = 0 : i64, scratch_operands = 11 : i64, tpu.core_type = #tpu.core_type<sc_vector_subcore>, window_params = [{transform_indices = #map}, {transform_indices = #map1}, {transform_indices = #map1}, {transform_indices = #map1}]} {
    %mul3A = arith.constant 2 : i32
    %mul3A_0 = arith.muli %arg1, %mul3A : i32
    %add3A = arith.addi %mul3A_0, %arg0 : i32
    %mul3A_1 = arith.constant 624 : i32
    %mul3A_2 = arith.muli %arg1, %mul3A_1 : i32
    "tpu.region"() ({
      %run_scoped3A = tpu.sem_alloc : memref<!tpu.dma_semaphore, #tpu.memory_space<semaphore_mem>>
      %dma_start3A_126 = arith.constant 0 : i32
      %dma_start3A_127 = tpu.memref_slice %arg16[%mul3A_2, %dma_start3A_126] : memref<10080x128xf32, #tpu.memory_space<vmem_shared>> -> memref<640x128xf32, #tpu.memory_space<vmem_shared>>
      tpu.enqueue_dma source(%arg3 : memref<640x128xf32, #tpu.memory_space<hbm>>) target(%dma_start3A_127 : memref<640x128xf32, #tpu.memory_space<vmem_shared>>) target_semaphore(%run_scoped3A : memref<!tpu.dma_semaphore, #tpu.memory_space<semaphore_mem>>)
      %dma_wait3A_128 = arith.constant 0 : i32
      %dma_wait3A_129 = tpu.memref_slice %arg16[%mul3A_2, %dma_wait3A_128] : memref<10080x128xf32, #tpu.memory_space<vmem_shared>> -> memref<640x128xf32, #tpu.memory_space<vmem_shared>>
      tpu.wait_dma2 semaphore(%run_scoped3A : memref<!tpu.dma_semaphore, #tpu.memory_space<semaphore_mem>>) src(%arg3 : memref<640x128xf32, #tpu.memory_space<hbm>>) dst(%dma_wait3A_129 : memref<640x128xf32, #tpu.memory_space<vmem_shared>>)
      tpu.yield
    }) : () -> ()
    "tpu.region"() ({
      %run_scoped3A = tpu.sem_alloc : memref<!tpu.dma_semaphore, #tpu.memory_space<semaphore_mem>>
      tpu.enqueue_dma source(%arg4 : memref<80x128xf32, #tpu.memory_space<hbm>>) target(%arg7 : memref<80x128xf32, #tpu.memory_space<vmem>>) target_semaphore(%run_scoped3A : memref<!tpu.dma_semaphore, #tpu.memory_space<semaphore_mem>>)
      tpu.wait_dma2 semaphore(%run_scoped3A : memref<!tpu.dma_semaphore, #tpu.memory_space<semaphore_mem>>) src(%arg4 : memref<80x128xf32, #tpu.memory_space<hbm>>) dst(%arg7 : memref<80x128xf32, #tpu.memory_space<vmem>>)
      tpu.yield
    }) : () -> ()
    "tpu.region"() ({
      %run_scoped3A = tpu.sem_alloc : memref<!tpu.dma_semaphore, #tpu.memory_space<semaphore_mem>>
      %dma_start3A_126 = arith.constant 0 : i32
      %dma_start3A_127 = arith.constant 0 : i32
      %dma_start3A_128 = tpu.memref_slice %arg2[%add3A, %dma_start3A_126, %dma_start3A_127] : memref<32x128x80xi32, #tpu.memory_space<hbm>> -> memref<1x128x80xi32, #tpu.memory_space<hbm>>
      %dma_start3A_129 = tpu.memref_squeeze %dma_start3A_128 : memref<1x128x80xi32, #tpu.memory_space<hbm>> -> memref<128x80xi32, #tpu.memory_space<hbm>>
      %dma_start3A_130 = arith.constant 0 : i32
      %dma_start3A_131 = arith.constant 0 : i32
      %dma_start3A_132 = tpu.memref_slice %arg2[%add3A, %dma_start3A_130, %dma_start3A_131] : memref<32x128x80xi32, #tpu.memory_space<hbm>> -> memref<1x128x80xi32, #tpu.memory_space<hbm>>
      %dma_start3A_133 = tpu.memref_squeeze %dma_start3A_132 : memref<1x128x80xi32, #tpu.memory_space<hbm>> -> memref<128x80xi32, #tpu.memory_space<hbm>>
      tpu.enqueue_dma source(%dma_start3A_133 : memref<128x80xi32, #tpu.memory_space<hbm>>) target(%arg6 : memref<128x80xi32, #tpu.memory_space<vmem>>) target_semaphore(%run_scoped3A : memref<!tpu.dma_semaphore, #tpu.memory_space<semaphore_mem>>)
      %dma_wait3A_134 = arith.constant 0 : i32
      %dma_wait3A_135 = arith.constant 0 : i32
      %dma_wait3A_136 = tpu.memref_slice %arg2[%add3A, %dma_wait3A_134, %dma_wait3A_135] : memref<32x128x80xi32, #tpu.memory_space<hbm>> -> memref<1x128x80xi32, #tpu.memory_space<hbm>>
      %dma_wait3A_137 = tpu.memref_squeeze %dma_wait3A_136 : memref<1x128x80xi32, #tpu.memory_space<hbm>> -> memref<128x80xi32, #tpu.memory_space<hbm>>
      %dma_wait3A_138 = arith.constant 0 : i32
      %dma_wait3A_139 = arith.constant 0 : i32
      %dma_wait3A_140 = tpu.memref_slice %arg2[%add3A, %dma_wait3A_138, %dma_wait3A_139] : memref<32x128x80xi32, #tpu.memory_space<hbm>> -> memref<1x128x80xi32, #tpu.memory_space<hbm>>
      %dma_wait3A_141 = tpu.memref_squeeze %dma_wait3A_140 : memref<1x128x80xi32, #tpu.memory_space<hbm>> -> memref<128x80xi32, #tpu.memory_space<hbm>>
      tpu.wait_dma2 semaphore(%run_scoped3A : memref<!tpu.dma_semaphore, #tpu.memory_space<semaphore_mem>>) src(%dma_wait3A_141 : memref<128x80xi32, #tpu.memory_space<hbm>>) dst(%arg6 : memref<128x80xi32, #tpu.memory_space<vmem>>)
      tpu.yield
    }) : () -> ()
    %barrier3A = arith.constant 0 : index
    tpu.barrier barrier_id(%barrier3A)
    %dma_start3A = arith.constant 0 : i32
    %dma_start3A_3 = arith.constant 0 : i32
    %dma_start3A_4 = tpu.memref_slice %arg6[%dma_start3A, %dma_start3A_3] : memref<128x80xi32, #tpu.memory_space<vmem>> -> memref<1x80xi32, #tpu.memory_space<vmem>>
    %dma_start3A_5 = tpu.memref_squeeze %dma_start3A_4 : memref<1x80xi32, #tpu.memory_space<vmem>> -> memref<80xi32, #tpu.memory_space<vmem>>
    %dma_start3A_6 = arith.constant 0 : i32
    %dma_start3A_7 = arith.constant 0 : i32
    %dma_start3A_8 = tpu.memref_slice %arg16[%dma_start3A_6, %dma_start3A_7] : memref<10080x128xf32, #tpu.memory_space<vmem_shared>> -> memref<10080x128xf32, #tpu.memory_space<vmem_shared>>
    tpu.enqueue_indirect_dma source(%arg7 : memref<80x128xf32, #tpu.memory_space<vmem>>) target(%dma_start3A_8 : memref<10080x128xf32, #tpu.memory_space<vmem_shared>>) offsets(%dma_start3A_5 : memref<80xi32, #tpu.memory_space<vmem>>) semaphore(%arg8 : memref<!tpu.dma_semaphore, #tpu.memory_space<semaphore_mem>>) {add = true}
    %dma_start3A_9 = arith.constant 1 : i32
    %dma_start3A_10 = arith.constant 0 : i32
    %dma_start3A_11 = tpu.memref_slice %arg6[%dma_start3A_9, %dma_start3A_10] : memref<128x80xi32, #tpu.memory_space<vmem>> -> memref<1x80xi32, #tpu.memory_space<vmem>>
    %dma_start3A_12 = tpu.memref_squeeze %dma_start3A_11 : memref<1x80xi32, #tpu.memory_space<vmem>> -> memref<80xi32, #tpu.memory_space<vmem>>
    %dma_start3A_13 = arith.constant 0 : i32
    %dma_start3A_14 = arith.constant 0 : i32
    %dma_start3A_15 = tpu.memref_slice %arg16[%dma_start3A_13, %dma_start3A_14] : memref<10080x128xf32, #tpu.memory_space<vmem_shared>> -> memref<10080x128xf32, #tpu.memory_space<vmem_shared>>
    tpu.enqueue_indirect_dma source(%arg7 : memref<80x128xf32, #tpu.memory_space<vmem>>) target(%dma_start3A_15 : memref<10080x128xf32, #tpu.memory_space<vmem_shared>>) offsets(%dma_start3A_12 : memref<80xi32, #tpu.memory_space<vmem>>) semaphore(%arg9 : memref<!tpu.dma_semaphore, #tpu.memory_space<semaphore_mem>>) {add = true}
    %dma_start3A_16 = arith.constant 2 : i32
    %dma_start3A_17 = arith.constant 0 : i32
    %dma_start3A_18 = tpu.memref_slice %arg6[%dma_start3A_16, %dma_start3A_17] : memref<128x80xi32, #tpu.memory_space<vmem>> -> memref<1x80xi32, #tpu.memory_space<vmem>>
    %dma_start3A_19 = tpu.memref_squeeze %dma_start3A_18 : memref<1x80xi32, #tpu.memory_space<vmem>> -> memref<80xi32, #tpu.memory_space<vmem>>
    %dma_start3A_20 = arith.constant 0 : i32
    %dma_start3A_21 = arith.constant 0 : i32
    %dma_start3A_22 = tpu.memref_slice %arg16[%dma_start3A_20, %dma_start3A_21] : memref<10080x128xf32, #tpu.memory_space<vmem_shared>> -> memref<10080x128xf32, #tpu.memory_space<vmem_shared>>
    tpu.enqueue_indirect_dma source(%arg7 : memref<80x128xf32, #tpu.memory_space<vmem>>) target(%dma_start3A_22 : memref<10080x128xf32, #tpu.memory_space<vmem_shared>>) offsets(%dma_start3A_19 : memref<80xi32, #tpu.memory_space<vmem>>) semaphore(%arg10 : memref<!tpu.dma_semaphore, #tpu.memory_space<semaphore_mem>>) {add = true}
    %dma_start3A_23 = arith.constant 3 : i32
    %dma_start3A_24 = arith.constant 0 : i32
    %dma_start3A_25 = tpu.memref_slice %arg6[%dma_start3A_23, %dma_start3A_24] : memref<128x80xi32, #tpu.memory_space<vmem>> -> memref<1x80xi32, #tpu.memory_space<vmem>>
    %dma_start3A_26 = tpu.memref_squeeze %dma_start3A_25 : memref<1x80xi32, #tpu.memory_space<vmem>> -> memref<80xi32, #tpu.memory_space<vmem>>
    %dma_start3A_27 = arith.constant 0 : i32
    %dma_start3A_28 = arith.constant 0 : i32
    %dma_start3A_29 = tpu.memref_slice %arg16[%dma_start3A_27, %dma_start3A_28] : memref<10080x128xf32, #tpu.memory_space<vmem_shared>> -> memref<10080x128xf32, #tpu.memory_space<vmem_shared>>
    tpu.enqueue_indirect_dma source(%arg7 : memref<80x128xf32, #tpu.memory_space<vmem>>) target(%dma_start3A_29 : memref<10080x128xf32, #tpu.memory_space<vmem_shared>>) offsets(%dma_start3A_26 : memref<80xi32, #tpu.memory_space<vmem>>) semaphore(%arg11 : memref<!tpu.dma_semaphore, #tpu.memory_space<semaphore_mem>>) {add = true}
    %dma_start3A_30 = arith.constant 4 : i32
    %dma_start3A_31 = arith.constant 0 : i32
    %dma_start3A_32 = tpu.memref_slice %arg6[%dma_start3A_30, %dma_start3A_31] : memref<128x80xi32, #tpu.memory_space<vmem>> -> memref<1x80xi32, #tpu.memory_space<vmem>>
    %dma_start3A_33 = tpu.memref_squeeze %dma_start3A_32 : memref<1x80xi32, #tpu.memory_space<vmem>> -> memref<80xi32, #tpu.memory_space<vmem>>
    %dma_start3A_34 = arith.constant 0 : i32
    %dma_start3A_35 = arith.constant 0 : i32
    %dma_start3A_36 = tpu.memref_slice %arg16[%dma_start3A_34, %dma_start3A_35] : memref<10080x128xf32, #tpu.memory_space<vmem_shared>> -> memref<10080x128xf32, #tpu.memory_space<vmem_shared>>
    tpu.enqueue_indirect_dma source(%arg7 : memref<80x128xf32, #tpu.memory_space<vmem>>) target(%dma_start3A_36 : memref<10080x128xf32, #tpu.memory_space<vmem_shared>>) offsets(%dma_start3A_33 : memref<80xi32, #tpu.memory_space<vmem>>) semaphore(%arg12 : memref<!tpu.dma_semaphore, #tpu.memory_space<semaphore_mem>>) {add = true}
    %dma_start3A_37 = arith.constant 5 : i32
    %dma_start3A_38 = arith.constant 0 : i32
    %dma_start3A_39 = tpu.memref_slice %arg6[%dma_start3A_37, %dma_start3A_38] : memref<128x80xi32, #tpu.memory_space<vmem>> -> memref<1x80xi32, #tpu.memory_space<vmem>>
    %dma_start3A_40 = tpu.memref_squeeze %dma_start3A_39 : memref<1x80xi32, #tpu.memory_space<vmem>> -> memref<80xi32, #tpu.memory_space<vmem>>
    %dma_start3A_41 = arith.constant 0 : i32
    %dma_start3A_42 = arith.constant 0 : i32
    %dma_start3A_43 = tpu.memref_slice %arg16[%dma_start3A_41, %dma_start3A_42] : memref<10080x128xf32, #tpu.memory_space<vmem_shared>> -> memref<10080x128xf32, #tpu.memory_space<vmem_shared>>
    tpu.enqueue_indirect_dma source(%arg7 : memref<80x128xf32, #tpu.memory_space<vmem>>) target(%dma_start3A_43 : memref<10080x128xf32, #tpu.memory_space<vmem_shared>>) offsets(%dma_start3A_40 : memref<80xi32, #tpu.memory_space<vmem>>) semaphore(%arg13 : memref<!tpu.dma_semaphore, #tpu.memory_space<semaphore_mem>>) {add = true}
    %dma_start3A_44 = arith.constant 6 : i32
    %dma_start3A_45 = arith.constant 0 : i32
    %dma_start3A_46 = tpu.memref_slice %arg6[%dma_start3A_44, %dma_start3A_45] : memref<128x80xi32, #tpu.memory_space<vmem>> -> memref<1x80xi32, #tpu.memory_space<vmem>>
    %dma_start3A_47 = tpu.memref_squeeze %dma_start3A_46 : memref<1x80xi32, #tpu.memory_space<vmem>> -> memref<80xi32, #tpu.memory_space<vmem>>
    %dma_start3A_48 = arith.constant 0 : i32
    %dma_start3A_49 = arith.constant 0 : i32
    %dma_start3A_50 = tpu.memref_slice %arg16[%dma_start3A_48, %dma_start3A_49] : memref<10080x128xf32, #tpu.memory_space<vmem_shared>> -> memref<10080x128xf32, #tpu.memory_space<vmem_shared>>
    tpu.enqueue_indirect_dma source(%arg7 : memref<80x128xf32, #tpu.memory_space<vmem>>) target(%dma_start3A_50 : memref<10080x128xf32, #tpu.memory_space<vmem_shared>>) offsets(%dma_start3A_47 : memref<80xi32, #tpu.memory_space<vmem>>) semaphore(%arg14 : memref<!tpu.dma_semaphore, #tpu.memory_space<semaphore_mem>>) {add = true}
    %dma_start3A_51 = arith.constant 7 : i32
    %dma_start3A_52 = arith.constant 0 : i32
    %dma_start3A_53 = tpu.memref_slice %arg6[%dma_start3A_51, %dma_start3A_52] : memref<128x80xi32, #tpu.memory_space<vmem>> -> memref<1x80xi32, #tpu.memory_space<vmem>>
    %dma_start3A_54 = tpu.memref_squeeze %dma_start3A_53 : memref<1x80xi32, #tpu.memory_space<vmem>> -> memref<80xi32, #tpu.memory_space<vmem>>
    %dma_start3A_55 = arith.constant 0 : i32
    %dma_start3A_56 = arith.constant 0 : i32
    %dma_start3A_57 = tpu.memref_slice %arg16[%dma_start3A_55, %dma_start3A_56] : memref<10080x128xf32, #tpu.memory_space<vmem_shared>> -> memref<10080x128xf32, #tpu.memory_space<vmem_shared>>
    tpu.enqueue_indirect_dma source(%arg7 : memref<80x128xf32, #tpu.memory_space<vmem>>) target(%dma_start3A_57 : memref<10080x128xf32, #tpu.memory_space<vmem_shared>>) offsets(%dma_start3A_54 : memref<80xi32, #tpu.memory_space<vmem>>) semaphore(%arg15 : memref<!tpu.dma_semaphore, #tpu.memory_space<semaphore_mem>>) {add = true}
    %scan3A = arith.constant 0 : i32
    %scan3A_58 = arith.constant 0 : i32
    %scan3A_59 = arith.constant 15 : i32
    %scan3A_60 = arith.addi %scan3A_58, %scan3A_59 : i32
    %scan3A_61 = arith.constant 1 : i32
    scf.for %scan3A_126 = %scan3A_58 to %scan3A_60 step %scan3A_61  : i32 {
      %mul3A_127 = arith.constant 8 : i32
      %mul3A_128 = arith.muli %scan3A_126, %mul3A_127 : i32
      %add3A_129 = arith.constant 0 : i32
      %add3A_130 = arith.addi %mul3A_128, %add3A_129 : i32
      %dma_wait3A_131 = arith.constant 0 : i32
      %dma_wait3A_132 = tpu.memref_slice %arg6[%add3A_130, %dma_wait3A_131] : memref<128x80xi32, #tpu.memory_space<vmem>> -> memref<1x80xi32, #tpu.memory_space<vmem>>
      %dma_wait3A_133 = tpu.memref_squeeze %dma_wait3A_132 : memref<1x80xi32, #tpu.memory_space<vmem>> -> memref<80xi32, #tpu.memory_space<vmem>>
      %dma_wait3A_134 = arith.constant 0 : i32
      %dma_wait3A_135 = arith.constant 0 : i32
      %dma_wait3A_136 = tpu.memref_slice %arg16[%dma_wait3A_134, %dma_wait3A_135] : memref<10080x128xf32, #tpu.memory_space<vmem_shared>> -> memref<10080x128xf32, #tpu.memory_space<vmem_shared>>
      tpu.wait_indirect_dma semaphore(%arg8 : memref<!tpu.dma_semaphore, #tpu.memory_space<semaphore_mem>>) src(%arg7 : memref<80x128xf32, #tpu.memory_space<vmem>>) dst(%dma_wait3A_136 : memref<10080x128xf32, #tpu.memory_space<vmem_shared>>)
      %add3A_137 = arith.constant 8 : i32
      %add3A_138 = arith.addi %mul3A_128, %add3A_137 : i32
      %add3A_139 = arith.constant 0 : i32
      %add3A_140 = arith.addi %add3A_138, %add3A_139 : i32
      %dma_start3A_141 = arith.constant 0 : i32
      %dma_start3A_142 = tpu.memref_slice %arg6[%add3A_140, %dma_start3A_141] : memref<128x80xi32, #tpu.memory_space<vmem>> -> memref<1x80xi32, #tpu.memory_space<vmem>>
      %dma_start3A_143 = tpu.memref_squeeze %dma_start3A_142 : memref<1x80xi32, #tpu.memory_space<vmem>> -> memref<80xi32, #tpu.memory_space<vmem>>
      %dma_start3A_144 = arith.constant 0 : i32
      %dma_start3A_145 = arith.constant 0 : i32
      %dma_start3A_146 = tpu.memref_slice %arg16[%dma_start3A_144, %dma_start3A_145] : memref<10080x128xf32, #tpu.memory_space<vmem_shared>> -> memref<10080x128xf32, #tpu.memory_space<vmem_shared>>
      tpu.enqueue_indirect_dma source(%arg7 : memref<80x128xf32, #tpu.memory_space<vmem>>) target(%dma_start3A_146 : memref<10080x128xf32, #tpu.memory_space<vmem_shared>>) offsets(%dma_start3A_143 : memref<80xi32, #tpu.memory_space<vmem>>) semaphore(%arg8 : memref<!tpu.dma_semaphore, #tpu.memory_space<semaphore_mem>>) {add = true}
      %add3A_147 = arith.constant 1 : i32
      %add3A_148 = arith.addi %mul3A_128, %add3A_147 : i32
      %dma_wait3A_149 = arith.constant 0 : i32
      %dma_wait3A_150 = tpu.memref_slice %arg6[%add3A_148, %dma_wait3A_149] : memref<128x80xi32, #tpu.memory_space<vmem>> -> memref<1x80xi32, #tpu.memory_space<vmem>>
      %dma_wait3A_151 = tpu.memref_squeeze %dma_wait3A_150 : memref<1x80xi32, #tpu.memory_space<vmem>> -> memref<80xi32, #tpu.memory_space<vmem>>
      %dma_wait3A_152 = arith.constant 0 : i32
      %dma_wait3A_153 = arith.constant 0 : i32
      %dma_wait3A_154 = tpu.memref_slice %arg16[%dma_wait3A_152, %dma_wait3A_153] : memref<10080x128xf32, #tpu.memory_space<vmem_shared>> -> memref<10080x128xf32, #tpu.memory_space<vmem_shared>>
      tpu.wait_indirect_dma semaphore(%arg9 : memref<!tpu.dma_semaphore, #tpu.memory_space<semaphore_mem>>) src(%arg7 : memref<80x128xf32, #tpu.memory_space<vmem>>) dst(%dma_wait3A_154 : memref<10080x128xf32, #tpu.memory_space<vmem_shared>>)
      %add3A_155 = arith.constant 8 : i32
      %add3A_156 = arith.addi %mul3A_128, %add3A_155 : i32
      %add3A_157 = arith.constant 1 : i32
      %add3A_158 = arith.addi %add3A_156, %add3A_157 : i32
      %dma_start3A_159 = arith.constant 0 : i32
      %dma_start3A_160 = tpu.memref_slice %arg6[%add3A_158, %dma_start3A_159] : memref<128x80xi32, #tpu.memory_space<vmem>> -> memref<1x80xi32, #tpu.memory_space<vmem>>
      %dma_start3A_161 = tpu.memref_squeeze %dma_start3A_160 : memref<1x80xi32, #tpu.memory_space<vmem>> -> memref<80xi32, #tpu.memory_space<vmem>>
      %dma_start3A_162 = arith.constant 0 : i32
      %dma_start3A_163 = arith.constant 0 : i32
      %dma_start3A_164 = tpu.memref_slice %arg16[%dma_start3A_162, %dma_start3A_163] : memref<10080x128xf32, #tpu.memory_space<vmem_shared>> -> memref<10080x128xf32, #tpu.memory_space<vmem_shared>>
      tpu.enqueue_indirect_dma source(%arg7 : memref<80x128xf32, #tpu.memory_space<vmem>>) target(%dma_start3A_164 : memref<10080x128xf32, #tpu.memory_space<vmem_shared>>) offsets(%dma_start3A_161 : memref<80xi32, #tpu.memory_space<vmem>>) semaphore(%arg9 : memref<!tpu.dma_semaphore, #tpu.memory_space<semaphore_mem>>) {add = true}
      %add3A_165 = arith.constant 2 : i32
      %add3A_166 = arith.addi %mul3A_128, %add3A_165 : i32
      %dma_wait3A_167 = arith.constant 0 : i32
      %dma_wait3A_168 = tpu.memref_slice %arg6[%add3A_166, %dma_wait3A_167] : memref<128x80xi32, #tpu.memory_space<vmem>> -> memref<1x80xi32, #tpu.memory_space<vmem>>
      %dma_wait3A_169 = tpu.memref_squeeze %dma_wait3A_168 : memref<1x80xi32, #tpu.memory_space<vmem>> -> memref<80xi32, #tpu.memory_space<vmem>>
      %dma_wait3A_170 = arith.constant 0 : i32
      %dma_wait3A_171 = arith.constant 0 : i32
      %dma_wait3A_172 = tpu.memref_slice %arg16[%dma_wait3A_170, %dma_wait3A_171] : memref<10080x128xf32, #tpu.memory_space<vmem_shared>> -> memref<10080x128xf32, #tpu.memory_space<vmem_shared>>
      tpu.wait_indirect_dma semaphore(%arg10 : memref<!tpu.dma_semaphore, #tpu.memory_space<semaphore_mem>>) src(%arg7 : memref<80x128xf32, #tpu.memory_space<vmem>>) dst(%dma_wait3A_172 : memref<10080x128xf32, #tpu.memory_space<vmem_shared>>)
      %add3A_173 = arith.constant 8 : i32
      %add3A_174 = arith.addi %mul3A_128, %add3A_173 : i32
      %add3A_175 = arith.constant 2 : i32
      %add3A_176 = arith.addi %add3A_174, %add3A_175 : i32
      %dma_start3A_177 = arith.constant 0 : i32
      %dma_start3A_178 = tpu.memref_slice %arg6[%add3A_176, %dma_start3A_177] : memref<128x80xi32, #tpu.memory_space<vmem>> -> memref<1x80xi32, #tpu.memory_space<vmem>>
      %dma_start3A_179 = tpu.memref_squeeze %dma_start3A_178 : memref<1x80xi32, #tpu.memory_space<vmem>> -> memref<80xi32, #tpu.memory_space<vmem>>
      %dma_start3A_180 = arith.constant 0 : i32
      %dma_start3A_181 = arith.constant 0 : i32
      %dma_start3A_182 = tpu.memref_slice %arg16[%dma_start3A_180, %dma_start3A_181] : memref<10080x128xf32, #tpu.memory_space<vmem_shared>> -> memref<10080x128xf32, #tpu.memory_space<vmem_shared>>
      tpu.enqueue_indirect_dma source(%arg7 : memref<80x128xf32, #tpu.memory_space<vmem>>) target(%dma_start3A_182 : memref<10080x128xf32, #tpu.memory_space<vmem_shared>>) offsets(%dma_start3A_179 : memref<80xi32, #tpu.memory_space<vmem>>) semaphore(%arg10 : memref<!tpu.dma_semaphore, #tpu.memory_space<semaphore_mem>>) {add = true}
      %add3A_183 = arith.constant 3 : i32
      %add3A_184 = arith.addi %mul3A_128, %add3A_183 : i32
      %dma_wait3A_185 = arith.constant 0 : i32
      %dma_wait3A_186 = tpu.memref_slice %arg6[%add3A_184, %dma_wait3A_185] : memref<128x80xi32, #tpu.memory_space<vmem>> -> memref<1x80xi32, #tpu.memory_space<vmem>>
      %dma_wait3A_187 = tpu.memref_squeeze %dma_wait3A_186 : memref<1x80xi32, #tpu.memory_space<vmem>> -> memref<80xi32, #tpu.memory_space<vmem>>
      %dma_wait3A_188 = arith.constant 0 : i32
      %dma_wait3A_189 = arith.constant 0 : i32
      %dma_wait3A_190 = tpu.memref_slice %arg16[%dma_wait3A_188, %dma_wait3A_189] : memref<10080x128xf32, #tpu.memory_space<vmem_shared>> -> memref<10080x128xf32, #tpu.memory_space<vmem_shared>>
      tpu.wait_indirect_dma semaphore(%arg11 : memref<!tpu.dma_semaphore, #tpu.memory_space<semaphore_mem>>) src(%arg7 : memref<80x128xf32, #tpu.memory_space<vmem>>) dst(%dma_wait3A_190 : memref<10080x128xf32, #tpu.memory_space<vmem_shared>>)
      %add3A_191 = arith.constant 8 : i32
      %add3A_192 = arith.addi %mul3A_128, %add3A_191 : i32
      %add3A_193 = arith.constant 3 : i32
      %add3A_194 = arith.addi %add3A_192, %add3A_193 : i32
      %dma_start3A_195 = arith.constant 0 : i32
      %dma_start3A_196 = tpu.memref_slice %arg6[%add3A_194, %dma_start3A_195] : memref<128x80xi32, #tpu.memory_space<vmem>> -> memref<1x80xi32, #tpu.memory_space<vmem>>
      %dma_start3A_197 = tpu.memref_squeeze %dma_start3A_196 : memref<1x80xi32, #tpu.memory_space<vmem>> -> memref<80xi32, #tpu.memory_space<vmem>>
      %dma_start3A_198 = arith.constant 0 : i32
      %dma_start3A_199 = arith.constant 0 : i32
      %dma_start3A_200 = tpu.memref_slice %arg16[%dma_start3A_198, %dma_start3A_199] : memref<10080x128xf32, #tpu.memory_space<vmem_shared>> -> memref<10080x128xf32, #tpu.memory_space<vmem_shared>>
      tpu.enqueue_indirect_dma source(%arg7 : memref<80x128xf32, #tpu.memory_space<vmem>>) target(%dma_start3A_200 : memref<10080x128xf32, #tpu.memory_space<vmem_shared>>) offsets(%dma_start3A_197 : memref<80xi32, #tpu.memory_space<vmem>>) semaphore(%arg11 : memref<!tpu.dma_semaphore, #tpu.memory_space<semaphore_mem>>) {add = true}
      %add3A_201 = arith.constant 4 : i32
      %add3A_202 = arith.addi %mul3A_128, %add3A_201 : i32
      %dma_wait3A_203 = arith.constant 0 : i32
      %dma_wait3A_204 = tpu.memref_slice %arg6[%add3A_202, %dma_wait3A_203] : memref<128x80xi32, #tpu.memory_space<vmem>> -> memref<1x80xi32, #tpu.memory_space<vmem>>
      %dma_wait3A_205 = tpu.memref_squeeze %dma_wait3A_204 : memref<1x80xi32, #tpu.memory_space<vmem>> -> memref<80xi32, #tpu.memory_space<vmem>>
      %dma_wait3A_206 = arith.constant 0 : i32
      %dma_wait3A_207 = arith.constant 0 : i32
      %dma_wait3A_208 = tpu.memref_slice %arg16[%dma_wait3A_206, %dma_wait3A_207] : memref<10080x128xf32, #tpu.memory_space<vmem_shared>> -> memref<10080x128xf32, #tpu.memory_space<vmem_shared>>
      tpu.wait_indirect_dma semaphore(%arg12 : memref<!tpu.dma_semaphore, #tpu.memory_space<semaphore_mem>>) src(%arg7 : memref<80x128xf32, #tpu.memory_space<vmem>>) dst(%dma_wait3A_208 : memref<10080x128xf32, #tpu.memory_space<vmem_shared>>)
      %add3A_209 = arith.constant 8 : i32
      %add3A_210 = arith.addi %mul3A_128, %add3A_209 : i32
      %add3A_211 = arith.constant 4 : i32
      %add3A_212 = arith.addi %add3A_210, %add3A_211 : i32
      %dma_start3A_213 = arith.constant 0 : i32
      %dma_start3A_214 = tpu.memref_slice %arg6[%add3A_212, %dma_start3A_213] : memref<128x80xi32, #tpu.memory_space<vmem>> -> memref<1x80xi32, #tpu.memory_space<vmem>>
      %dma_start3A_215 = tpu.memref_squeeze %dma_start3A_214 : memref<1x80xi32, #tpu.memory_space<vmem>> -> memref<80xi32, #tpu.memory_space<vmem>>
      %dma_start3A_216 = arith.constant 0 : i32
      %dma_start3A_217 = arith.constant 0 : i32
      %dma_start3A_218 = tpu.memref_slice %arg16[%dma_start3A_216, %dma_start3A_217] : memref<10080x128xf32, #tpu.memory_space<vmem_shared>> -> memref<10080x128xf32, #tpu.memory_space<vmem_shared>>
      tpu.enqueue_indirect_dma source(%arg7 : memref<80x128xf32, #tpu.memory_space<vmem>>) target(%dma_start3A_218 : memref<10080x128xf32, #tpu.memory_space<vmem_shared>>) offsets(%dma_start3A_215 : memref<80xi32, #tpu.memory_space<vmem>>) semaphore(%arg12 : memref<!tpu.dma_semaphore, #tpu.memory_space<semaphore_mem>>) {add = true}
      %add3A_219 = arith.constant 5 : i32
      %add3A_220 = arith.addi %mul3A_128, %add3A_219 : i32
      %dma_wait3A_221 = arith.constant 0 : i32
      %dma_wait3A_222 = tpu.memref_slice %arg6[%add3A_220, %dma_wait3A_221] : memref<128x80xi32, #tpu.memory_space<vmem>> -> memref<1x80xi32, #tpu.memory_space<vmem>>
      %dma_wait3A_223 = tpu.memref_squeeze %dma_wait3A_222 : memref<1x80xi32, #tpu.memory_space<vmem>> -> memref<80xi32, #tpu.memory_space<vmem>>
      %dma_wait3A_224 = arith.constant 0 : i32
      %dma_wait3A_225 = arith.constant 0 : i32
      %dma_wait3A_226 = tpu.memref_slice %arg16[%dma_wait3A_224, %dma_wait3A_225] : memref<10080x128xf32, #tpu.memory_space<vmem_shared>> -> memref<10080x128xf32, #tpu.memory_space<vmem_shared>>
      tpu.wait_indirect_dma semaphore(%arg13 : memref<!tpu.dma_semaphore, #tpu.memory_space<semaphore_mem>>) src(%arg7 : memref<80x128xf32, #tpu.memory_space<vmem>>) dst(%dma_wait3A_226 : memref<10080x128xf32, #tpu.memory_space<vmem_shared>>)
      %add3A_227 = arith.constant 8 : i32
      %add3A_228 = arith.addi %mul3A_128, %add3A_227 : i32
      %add3A_229 = arith.constant 5 : i32
      %add3A_230 = arith.addi %add3A_228, %add3A_229 : i32
      %dma_start3A_231 = arith.constant 0 : i32
      %dma_start3A_232 = tpu.memref_slice %arg6[%add3A_230, %dma_start3A_231] : memref<128x80xi32, #tpu.memory_space<vmem>> -> memref<1x80xi32, #tpu.memory_space<vmem>>
      %dma_start3A_233 = tpu.memref_squeeze %dma_start3A_232 : memref<1x80xi32, #tpu.memory_space<vmem>> -> memref<80xi32, #tpu.memory_space<vmem>>
      %dma_start3A_234 = arith.constant 0 : i32
      %dma_start3A_235 = arith.constant 0 : i32
      %dma_start3A_236 = tpu.memref_slice %arg16[%dma_start3A_234, %dma_start3A_235] : memref<10080x128xf32, #tpu.memory_space<vmem_shared>> -> memref<10080x128xf32, #tpu.memory_space<vmem_shared>>
      tpu.enqueue_indirect_dma source(%arg7 : memref<80x128xf32, #tpu.memory_space<vmem>>) target(%dma_start3A_236 : memref<10080x128xf32, #tpu.memory_space<vmem_shared>>) offsets(%dma_start3A_233 : memref<80xi32, #tpu.memory_space<vmem>>) semaphore(%arg13 : memref<!tpu.dma_semaphore, #tpu.memory_space<semaphore_mem>>) {add = true}
      %add3A_237 = arith.constant 6 : i32
      %add3A_238 = arith.addi %mul3A_128, %add3A_237 : i32
      %dma_wait3A_239 = arith.constant 0 : i32
      %dma_wait3A_240 = tpu.memref_slice %arg6[%add3A_238, %dma_wait3A_239] : memref<128x80xi32, #tpu.memory_space<vmem>> -> memref<1x80xi32, #tpu.memory_space<vmem>>
      %dma_wait3A_241 = tpu.memref_squeeze %dma_wait3A_240 : memref<1x80xi32, #tpu.memory_space<vmem>> -> memref<80xi32, #tpu.memory_space<vmem>>
      %dma_wait3A_242 = arith.constant 0 : i32
      %dma_wait3A_243 = arith.constant 0 : i32
      %dma_wait3A_244 = tpu.memref_slice %arg16[%dma_wait3A_242, %dma_wait3A_243] : memref<10080x128xf32, #tpu.memory_space<vmem_shared>> -> memref<10080x128xf32, #tpu.memory_space<vmem_shared>>
      tpu.wait_indirect_dma semaphore(%arg14 : memref<!tpu.dma_semaphore, #tpu.memory_space<semaphore_mem>>) src(%arg7 : memref<80x128xf32, #tpu.memory_space<vmem>>) dst(%dma_wait3A_244 : memref<10080x128xf32, #tpu.memory_space<vmem_shared>>)
      %add3A_245 = arith.constant 8 : i32
      %add3A_246 = arith.addi %mul3A_128, %add3A_245 : i32
      %add3A_247 = arith.constant 6 : i32
      %add3A_248 = arith.addi %add3A_246, %add3A_247 : i32
      %dma_start3A_249 = arith.constant 0 : i32
      %dma_start3A_250 = tpu.memref_slice %arg6[%add3A_248, %dma_start3A_249] : memref<128x80xi32, #tpu.memory_space<vmem>> -> memref<1x80xi32, #tpu.memory_space<vmem>>
      %dma_start3A_251 = tpu.memref_squeeze %dma_start3A_250 : memref<1x80xi32, #tpu.memory_space<vmem>> -> memref<80xi32, #tpu.memory_space<vmem>>
      %dma_start3A_252 = arith.constant 0 : i32
      %dma_start3A_253 = arith.constant 0 : i32
      %dma_start3A_254 = tpu.memref_slice %arg16[%dma_start3A_252, %dma_start3A_253] : memref<10080x128xf32, #tpu.memory_space<vmem_shared>> -> memref<10080x128xf32, #tpu.memory_space<vmem_shared>>
      tpu.enqueue_indirect_dma source(%arg7 : memref<80x128xf32, #tpu.memory_space<vmem>>) target(%dma_start3A_254 : memref<10080x128xf32, #tpu.memory_space<vmem_shared>>) offsets(%dma_start3A_251 : memref<80xi32, #tpu.memory_space<vmem>>) semaphore(%arg14 : memref<!tpu.dma_semaphore, #tpu.memory_space<semaphore_mem>>) {add = true}
      %add3A_255 = arith.constant 7 : i32
      %add3A_256 = arith.addi %mul3A_128, %add3A_255 : i32
      %dma_wait3A_257 = arith.constant 0 : i32
      %dma_wait3A_258 = tpu.memref_slice %arg6[%add3A_256, %dma_wait3A_257] : memref<128x80xi32, #tpu.memory_space<vmem>> -> memref<1x80xi32, #tpu.memory_space<vmem>>
      %dma_wait3A_259 = tpu.memref_squeeze %dma_wait3A_258 : memref<1x80xi32, #tpu.memory_space<vmem>> -> memref<80xi32, #tpu.memory_space<vmem>>
      %dma_wait3A_260 = arith.constant 0 : i32
      %dma_wait3A_261 = arith.constant 0 : i32
      %dma_wait3A_262 = tpu.memref_slice %arg16[%dma_wait3A_260, %dma_wait3A_261] : memref<10080x128xf32, #tpu.memory_space<vmem_shared>> -> memref<10080x128xf32, #tpu.memory_space<vmem_shared>>
      tpu.wait_indirect_dma semaphore(%arg15 : memref<!tpu.dma_semaphore, #tpu.memory_space<semaphore_mem>>) src(%arg7 : memref<80x128xf32, #tpu.memory_space<vmem>>) dst(%dma_wait3A_262 : memref<10080x128xf32, #tpu.memory_space<vmem_shared>>)
      %add3A_263 = arith.constant 8 : i32
      %add3A_264 = arith.addi %mul3A_128, %add3A_263 : i32
      %add3A_265 = arith.constant 7 : i32
      %add3A_266 = arith.addi %add3A_264, %add3A_265 : i32
      %dma_start3A_267 = arith.constant 0 : i32
      %dma_start3A_268 = tpu.memref_slice %arg6[%add3A_266, %dma_start3A_267] : memref<128x80xi32, #tpu.memory_space<vmem>> -> memref<1x80xi32, #tpu.memory_space<vmem>>
      %dma_start3A_269 = tpu.memref_squeeze %dma_start3A_268 : memref<1x80xi32, #tpu.memory_space<vmem>> -> memref<80xi32, #tpu.memory_space<vmem>>
      %dma_start3A_270 = arith.constant 0 : i32
      %dma_start3A_271 = arith.constant 0 : i32
      %dma_start3A_272 = tpu.memref_slice %arg16[%dma_start3A_270, %dma_start3A_271] : memref<10080x128xf32, #tpu.memory_space<vmem_shared>> -> memref<10080x128xf32, #tpu.memory_space<vmem_shared>>
      tpu.enqueue_indirect_dma source(%arg7 : memref<80x128xf32, #tpu.memory_space<vmem>>) target(%dma_start3A_272 : memref<10080x128xf32, #tpu.memory_space<vmem_shared>>) offsets(%dma_start3A_269 : memref<80xi32, #tpu.memory_space<vmem>>) semaphore(%arg15 : memref<!tpu.dma_semaphore, #tpu.memory_space<semaphore_mem>>) {add = true}
    }
    %scan3A_62 = arith.constant 15 : i32
    %dma_wait3A = arith.constant 120 : i32
    %dma_wait3A_63 = arith.constant 0 : i32
    %dma_wait3A_64 = tpu.memref_slice %arg6[%dma_wait3A, %dma_wait3A_63] : memref<128x80xi32, #tpu.memory_space<vmem>> -> memref<1x80xi32, #tpu.memory_space<vmem>>
    %dma_wait3A_65 = tpu.memref_squeeze %dma_wait3A_64 : memref<1x80xi32, #tpu.memory_space<vmem>> -> memref<80xi32, #tpu.memory_space<vmem>>
    %dma_wait3A_66 = arith.constant 0 : i32
    %dma_wait3A_67 = arith.constant 0 : i32
    %dma_wait3A_68 = tpu.memref_slice %arg16[%dma_wait3A_66, %dma_wait3A_67] : memref<10080x128xf32, #tpu.memory_space<vmem_shared>> -> memref<10080x128xf32, #tpu.memory_space<vmem_shared>>
    tpu.wait_indirect_dma semaphore(%arg8 : memref<!tpu.dma_semaphore, #tpu.memory_space<semaphore_mem>>) src(%arg7 : memref<80x128xf32, #tpu.memory_space<vmem>>) dst(%dma_wait3A_68 : memref<10080x128xf32, #tpu.memory_space<vmem_shared>>)
    %dma_wait3A_69 = arith.constant 121 : i32
    %dma_wait3A_70 = arith.constant 0 : i32
    %dma_wait3A_71 = tpu.memref_slice %arg6[%dma_wait3A_69, %dma_wait3A_70] : memref<128x80xi32, #tpu.memory_space<vmem>> -> memref<1x80xi32, #tpu.memory_space<vmem>>
    %dma_wait3A_72 = tpu.memref_squeeze %dma_wait3A_71 : memref<1x80xi32, #tpu.memory_space<vmem>> -> memref<80xi32, #tpu.memory_space<vmem>>
    %dma_wait3A_73 = arith.constant 0 : i32
    %dma_wait3A_74 = arith.constant 0 : i32
    %dma_wait3A_75 = tpu.memref_slice %arg16[%dma_wait3A_73, %dma_wait3A_74] : memref<10080x128xf32, #tpu.memory_space<vmem_shared>> -> memref<10080x128xf32, #tpu.memory_space<vmem_shared>>
    tpu.wait_indirect_dma semaphore(%arg9 : memref<!tpu.dma_semaphore, #tpu.memory_space<semaphore_mem>>) src(%arg7 : memref<80x128xf32, #tpu.memory_space<vmem>>) dst(%dma_wait3A_75 : memref<10080x128xf32, #tpu.memory_space<vmem_shared>>)
    %dma_wait3A_76 = arith.constant 122 : i32
    %dma_wait3A_77 = arith.constant 0 : i32
    %dma_wait3A_78 = tpu.memref_slice %arg6[%dma_wait3A_76, %dma_wait3A_77] : memref<128x80xi32, #tpu.memory_space<vmem>> -> memref<1x80xi32, #tpu.memory_space<vmem>>
    %dma_wait3A_79 = tpu.memref_squeeze %dma_wait3A_78 : memref<1x80xi32, #tpu.memory_space<vmem>> -> memref<80xi32, #tpu.memory_space<vmem>>
    %dma_wait3A_80 = arith.constant 0 : i32
    %dma_wait3A_81 = arith.constant 0 : i32
    %dma_wait3A_82 = tpu.memref_slice %arg16[%dma_wait3A_80, %dma_wait3A_81] : memref<10080x128xf32, #tpu.memory_space<vmem_shared>> -> memref<10080x128xf32, #tpu.memory_space<vmem_shared>>
    tpu.wait_indirect_dma semaphore(%arg10 : memref<!tpu.dma_semaphore, #tpu.memory_space<semaphore_mem>>) src(%arg7 : memref<80x128xf32, #tpu.memory_space<vmem>>) dst(%dma_wait3A_82 : memref<10080x128xf32, #tpu.memory_space<vmem_shared>>)
    %dma_wait3A_83 = arith.constant 123 : i32
    %dma_wait3A_84 = arith.constant 0 : i32
    %dma_wait3A_85 = tpu.memref_slice %arg6[%dma_wait3A_83, %dma_wait3A_84] : memref<128x80xi32, #tpu.memory_space<vmem>> -> memref<1x80xi32, #tpu.memory_space<vmem>>
    %dma_wait3A_86 = tpu.memref_squeeze %dma_wait3A_85 : memref<1x80xi32, #tpu.memory_space<vmem>> -> memref<80xi32, #tpu.memory_space<vmem>>
    %dma_wait3A_87 = arith.constant 0 : i32
    %dma_wait3A_88 = arith.constant 0 : i32
    %dma_wait3A_89 = tpu.memref_slice %arg16[%dma_wait3A_87, %dma_wait3A_88] : memref<10080x128xf32, #tpu.memory_space<vmem_shared>> -> memref<10080x128xf32, #tpu.memory_space<vmem_shared>>
    tpu.wait_indirect_dma semaphore(%arg11 : memref<!tpu.dma_semaphore, #tpu.memory_space<semaphore_mem>>) src(%arg7 : memref<80x128xf32, #tpu.memory_space<vmem>>) dst(%dma_wait3A_89 : memref<10080x128xf32, #tpu.memory_space<vmem_shared>>)
    %dma_wait3A_90 = arith.constant 124 : i32
    %dma_wait3A_91 = arith.constant 0 : i32
    %dma_wait3A_92 = tpu.memref_slice %arg6[%dma_wait3A_90, %dma_wait3A_91] : memref<128x80xi32, #tpu.memory_space<vmem>> -> memref<1x80xi32, #tpu.memory_space<vmem>>
    %dma_wait3A_93 = tpu.memref_squeeze %dma_wait3A_92 : memref<1x80xi32, #tpu.memory_space<vmem>> -> memref<80xi32, #tpu.memory_space<vmem>>
    %dma_wait3A_94 = arith.constant 0 : i32
    %dma_wait3A_95 = arith.constant 0 : i32
    %dma_wait3A_96 = tpu.memref_slice %arg16[%dma_wait3A_94, %dma_wait3A_95] : memref<10080x128xf32, #tpu.memory_space<vmem_shared>> -> memref<10080x128xf32, #tpu.memory_space<vmem_shared>>
    tpu.wait_indirect_dma semaphore(%arg12 : memref<!tpu.dma_semaphore, #tpu.memory_space<semaphore_mem>>) src(%arg7 : memref<80x128xf32, #tpu.memory_space<vmem>>) dst(%dma_wait3A_96 : memref<10080x128xf32, #tpu.memory_space<vmem_shared>>)
    %dma_wait3A_97 = arith.constant 125 : i32
    %dma_wait3A_98 = arith.constant 0 : i32
    %dma_wait3A_99 = tpu.memref_slice %arg6[%dma_wait3A_97, %dma_wait3A_98] : memref<128x80xi32, #tpu.memory_space<vmem>> -> memref<1x80xi32, #tpu.memory_space<vmem>>
    %dma_wait3A_100 = tpu.memref_squeeze %dma_wait3A_99 : memref<1x80xi32, #tpu.memory_space<vmem>> -> memref<80xi32, #tpu.memory_space<vmem>>
    %dma_wait3A_101 = arith.constant 0 : i32
    %dma_wait3A_102 = arith.constant 0 : i32
    %dma_wait3A_103 = tpu.memref_slice %arg16[%dma_wait3A_101, %dma_wait3A_102] : memref<10080x128xf32, #tpu.memory_space<vmem_shared>> -> memref<10080x128xf32, #tpu.memory_space<vmem_shared>>
    tpu.wait_indirect_dma semaphore(%arg13 : memref<!tpu.dma_semaphore, #tpu.memory_space<semaphore_mem>>) src(%arg7 : memref<80x128xf32, #tpu.memory_space<vmem>>) dst(%dma_wait3A_103 : memref<10080x128xf32, #tpu.memory_space<vmem_shared>>)
    %dma_wait3A_104 = arith.constant 126 : i32
    %dma_wait3A_105 = arith.constant 0 : i32
    %dma_wait3A_106 = tpu.memref_slice %arg6[%dma_wait3A_104, %dma_wait3A_105] : memref<128x80xi32, #tpu.memory_space<vmem>> -> memref<1x80xi32, #tpu.memory_space<vmem>>
    %dma_wait3A_107 = tpu.memref_squeeze %dma_wait3A_106 : memref<1x80xi32, #tpu.memory_space<vmem>> -> memref<80xi32, #tpu.memory_space<vmem>>
    %dma_wait3A_108 = arith.constant 0 : i32
    %dma_wait3A_109 = arith.constant 0 : i32
    %dma_wait3A_110 = tpu.memref_slice %arg16[%dma_wait3A_108, %dma_wait3A_109] : memref<10080x128xf32, #tpu.memory_space<vmem_shared>> -> memref<10080x128xf32, #tpu.memory_space<vmem_shared>>
    tpu.wait_indirect_dma semaphore(%arg14 : memref<!tpu.dma_semaphore, #tpu.memory_space<semaphore_mem>>) src(%arg7 : memref<80x128xf32, #tpu.memory_space<vmem>>) dst(%dma_wait3A_110 : memref<10080x128xf32, #tpu.memory_space<vmem_shared>>)
    %dma_wait3A_111 = arith.constant 127 : i32
    %dma_wait3A_112 = arith.constant 0 : i32
    %dma_wait3A_113 = tpu.memref_slice %arg6[%dma_wait3A_111, %dma_wait3A_112] : memref<128x80xi32, #tpu.memory_space<vmem>> -> memref<1x80xi32, #tpu.memory_space<vmem>>
    %dma_wait3A_114 = tpu.memref_squeeze %dma_wait3A_113 : memref<1x80xi32, #tpu.memory_space<vmem>> -> memref<80xi32, #tpu.memory_space<vmem>>
    %dma_wait3A_115 = arith.constant 0 : i32
    %dma_wait3A_116 = arith.constant 0 : i32
    %dma_wait3A_117 = tpu.memref_slice %arg16[%dma_wait3A_115, %dma_wait3A_116] : memref<10080x128xf32, #tpu.memory_space<vmem_shared>> -> memref<10080x128xf32, #tpu.memory_space<vmem_shared>>
    tpu.wait_indirect_dma semaphore(%arg15 : memref<!tpu.dma_semaphore, #tpu.memory_space<semaphore_mem>>) src(%arg7 : memref<80x128xf32, #tpu.memory_space<vmem>>) dst(%dma_wait3A_117 : memref<10080x128xf32, #tpu.memory_space<vmem_shared>>)
    %barrier3A_118 = arith.constant 0 : index
    tpu.barrier barrier_id(%barrier3A_118)
    %mul3A_119 = arith.constant 10000 : i32
    %mul3A_120 = arith.muli %arg0, %mul3A_119 : i32
    %mul3A_121 = arith.constant 624 : i32
    %mul3A_122 = arith.muli %arg1, %mul3A_121 : i32
    %add3A_123 = arith.addi %mul3A_120, %mul3A_122 : i32
    %mul3A_124 = arith.constant 624 : i32
    %mul3A_125 = arith.muli %arg1, %mul3A_124 : i32
    "tpu.region"() ({
      %run_scoped3A = tpu.sem_alloc : memref<!tpu.dma_semaphore, #tpu.memory_space<semaphore_mem>>
      %dma_start3A_126 = arith.constant 0 : i32
      %dma_start3A_127 = tpu.memref_slice %arg5[%add3A_123, %dma_start3A_126] : memref<20000x128xf32, #tpu.memory_space<hbm>> -> memref<640x128xf32, #tpu.memory_space<hbm>>
      %dma_start3A_128 = arith.constant 0 : i32
      %dma_start3A_129 = tpu.memref_slice %arg16[%mul3A_125, %dma_start3A_128] : memref<10080x128xf32, #tpu.memory_space<vmem_shared>> -> memref<640x128xf32, #tpu.memory_space<vmem_shared>>
      tpu.enqueue_dma source(%dma_start3A_129 : memref<640x128xf32, #tpu.memory_space<vmem_shared>>) target(%dma_start3A_127 : memref<640x128xf32, #tpu.memory_space<hbm>>) target_semaphore(%run_scoped3A : memref<!tpu.dma_semaphore, #tpu.memory_space<semaphore_mem>>)
      %dma_wait3A_130 = arith.constant 0 : i32
      %dma_wait3A_131 = tpu.memref_slice %arg5[%add3A_123, %dma_wait3A_130] : memref<20000x128xf32, #tpu.memory_space<hbm>> -> memref<640x128xf32, #tpu.memory_space<hbm>>
      %dma_wait3A_132 = arith.constant 0 : i32
      %dma_wait3A_133 = tpu.memref_slice %arg16[%mul3A_125, %dma_wait3A_132] : memref<10080x128xf32, #tpu.memory_space<vmem_shared>> -> memref<640x128xf32, #tpu.memory_space<vmem_shared>>
      tpu.wait_dma2 semaphore(%run_scoped3A : memref<!tpu.dma_semaphore, #tpu.memory_space<semaphore_mem>>) src(%dma_wait3A_133 : memref<640x128xf32, #tpu.memory_space<vmem_shared>>) dst(%dma_wait3A_131 : memref<640x128xf32, #tpu.memory_space<hbm>>)
      tpu.yield
    }) : () -> ()
    return
  }
}

#map = affine_map<(d0, d1) -> (0, 0)>
#map1 = affine_map<(d0, d1) -> (0, 0, 0)>
module attributes {stable_mosaic.version = 14 : i64} {
  func.func @_sc_agg_body(%arg0: i32, %arg1: i32, %arg2: memref<10000x128xf32, #tpu.memory_space<hbm>>, %arg3: memref<32x128x80xi32, #tpu.memory_space<hbm>>, %arg4: memref<32x128x80xi32, #tpu.memory_space<hbm>>, %arg5: memref<640x128xf32, #tpu.memory_space<hbm>>, %arg6: memref<20000x128xf32, #tpu.memory_space<hbm>>, %arg7: memref<32x80xi32, #tpu.memory_space<vmem>>, %arg8: memref<32x80xi32, #tpu.memory_space<vmem>>, %arg9: memref<80x128xf32, #tpu.memory_space<vmem>>, %arg10: memref<80x128xf32, #tpu.memory_space<vmem>>, %arg11: memref<80x128xf32, #tpu.memory_space<vmem>>, %arg12: memref<80x128xf32, #tpu.memory_space<vmem>>, %arg13: memref<!tpu.dma_semaphore, #tpu.memory_space<semaphore_mem>>, %arg14: memref<!tpu.dma_semaphore, #tpu.memory_space<semaphore_mem>>, %arg15: memref<!tpu.dma_semaphore, #tpu.memory_space<semaphore_mem>>, %arg16: memref<!tpu.dma_semaphore, #tpu.memory_space<semaphore_mem>>, %arg17: memref<!tpu.dma_semaphore, #tpu.memory_space<semaphore_mem>>, %arg18: memref<!tpu.dma_semaphore, #tpu.memory_space<semaphore_mem>>, %arg19: memref<!tpu.dma_semaphore, #tpu.memory_space<semaphore_mem>>, %arg20: memref<!tpu.dma_semaphore, #tpu.memory_space<semaphore_mem>>, %arg21: memref<10080x128xf32, #tpu.memory_space<vmem_shared>>) attributes {dimension_semantics = [#tpu.dimension_semantics<core_parallel>, #tpu.dimension_semantics<subcore_parallel>], iteration_bounds = array<i64: 2, 16>, scalar_prefetch = 0 : i64, scratch_operands = 15 : i64, tpu.core_type = #tpu.core_type<sc_vector_subcore>, window_params = [{transform_indices = #map}, {transform_indices = #map1}, {transform_indices = #map1}, {transform_indices = #map}, {transform_indices = #map}]} {
    %mul3A = arith.constant 2 : i32
    %mul3A_0 = arith.muli %arg1, %mul3A : i32
    %add3A = arith.addi %mul3A_0, %arg0 : i32
    %mul3A_1 = arith.constant 624 : i32
    %mul3A_2 = arith.muli %arg1, %mul3A_1 : i32
    "tpu.region"() ({
      %run_scoped3A = tpu.sem_alloc : memref<!tpu.dma_semaphore, #tpu.memory_space<semaphore_mem>>
      %dma_start3A = arith.constant 0 : i32
      %dma_start3A_16 = tpu.memref_slice %arg21[%mul3A_2, %dma_start3A] : memref<10080x128xf32, #tpu.memory_space<vmem_shared>> -> memref<640x128xf32, #tpu.memory_space<vmem_shared>>
      tpu.enqueue_dma source(%arg5 : memref<640x128xf32, #tpu.memory_space<hbm>>) target(%dma_start3A_16 : memref<640x128xf32, #tpu.memory_space<vmem_shared>>) target_semaphore(%run_scoped3A : memref<!tpu.dma_semaphore, #tpu.memory_space<semaphore_mem>>)
      %dma_wait3A = arith.constant 0 : i32
      %dma_wait3A_17 = tpu.memref_slice %arg21[%mul3A_2, %dma_wait3A] : memref<10080x128xf32, #tpu.memory_space<vmem_shared>> -> memref<640x128xf32, #tpu.memory_space<vmem_shared>>
      tpu.wait_dma2 semaphore(%run_scoped3A : memref<!tpu.dma_semaphore, #tpu.memory_space<semaphore_mem>>) src(%arg5 : memref<640x128xf32, #tpu.memory_space<hbm>>) dst(%dma_wait3A_17 : memref<640x128xf32, #tpu.memory_space<vmem_shared>>)
      tpu.yield
    }) : () -> ()
    %barrier3A = arith.constant 0 : index
    tpu.barrier barrier_id(%barrier3A)
    %scan3A = arith.constant 0 : i32
    %scan3A_3 = arith.constant 0 : i32
    %scan3A_4 = arith.constant 4 : i32
    %scan3A_5 = arith.addi %scan3A_3, %scan3A_4 : i32
    %scan3A_6 = arith.constant 1 : i32
    scf.for %scan3A_16 = %scan3A_3 to %scan3A_5 step %scan3A_6  : i32 {
      %mul3A_17 = arith.constant 32 : i32
      %mul3A_18 = arith.muli %scan3A_16, %mul3A_17 : i32
      "tpu.region"() ({
        %run_scoped3A = tpu.sem_alloc : memref<!tpu.dma_semaphore, #tpu.memory_space<semaphore_mem>>
        %dma_start3A_137 = arith.constant 0 : i32
        %dma_start3A_138 = tpu.memref_slice %arg3[%add3A, %mul3A_18, %dma_start3A_137] : memref<32x128x80xi32, #tpu.memory_space<hbm>> -> memref<1x32x80xi32, #tpu.memory_space<hbm>>
        %dma_start3A_139 = tpu.memref_squeeze %dma_start3A_138 : memref<1x32x80xi32, #tpu.memory_space<hbm>> -> memref<32x80xi32, #tpu.memory_space<hbm>>
        %dma_start3A_140 = arith.constant 0 : i32
        %dma_start3A_141 = tpu.memref_slice %arg3[%add3A, %mul3A_18, %dma_start3A_140] : memref<32x128x80xi32, #tpu.memory_space<hbm>> -> memref<1x32x80xi32, #tpu.memory_space<hbm>>
        %dma_start3A_142 = tpu.memref_squeeze %dma_start3A_141 : memref<1x32x80xi32, #tpu.memory_space<hbm>> -> memref<32x80xi32, #tpu.memory_space<hbm>>
        tpu.enqueue_dma source(%dma_start3A_142 : memref<32x80xi32, #tpu.memory_space<hbm>>) target(%arg7 : memref<32x80xi32, #tpu.memory_space<vmem>>) target_semaphore(%run_scoped3A : memref<!tpu.dma_semaphore, #tpu.memory_space<semaphore_mem>>)
        %dma_wait3A_143 = arith.constant 0 : i32
        %dma_wait3A_144 = tpu.memref_slice %arg3[%add3A, %mul3A_18, %dma_wait3A_143] : memref<32x128x80xi32, #tpu.memory_space<hbm>> -> memref<1x32x80xi32, #tpu.memory_space<hbm>>
        %dma_wait3A_145 = tpu.memref_squeeze %dma_wait3A_144 : memref<1x32x80xi32, #tpu.memory_space<hbm>> -> memref<32x80xi32, #tpu.memory_space<hbm>>
        %dma_wait3A_146 = arith.constant 0 : i32
        %dma_wait3A_147 = tpu.memref_slice %arg3[%add3A, %mul3A_18, %dma_wait3A_146] : memref<32x128x80xi32, #tpu.memory_space<hbm>> -> memref<1x32x80xi32, #tpu.memory_space<hbm>>
        %dma_wait3A_148 = tpu.memref_squeeze %dma_wait3A_147 : memref<1x32x80xi32, #tpu.memory_space<hbm>> -> memref<32x80xi32, #tpu.memory_space<hbm>>
        tpu.wait_dma2 semaphore(%run_scoped3A : memref<!tpu.dma_semaphore, #tpu.memory_space<semaphore_mem>>) src(%dma_wait3A_148 : memref<32x80xi32, #tpu.memory_space<hbm>>) dst(%arg7 : memref<32x80xi32, #tpu.memory_space<vmem>>)
        tpu.yield
      }) : () -> ()
      %mul3A_19 = arith.constant 32 : i32
      %mul3A_20 = arith.muli %scan3A_16, %mul3A_19 : i32
      "tpu.region"() ({
        %run_scoped3A = tpu.sem_alloc : memref<!tpu.dma_semaphore, #tpu.memory_space<semaphore_mem>>
        %dma_start3A_137 = arith.constant 0 : i32
        %dma_start3A_138 = tpu.memref_slice %arg4[%add3A, %mul3A_20, %dma_start3A_137] : memref<32x128x80xi32, #tpu.memory_space<hbm>> -> memref<1x32x80xi32, #tpu.memory_space<hbm>>
        %dma_start3A_139 = tpu.memref_squeeze %dma_start3A_138 : memref<1x32x80xi32, #tpu.memory_space<hbm>> -> memref<32x80xi32, #tpu.memory_space<hbm>>
        %dma_start3A_140 = arith.constant 0 : i32
        %dma_start3A_141 = tpu.memref_slice %arg4[%add3A, %mul3A_20, %dma_start3A_140] : memref<32x128x80xi32, #tpu.memory_space<hbm>> -> memref<1x32x80xi32, #tpu.memory_space<hbm>>
        %dma_start3A_142 = tpu.memref_squeeze %dma_start3A_141 : memref<1x32x80xi32, #tpu.memory_space<hbm>> -> memref<32x80xi32, #tpu.memory_space<hbm>>
        tpu.enqueue_dma source(%dma_start3A_142 : memref<32x80xi32, #tpu.memory_space<hbm>>) target(%arg8 : memref<32x80xi32, #tpu.memory_space<vmem>>) target_semaphore(%run_scoped3A : memref<!tpu.dma_semaphore, #tpu.memory_space<semaphore_mem>>)
        %dma_wait3A_143 = arith.constant 0 : i32
        %dma_wait3A_144 = tpu.memref_slice %arg4[%add3A, %mul3A_20, %dma_wait3A_143] : memref<32x128x80xi32, #tpu.memory_space<hbm>> -> memref<1x32x80xi32, #tpu.memory_space<hbm>>
        %dma_wait3A_145 = tpu.memref_squeeze %dma_wait3A_144 : memref<1x32x80xi32, #tpu.memory_space<hbm>> -> memref<32x80xi32, #tpu.memory_space<hbm>>
        %dma_wait3A_146 = arith.constant 0 : i32
        %dma_wait3A_147 = tpu.memref_slice %arg4[%add3A, %mul3A_20, %dma_wait3A_146] : memref<32x128x80xi32, #tpu.memory_space<hbm>> -> memref<1x32x80xi32, #tpu.memory_space<hbm>>
        %dma_wait3A_148 = tpu.memref_squeeze %dma_wait3A_147 : memref<1x32x80xi32, #tpu.memory_space<hbm>> -> memref<32x80xi32, #tpu.memory_space<hbm>>
        tpu.wait_dma2 semaphore(%run_scoped3A : memref<!tpu.dma_semaphore, #tpu.memory_space<semaphore_mem>>) src(%dma_wait3A_148 : memref<32x80xi32, #tpu.memory_space<hbm>>) dst(%arg8 : memref<32x80xi32, #tpu.memory_space<vmem>>)
        tpu.yield
      }) : () -> ()
      %dma_start3A = arith.constant 0 : i32
      %dma_start3A_21 = arith.constant 0 : i32
      %dma_start3A_22 = tpu.memref_slice %arg7[%dma_start3A, %dma_start3A_21] : memref<32x80xi32, #tpu.memory_space<vmem>> -> memref<1x80xi32, #tpu.memory_space<vmem>>
      %dma_start3A_23 = tpu.memref_squeeze %dma_start3A_22 : memref<1x80xi32, #tpu.memory_space<vmem>> -> memref<80xi32, #tpu.memory_space<vmem>>
      %dma_start3A_24 = arith.constant 0 : i32
      %dma_start3A_25 = arith.constant 0 : i32
      %dma_start3A_26 = tpu.memref_slice %arg2[%dma_start3A_24, %dma_start3A_25] : memref<10000x128xf32, #tpu.memory_space<hbm>> -> memref<10000x128xf32, #tpu.memory_space<hbm>>
      tpu.enqueue_indirect_dma source(%dma_start3A_26 : memref<10000x128xf32, #tpu.memory_space<hbm>>) target(%arg9 : memref<80x128xf32, #tpu.memory_space<vmem>>) offsets(%dma_start3A_23 : memref<80xi32, #tpu.memory_space<vmem>>) semaphore(%arg13 : memref<!tpu.dma_semaphore, #tpu.memory_space<semaphore_mem>>)
      %dma_start3A_27 = arith.constant 1 : i32
      %dma_start3A_28 = arith.constant 0 : i32
      %dma_start3A_29 = tpu.memref_slice %arg7[%dma_start3A_27, %dma_start3A_28] : memref<32x80xi32, #tpu.memory_space<vmem>> -> memref<1x80xi32, #tpu.memory_space<vmem>>
      %dma_start3A_30 = tpu.memref_squeeze %dma_start3A_29 : memref<1x80xi32, #tpu.memory_space<vmem>> -> memref<80xi32, #tpu.memory_space<vmem>>
      %dma_start3A_31 = arith.constant 0 : i32
      %dma_start3A_32 = arith.constant 0 : i32
      %dma_start3A_33 = tpu.memref_slice %arg2[%dma_start3A_31, %dma_start3A_32] : memref<10000x128xf32, #tpu.memory_space<hbm>> -> memref<10000x128xf32, #tpu.memory_space<hbm>>
      tpu.enqueue_indirect_dma source(%dma_start3A_33 : memref<10000x128xf32, #tpu.memory_space<hbm>>) target(%arg10 : memref<80x128xf32, #tpu.memory_space<vmem>>) offsets(%dma_start3A_30 : memref<80xi32, #tpu.memory_space<vmem>>) semaphore(%arg14 : memref<!tpu.dma_semaphore, #tpu.memory_space<semaphore_mem>>)
      %dma_start3A_34 = arith.constant 2 : i32
      %dma_start3A_35 = arith.constant 0 : i32
      %dma_start3A_36 = tpu.memref_slice %arg7[%dma_start3A_34, %dma_start3A_35] : memref<32x80xi32, #tpu.memory_space<vmem>> -> memref<1x80xi32, #tpu.memory_space<vmem>>
      %dma_start3A_37 = tpu.memref_squeeze %dma_start3A_36 : memref<1x80xi32, #tpu.memory_space<vmem>> -> memref<80xi32, #tpu.memory_space<vmem>>
      %dma_start3A_38 = arith.constant 0 : i32
      %dma_start3A_39 = arith.constant 0 : i32
      %dma_start3A_40 = tpu.memref_slice %arg2[%dma_start3A_38, %dma_start3A_39] : memref<10000x128xf32, #tpu.memory_space<hbm>> -> memref<10000x128xf32, #tpu.memory_space<hbm>>
      tpu.enqueue_indirect_dma source(%dma_start3A_40 : memref<10000x128xf32, #tpu.memory_space<hbm>>) target(%arg11 : memref<80x128xf32, #tpu.memory_space<vmem>>) offsets(%dma_start3A_37 : memref<80xi32, #tpu.memory_space<vmem>>) semaphore(%arg15 : memref<!tpu.dma_semaphore, #tpu.memory_space<semaphore_mem>>)
      %dma_start3A_41 = arith.constant 3 : i32
      %dma_start3A_42 = arith.constant 0 : i32
      %dma_start3A_43 = tpu.memref_slice %arg7[%dma_start3A_41, %dma_start3A_42] : memref<32x80xi32, #tpu.memory_space<vmem>> -> memref<1x80xi32, #tpu.memory_space<vmem>>
      %dma_start3A_44 = tpu.memref_squeeze %dma_start3A_43 : memref<1x80xi32, #tpu.memory_space<vmem>> -> memref<80xi32, #tpu.memory_space<vmem>>
      %dma_start3A_45 = arith.constant 0 : i32
      %dma_start3A_46 = arith.constant 0 : i32
      %dma_start3A_47 = tpu.memref_slice %arg2[%dma_start3A_45, %dma_start3A_46] : memref<10000x128xf32, #tpu.memory_space<hbm>> -> memref<10000x128xf32, #tpu.memory_space<hbm>>
      tpu.enqueue_indirect_dma source(%dma_start3A_47 : memref<10000x128xf32, #tpu.memory_space<hbm>>) target(%arg12 : memref<80x128xf32, #tpu.memory_space<vmem>>) offsets(%dma_start3A_44 : memref<80xi32, #tpu.memory_space<vmem>>) semaphore(%arg16 : memref<!tpu.dma_semaphore, #tpu.memory_space<semaphore_mem>>)
      %scan3A_48 = arith.constant 0 : i32
      %scan3A_49 = arith.constant 0 : i32
      %scan3A_50 = arith.constant 7 : i32
      %scan3A_51 = arith.addi %scan3A_49, %scan3A_50 : i32
      %scan3A_52 = arith.constant 1 : i32
      scf.for %scan3A_137 = %scan3A_49 to %scan3A_51 step %scan3A_52  : i32 {
        %mul3A_138 = arith.constant 4 : i32
        %mul3A_139 = arith.muli %scan3A_137, %mul3A_138 : i32
        %add3A_140 = arith.constant 0 : i32
        %add3A_141 = arith.addi %mul3A_139, %add3A_140 : i32
        %dma_wait3A_142 = arith.constant 0 : i32
        %dma_wait3A_143 = tpu.memref_slice %arg7[%add3A_141, %dma_wait3A_142] : memref<32x80xi32, #tpu.memory_space<vmem>> -> memref<1x80xi32, #tpu.memory_space<vmem>>
        %dma_wait3A_144 = tpu.memref_squeeze %dma_wait3A_143 : memref<1x80xi32, #tpu.memory_space<vmem>> -> memref<80xi32, #tpu.memory_space<vmem>>
        %dma_wait3A_145 = arith.constant 0 : i32
        %dma_wait3A_146 = arith.constant 0 : i32
        %dma_wait3A_147 = tpu.memref_slice %arg2[%dma_wait3A_145, %dma_wait3A_146] : memref<10000x128xf32, #tpu.memory_space<hbm>> -> memref<10000x128xf32, #tpu.memory_space<hbm>>
        tpu.wait_indirect_dma semaphore(%arg13 : memref<!tpu.dma_semaphore, #tpu.memory_space<semaphore_mem>>) src(%dma_wait3A_147 : memref<10000x128xf32, #tpu.memory_space<hbm>>) dst(%arg9 : memref<80x128xf32, #tpu.memory_space<vmem>>)
        %add3A_148 = arith.constant 0 : i32
        %add3A_149 = arith.addi %mul3A_139, %add3A_148 : i32
        %dma_start3A_150 = arith.constant 0 : i32
        %dma_start3A_151 = tpu.memref_slice %arg8[%add3A_149, %dma_start3A_150] : memref<32x80xi32, #tpu.memory_space<vmem>> -> memref<1x80xi32, #tpu.memory_space<vmem>>
        %dma_start3A_152 = tpu.memref_squeeze %dma_start3A_151 : memref<1x80xi32, #tpu.memory_space<vmem>> -> memref<80xi32, #tpu.memory_space<vmem>>
        %dma_start3A_153 = arith.constant 0 : i32
        %dma_start3A_154 = arith.constant 0 : i32
        %dma_start3A_155 = tpu.memref_slice %arg21[%dma_start3A_153, %dma_start3A_154] : memref<10080x128xf32, #tpu.memory_space<vmem_shared>> -> memref<10080x128xf32, #tpu.memory_space<vmem_shared>>
        tpu.enqueue_indirect_dma source(%arg9 : memref<80x128xf32, #tpu.memory_space<vmem>>) target(%dma_start3A_155 : memref<10080x128xf32, #tpu.memory_space<vmem_shared>>) offsets(%dma_start3A_152 : memref<80xi32, #tpu.memory_space<vmem>>) semaphore(%arg17 : memref<!tpu.dma_semaphore, #tpu.memory_space<semaphore_mem>>) {add = true}
        %add3A_156 = arith.constant 1 : i32
        %add3A_157 = arith.addi %mul3A_139, %add3A_156 : i32
        %dma_wait3A_158 = arith.constant 0 : i32
        %dma_wait3A_159 = tpu.memref_slice %arg7[%add3A_157, %dma_wait3A_158] : memref<32x80xi32, #tpu.memory_space<vmem>> -> memref<1x80xi32, #tpu.memory_space<vmem>>
        %dma_wait3A_160 = tpu.memref_squeeze %dma_wait3A_159 : memref<1x80xi32, #tpu.memory_space<vmem>> -> memref<80xi32, #tpu.memory_space<vmem>>
        %dma_wait3A_161 = arith.constant 0 : i32
        %dma_wait3A_162 = arith.constant 0 : i32
        %dma_wait3A_163 = tpu.memref_slice %arg2[%dma_wait3A_161, %dma_wait3A_162] : memref<10000x128xf32, #tpu.memory_space<hbm>> -> memref<10000x128xf32, #tpu.memory_space<hbm>>
        tpu.wait_indirect_dma semaphore(%arg14 : memref<!tpu.dma_semaphore, #tpu.memory_space<semaphore_mem>>) src(%dma_wait3A_163 : memref<10000x128xf32, #tpu.memory_space<hbm>>) dst(%arg10 : memref<80x128xf32, #tpu.memory_space<vmem>>)
        %add3A_164 = arith.constant 1 : i32
        %add3A_165 = arith.addi %mul3A_139, %add3A_164 : i32
        %dma_start3A_166 = arith.constant 0 : i32
        %dma_start3A_167 = tpu.memref_slice %arg8[%add3A_165, %dma_start3A_166] : memref<32x80xi32, #tpu.memory_space<vmem>> -> memref<1x80xi32, #tpu.memory_space<vmem>>
        %dma_start3A_168 = tpu.memref_squeeze %dma_start3A_167 : memref<1x80xi32, #tpu.memory_space<vmem>> -> memref<80xi32, #tpu.memory_space<vmem>>
        %dma_start3A_169 = arith.constant 0 : i32
        %dma_start3A_170 = arith.constant 0 : i32
        %dma_start3A_171 = tpu.memref_slice %arg21[%dma_start3A_169, %dma_start3A_170] : memref<10080x128xf32, #tpu.memory_space<vmem_shared>> -> memref<10080x128xf32, #tpu.memory_space<vmem_shared>>
        tpu.enqueue_indirect_dma source(%arg10 : memref<80x128xf32, #tpu.memory_space<vmem>>) target(%dma_start3A_171 : memref<10080x128xf32, #tpu.memory_space<vmem_shared>>) offsets(%dma_start3A_168 : memref<80xi32, #tpu.memory_space<vmem>>) semaphore(%arg18 : memref<!tpu.dma_semaphore, #tpu.memory_space<semaphore_mem>>) {add = true}
        %add3A_172 = arith.constant 2 : i32
        %add3A_173 = arith.addi %mul3A_139, %add3A_172 : i32
        %dma_wait3A_174 = arith.constant 0 : i32
        %dma_wait3A_175 = tpu.memref_slice %arg7[%add3A_173, %dma_wait3A_174] : memref<32x80xi32, #tpu.memory_space<vmem>> -> memref<1x80xi32, #tpu.memory_space<vmem>>
        %dma_wait3A_176 = tpu.memref_squeeze %dma_wait3A_175 : memref<1x80xi32, #tpu.memory_space<vmem>> -> memref<80xi32, #tpu.memory_space<vmem>>
        %dma_wait3A_177 = arith.constant 0 : i32
        %dma_wait3A_178 = arith.constant 0 : i32
        %dma_wait3A_179 = tpu.memref_slice %arg2[%dma_wait3A_177, %dma_wait3A_178] : memref<10000x128xf32, #tpu.memory_space<hbm>> -> memref<10000x128xf32, #tpu.memory_space<hbm>>
        tpu.wait_indirect_dma semaphore(%arg15 : memref<!tpu.dma_semaphore, #tpu.memory_space<semaphore_mem>>) src(%dma_wait3A_179 : memref<10000x128xf32, #tpu.memory_space<hbm>>) dst(%arg11 : memref<80x128xf32, #tpu.memory_space<vmem>>)
        %add3A_180 = arith.constant 2 : i32
        %add3A_181 = arith.addi %mul3A_139, %add3A_180 : i32
        %dma_start3A_182 = arith.constant 0 : i32
        %dma_start3A_183 = tpu.memref_slice %arg8[%add3A_181, %dma_start3A_182] : memref<32x80xi32, #tpu.memory_space<vmem>> -> memref<1x80xi32, #tpu.memory_space<vmem>>
        %dma_start3A_184 = tpu.memref_squeeze %dma_start3A_183 : memref<1x80xi32, #tpu.memory_space<vmem>> -> memref<80xi32, #tpu.memory_space<vmem>>
        %dma_start3A_185 = arith.constant 0 : i32
        %dma_start3A_186 = arith.constant 0 : i32
        %dma_start3A_187 = tpu.memref_slice %arg21[%dma_start3A_185, %dma_start3A_186] : memref<10080x128xf32, #tpu.memory_space<vmem_shared>> -> memref<10080x128xf32, #tpu.memory_space<vmem_shared>>
        tpu.enqueue_indirect_dma source(%arg11 : memref<80x128xf32, #tpu.memory_space<vmem>>) target(%dma_start3A_187 : memref<10080x128xf32, #tpu.memory_space<vmem_shared>>) offsets(%dma_start3A_184 : memref<80xi32, #tpu.memory_space<vmem>>) semaphore(%arg19 : memref<!tpu.dma_semaphore, #tpu.memory_space<semaphore_mem>>) {add = true}
        %add3A_188 = arith.constant 3 : i32
        %add3A_189 = arith.addi %mul3A_139, %add3A_188 : i32
        %dma_wait3A_190 = arith.constant 0 : i32
        %dma_wait3A_191 = tpu.memref_slice %arg7[%add3A_189, %dma_wait3A_190] : memref<32x80xi32, #tpu.memory_space<vmem>> -> memref<1x80xi32, #tpu.memory_space<vmem>>
        %dma_wait3A_192 = tpu.memref_squeeze %dma_wait3A_191 : memref<1x80xi32, #tpu.memory_space<vmem>> -> memref<80xi32, #tpu.memory_space<vmem>>
        %dma_wait3A_193 = arith.constant 0 : i32
        %dma_wait3A_194 = arith.constant 0 : i32
        %dma_wait3A_195 = tpu.memref_slice %arg2[%dma_wait3A_193, %dma_wait3A_194] : memref<10000x128xf32, #tpu.memory_space<hbm>> -> memref<10000x128xf32, #tpu.memory_space<hbm>>
        tpu.wait_indirect_dma semaphore(%arg16 : memref<!tpu.dma_semaphore, #tpu.memory_space<semaphore_mem>>) src(%dma_wait3A_195 : memref<10000x128xf32, #tpu.memory_space<hbm>>) dst(%arg12 : memref<80x128xf32, #tpu.memory_space<vmem>>)
        %add3A_196 = arith.constant 3 : i32
        %add3A_197 = arith.addi %mul3A_139, %add3A_196 : i32
        %dma_start3A_198 = arith.constant 0 : i32
        %dma_start3A_199 = tpu.memref_slice %arg8[%add3A_197, %dma_start3A_198] : memref<32x80xi32, #tpu.memory_space<vmem>> -> memref<1x80xi32, #tpu.memory_space<vmem>>
        %dma_start3A_200 = tpu.memref_squeeze %dma_start3A_199 : memref<1x80xi32, #tpu.memory_space<vmem>> -> memref<80xi32, #tpu.memory_space<vmem>>
        %dma_start3A_201 = arith.constant 0 : i32
        %dma_start3A_202 = arith.constant 0 : i32
        %dma_start3A_203 = tpu.memref_slice %arg21[%dma_start3A_201, %dma_start3A_202] : memref<10080x128xf32, #tpu.memory_space<vmem_shared>> -> memref<10080x128xf32, #tpu.memory_space<vmem_shared>>
        tpu.enqueue_indirect_dma source(%arg12 : memref<80x128xf32, #tpu.memory_space<vmem>>) target(%dma_start3A_203 : memref<10080x128xf32, #tpu.memory_space<vmem_shared>>) offsets(%dma_start3A_200 : memref<80xi32, #tpu.memory_space<vmem>>) semaphore(%arg20 : memref<!tpu.dma_semaphore, #tpu.memory_space<semaphore_mem>>) {add = true}
        %add3A_204 = arith.constant 0 : i32
        %add3A_205 = arith.addi %mul3A_139, %add3A_204 : i32
        %dma_wait3A_206 = arith.constant 0 : i32
        %dma_wait3A_207 = tpu.memref_slice %arg8[%add3A_205, %dma_wait3A_206] : memref<32x80xi32, #tpu.memory_space<vmem>> -> memref<1x80xi32, #tpu.memory_space<vmem>>
        %dma_wait3A_208 = tpu.memref_squeeze %dma_wait3A_207 : memref<1x80xi32, #tpu.memory_space<vmem>> -> memref<80xi32, #tpu.memory_space<vmem>>
        %dma_wait3A_209 = arith.constant 0 : i32
        %dma_wait3A_210 = arith.constant 0 : i32
        %dma_wait3A_211 = tpu.memref_slice %arg21[%dma_wait3A_209, %dma_wait3A_210] : memref<10080x128xf32, #tpu.memory_space<vmem_shared>> -> memref<10080x128xf32, #tpu.memory_space<vmem_shared>>
        tpu.wait_indirect_dma semaphore(%arg17 : memref<!tpu.dma_semaphore, #tpu.memory_space<semaphore_mem>>) src(%arg9 : memref<80x128xf32, #tpu.memory_space<vmem>>) dst(%dma_wait3A_211 : memref<10080x128xf32, #tpu.memory_space<vmem_shared>>)
        %add3A_212 = arith.constant 4 : i32
        %add3A_213 = arith.addi %mul3A_139, %add3A_212 : i32
        %add3A_214 = arith.constant 0 : i32
        %add3A_215 = arith.addi %add3A_213, %add3A_214 : i32
        %dma_start3A_216 = arith.constant 0 : i32
        %dma_start3A_217 = tpu.memref_slice %arg7[%add3A_215, %dma_start3A_216] : memref<32x80xi32, #tpu.memory_space<vmem>> -> memref<1x80xi32, #tpu.memory_space<vmem>>
        %dma_start3A_218 = tpu.memref_squeeze %dma_start3A_217 : memref<1x80xi32, #tpu.memory_space<vmem>> -> memref<80xi32, #tpu.memory_space<vmem>>
        %dma_start3A_219 = arith.constant 0 : i32
        %dma_start3A_220 = arith.constant 0 : i32
        %dma_start3A_221 = tpu.memref_slice %arg2[%dma_start3A_219, %dma_start3A_220] : memref<10000x128xf32, #tpu.memory_space<hbm>> -> memref<10000x128xf32, #tpu.memory_space<hbm>>
        tpu.enqueue_indirect_dma source(%dma_start3A_221 : memref<10000x128xf32, #tpu.memory_space<hbm>>) target(%arg9 : memref<80x128xf32, #tpu.memory_space<vmem>>) offsets(%dma_start3A_218 : memref<80xi32, #tpu.memory_space<vmem>>) semaphore(%arg13 : memref<!tpu.dma_semaphore, #tpu.memory_space<semaphore_mem>>)
        %add3A_222 = arith.constant 1 : i32
        %add3A_223 = arith.addi %mul3A_139, %add3A_222 : i32
        %dma_wait3A_224 = arith.constant 0 : i32
        %dma_wait3A_225 = tpu.memref_slice %arg8[%add3A_223, %dma_wait3A_224] : memref<32x80xi32, #tpu.memory_space<vmem>> -> memref<1x80xi32, #tpu.memory_space<vmem>>
        %dma_wait3A_226 = tpu.memref_squeeze %dma_wait3A_225 : memref<1x80xi32, #tpu.memory_space<vmem>> -> memref<80xi32, #tpu.memory_space<vmem>>
        %dma_wait3A_227 = arith.constant 0 : i32
        %dma_wait3A_228 = arith.constant 0 : i32
        %dma_wait3A_229 = tpu.memref_slice %arg21[%dma_wait3A_227, %dma_wait3A_228] : memref<10080x128xf32, #tpu.memory_space<vmem_shared>> -> memref<10080x128xf32, #tpu.memory_space<vmem_shared>>
        tpu.wait_indirect_dma semaphore(%arg18 : memref<!tpu.dma_semaphore, #tpu.memory_space<semaphore_mem>>) src(%arg10 : memref<80x128xf32, #tpu.memory_space<vmem>>) dst(%dma_wait3A_229 : memref<10080x128xf32, #tpu.memory_space<vmem_shared>>)
        %add3A_230 = arith.constant 4 : i32
        %add3A_231 = arith.addi %mul3A_139, %add3A_230 : i32
        %add3A_232 = arith.constant 1 : i32
        %add3A_233 = arith.addi %add3A_231, %add3A_232 : i32
        %dma_start3A_234 = arith.constant 0 : i32
        %dma_start3A_235 = tpu.memref_slice %arg7[%add3A_233, %dma_start3A_234] : memref<32x80xi32, #tpu.memory_space<vmem>> -> memref<1x80xi32, #tpu.memory_space<vmem>>
        %dma_start3A_236 = tpu.memref_squeeze %dma_start3A_235 : memref<1x80xi32, #tpu.memory_space<vmem>> -> memref<80xi32, #tpu.memory_space<vmem>>
        %dma_start3A_237 = arith.constant 0 : i32
        %dma_start3A_238 = arith.constant 0 : i32
        %dma_start3A_239 = tpu.memref_slice %arg2[%dma_start3A_237, %dma_start3A_238] : memref<10000x128xf32, #tpu.memory_space<hbm>> -> memref<10000x128xf32, #tpu.memory_space<hbm>>
        tpu.enqueue_indirect_dma source(%dma_start3A_239 : memref<10000x128xf32, #tpu.memory_space<hbm>>) target(%arg10 : memref<80x128xf32, #tpu.memory_space<vmem>>) offsets(%dma_start3A_236 : memref<80xi32, #tpu.memory_space<vmem>>) semaphore(%arg14 : memref<!tpu.dma_semaphore, #tpu.memory_space<semaphore_mem>>)
        %add3A_240 = arith.constant 2 : i32
        %add3A_241 = arith.addi %mul3A_139, %add3A_240 : i32
        %dma_wait3A_242 = arith.constant 0 : i32
        %dma_wait3A_243 = tpu.memref_slice %arg8[%add3A_241, %dma_wait3A_242] : memref<32x80xi32, #tpu.memory_space<vmem>> -> memref<1x80xi32, #tpu.memory_space<vmem>>
        %dma_wait3A_244 = tpu.memref_squeeze %dma_wait3A_243 : memref<1x80xi32, #tpu.memory_space<vmem>> -> memref<80xi32, #tpu.memory_space<vmem>>
        %dma_wait3A_245 = arith.constant 0 : i32
        %dma_wait3A_246 = arith.constant 0 : i32
        %dma_wait3A_247 = tpu.memref_slice %arg21[%dma_wait3A_245, %dma_wait3A_246] : memref<10080x128xf32, #tpu.memory_space<vmem_shared>> -> memref<10080x128xf32, #tpu.memory_space<vmem_shared>>
        tpu.wait_indirect_dma semaphore(%arg19 : memref<!tpu.dma_semaphore, #tpu.memory_space<semaphore_mem>>) src(%arg11 : memref<80x128xf32, #tpu.memory_space<vmem>>) dst(%dma_wait3A_247 : memref<10080x128xf32, #tpu.memory_space<vmem_shared>>)
        %add3A_248 = arith.constant 4 : i32
        %add3A_249 = arith.addi %mul3A_139, %add3A_248 : i32
        %add3A_250 = arith.constant 2 : i32
        %add3A_251 = arith.addi %add3A_249, %add3A_250 : i32
        %dma_start3A_252 = arith.constant 0 : i32
        %dma_start3A_253 = tpu.memref_slice %arg7[%add3A_251, %dma_start3A_252] : memref<32x80xi32, #tpu.memory_space<vmem>> -> memref<1x80xi32, #tpu.memory_space<vmem>>
        %dma_start3A_254 = tpu.memref_squeeze %dma_start3A_253 : memref<1x80xi32, #tpu.memory_space<vmem>> -> memref<80xi32, #tpu.memory_space<vmem>>
        %dma_start3A_255 = arith.constant 0 : i32
        %dma_start3A_256 = arith.constant 0 : i32
        %dma_start3A_257 = tpu.memref_slice %arg2[%dma_start3A_255, %dma_start3A_256] : memref<10000x128xf32, #tpu.memory_space<hbm>> -> memref<10000x128xf32, #tpu.memory_space<hbm>>
        tpu.enqueue_indirect_dma source(%dma_start3A_257 : memref<10000x128xf32, #tpu.memory_space<hbm>>) target(%arg11 : memref<80x128xf32, #tpu.memory_space<vmem>>) offsets(%dma_start3A_254 : memref<80xi32, #tpu.memory_space<vmem>>) semaphore(%arg15 : memref<!tpu.dma_semaphore, #tpu.memory_space<semaphore_mem>>)
        %add3A_258 = arith.constant 3 : i32
        %add3A_259 = arith.addi %mul3A_139, %add3A_258 : i32
        %dma_wait3A_260 = arith.constant 0 : i32
        %dma_wait3A_261 = tpu.memref_slice %arg8[%add3A_259, %dma_wait3A_260] : memref<32x80xi32, #tpu.memory_space<vmem>> -> memref<1x80xi32, #tpu.memory_space<vmem>>
        %dma_wait3A_262 = tpu.memref_squeeze %dma_wait3A_261 : memref<1x80xi32, #tpu.memory_space<vmem>> -> memref<80xi32, #tpu.memory_space<vmem>>
        %dma_wait3A_263 = arith.constant 0 : i32
        %dma_wait3A_264 = arith.constant 0 : i32
        %dma_wait3A_265 = tpu.memref_slice %arg21[%dma_wait3A_263, %dma_wait3A_264] : memref<10080x128xf32, #tpu.memory_space<vmem_shared>> -> memref<10080x128xf32, #tpu.memory_space<vmem_shared>>
        tpu.wait_indirect_dma semaphore(%arg20 : memref<!tpu.dma_semaphore, #tpu.memory_space<semaphore_mem>>) src(%arg12 : memref<80x128xf32, #tpu.memory_space<vmem>>) dst(%dma_wait3A_265 : memref<10080x128xf32, #tpu.memory_space<vmem_shared>>)
        %add3A_266 = arith.constant 4 : i32
        %add3A_267 = arith.addi %mul3A_139, %add3A_266 : i32
        %add3A_268 = arith.constant 3 : i32
        %add3A_269 = arith.addi %add3A_267, %add3A_268 : i32
        %dma_start3A_270 = arith.constant 0 : i32
        %dma_start3A_271 = tpu.memref_slice %arg7[%add3A_269, %dma_start3A_270] : memref<32x80xi32, #tpu.memory_space<vmem>> -> memref<1x80xi32, #tpu.memory_space<vmem>>
        %dma_start3A_272 = tpu.memref_squeeze %dma_start3A_271 : memref<1x80xi32, #tpu.memory_space<vmem>> -> memref<80xi32, #tpu.memory_space<vmem>>
        %dma_start3A_273 = arith.constant 0 : i32
        %dma_start3A_274 = arith.constant 0 : i32
        %dma_start3A_275 = tpu.memref_slice %arg2[%dma_start3A_273, %dma_start3A_274] : memref<10000x128xf32, #tpu.memory_space<hbm>> -> memref<10000x128xf32, #tpu.memory_space<hbm>>
        tpu.enqueue_indirect_dma source(%dma_start3A_275 : memref<10000x128xf32, #tpu.memory_space<hbm>>) target(%arg12 : memref<80x128xf32, #tpu.memory_space<vmem>>) offsets(%dma_start3A_272 : memref<80xi32, #tpu.memory_space<vmem>>) semaphore(%arg16 : memref<!tpu.dma_semaphore, #tpu.memory_space<semaphore_mem>>)
      }
      %scan3A_53 = arith.constant 7 : i32
      %dma_wait3A = arith.constant 28 : i32
      %dma_wait3A_54 = arith.constant 0 : i32
      %dma_wait3A_55 = tpu.memref_slice %arg7[%dma_wait3A, %dma_wait3A_54] : memref<32x80xi32, #tpu.memory_space<vmem>> -> memref<1x80xi32, #tpu.memory_space<vmem>>
      %dma_wait3A_56 = tpu.memref_squeeze %dma_wait3A_55 : memref<1x80xi32, #tpu.memory_space<vmem>> -> memref<80xi32, #tpu.memory_space<vmem>>
      %dma_wait3A_57 = arith.constant 0 : i32
      %dma_wait3A_58 = arith.constant 0 : i32
      %dma_wait3A_59 = tpu.memref_slice %arg2[%dma_wait3A_57, %dma_wait3A_58] : memref<10000x128xf32, #tpu.memory_space<hbm>> -> memref<10000x128xf32, #tpu.memory_space<hbm>>
      tpu.wait_indirect_dma semaphore(%arg13 : memref<!tpu.dma_semaphore, #tpu.memory_space<semaphore_mem>>) src(%dma_wait3A_59 : memref<10000x128xf32, #tpu.memory_space<hbm>>) dst(%arg9 : memref<80x128xf32, #tpu.memory_space<vmem>>)
      %dma_start3A_60 = arith.constant 28 : i32
      %dma_start3A_61 = arith.constant 0 : i32
      %dma_start3A_62 = tpu.memref_slice %arg8[%dma_start3A_60, %dma_start3A_61] : memref<32x80xi32, #tpu.memory_space<vmem>> -> memref<1x80xi32, #tpu.memory_space<vmem>>
      %dma_start3A_63 = tpu.memref_squeeze %dma_start3A_62 : memref<1x80xi32, #tpu.memory_space<vmem>> -> memref<80xi32, #tpu.memory_space<vmem>>
      %dma_start3A_64 = arith.constant 0 : i32
      %dma_start3A_65 = arith.constant 0 : i32
      %dma_start3A_66 = tpu.memref_slice %arg21[%dma_start3A_64, %dma_start3A_65] : memref<10080x128xf32, #tpu.memory_space<vmem_shared>> -> memref<10080x128xf32, #tpu.memory_space<vmem_shared>>
      tpu.enqueue_indirect_dma source(%arg9 : memref<80x128xf32, #tpu.memory_space<vmem>>) target(%dma_start3A_66 : memref<10080x128xf32, #tpu.memory_space<vmem_shared>>) offsets(%dma_start3A_63 : memref<80xi32, #tpu.memory_space<vmem>>) semaphore(%arg17 : memref<!tpu.dma_semaphore, #tpu.memory_space<semaphore_mem>>) {add = true}
      %dma_wait3A_67 = arith.constant 29 : i32
      %dma_wait3A_68 = arith.constant 0 : i32
      %dma_wait3A_69 = tpu.memref_slice %arg7[%dma_wait3A_67, %dma_wait3A_68] : memref<32x80xi32, #tpu.memory_space<vmem>> -> memref<1x80xi32, #tpu.memory_space<vmem>>
      %dma_wait3A_70 = tpu.memref_squeeze %dma_wait3A_69 : memref<1x80xi32, #tpu.memory_space<vmem>> -> memref<80xi32, #tpu.memory_space<vmem>>
      %dma_wait3A_71 = arith.constant 0 : i32
      %dma_wait3A_72 = arith.constant 0 : i32
      %dma_wait3A_73 = tpu.memref_slice %arg2[%dma_wait3A_71, %dma_wait3A_72] : memref<10000x128xf32, #tpu.memory_space<hbm>> -> memref<10000x128xf32, #tpu.memory_space<hbm>>
      tpu.wait_indirect_dma semaphore(%arg14 : memref<!tpu.dma_semaphore, #tpu.memory_space<semaphore_mem>>) src(%dma_wait3A_73 : memref<10000x128xf32, #tpu.memory_space<hbm>>) dst(%arg10 : memref<80x128xf32, #tpu.memory_space<vmem>>)
      %dma_start3A_74 = arith.constant 29 : i32
      %dma_start3A_75 = arith.constant 0 : i32
      %dma_start3A_76 = tpu.memref_slice %arg8[%dma_start3A_74, %dma_start3A_75] : memref<32x80xi32, #tpu.memory_space<vmem>> -> memref<1x80xi32, #tpu.memory_space<vmem>>
      %dma_start3A_77 = tpu.memref_squeeze %dma_start3A_76 : memref<1x80xi32, #tpu.memory_space<vmem>> -> memref<80xi32, #tpu.memory_space<vmem>>
      %dma_start3A_78 = arith.constant 0 : i32
      %dma_start3A_79 = arith.constant 0 : i32
      %dma_start3A_80 = tpu.memref_slice %arg21[%dma_start3A_78, %dma_start3A_79] : memref<10080x128xf32, #tpu.memory_space<vmem_shared>> -> memref<10080x128xf32, #tpu.memory_space<vmem_shared>>
      tpu.enqueue_indirect_dma source(%arg10 : memref<80x128xf32, #tpu.memory_space<vmem>>) target(%dma_start3A_80 : memref<10080x128xf32, #tpu.memory_space<vmem_shared>>) offsets(%dma_start3A_77 : memref<80xi32, #tpu.memory_space<vmem>>) semaphore(%arg18 : memref<!tpu.dma_semaphore, #tpu.memory_space<semaphore_mem>>) {add = true}
      %dma_wait3A_81 = arith.constant 30 : i32
      %dma_wait3A_82 = arith.constant 0 : i32
      %dma_wait3A_83 = tpu.memref_slice %arg7[%dma_wait3A_81, %dma_wait3A_82] : memref<32x80xi32, #tpu.memory_space<vmem>> -> memref<1x80xi32, #tpu.memory_space<vmem>>
      %dma_wait3A_84 = tpu.memref_squeeze %dma_wait3A_83 : memref<1x80xi32, #tpu.memory_space<vmem>> -> memref<80xi32, #tpu.memory_space<vmem>>
      %dma_wait3A_85 = arith.constant 0 : i32
      %dma_wait3A_86 = arith.constant 0 : i32
      %dma_wait3A_87 = tpu.memref_slice %arg2[%dma_wait3A_85, %dma_wait3A_86] : memref<10000x128xf32, #tpu.memory_space<hbm>> -> memref<10000x128xf32, #tpu.memory_space<hbm>>
      tpu.wait_indirect_dma semaphore(%arg15 : memref<!tpu.dma_semaphore, #tpu.memory_space<semaphore_mem>>) src(%dma_wait3A_87 : memref<10000x128xf32, #tpu.memory_space<hbm>>) dst(%arg11 : memref<80x128xf32, #tpu.memory_space<vmem>>)
      %dma_start3A_88 = arith.constant 30 : i32
      %dma_start3A_89 = arith.constant 0 : i32
      %dma_start3A_90 = tpu.memref_slice %arg8[%dma_start3A_88, %dma_start3A_89] : memref<32x80xi32, #tpu.memory_space<vmem>> -> memref<1x80xi32, #tpu.memory_space<vmem>>
      %dma_start3A_91 = tpu.memref_squeeze %dma_start3A_90 : memref<1x80xi32, #tpu.memory_space<vmem>> -> memref<80xi32, #tpu.memory_space<vmem>>
      %dma_start3A_92 = arith.constant 0 : i32
      %dma_start3A_93 = arith.constant 0 : i32
      %dma_start3A_94 = tpu.memref_slice %arg21[%dma_start3A_92, %dma_start3A_93] : memref<10080x128xf32, #tpu.memory_space<vmem_shared>> -> memref<10080x128xf32, #tpu.memory_space<vmem_shared>>
      tpu.enqueue_indirect_dma source(%arg11 : memref<80x128xf32, #tpu.memory_space<vmem>>) target(%dma_start3A_94 : memref<10080x128xf32, #tpu.memory_space<vmem_shared>>) offsets(%dma_start3A_91 : memref<80xi32, #tpu.memory_space<vmem>>) semaphore(%arg19 : memref<!tpu.dma_semaphore, #tpu.memory_space<semaphore_mem>>) {add = true}
      %dma_wait3A_95 = arith.constant 31 : i32
      %dma_wait3A_96 = arith.constant 0 : i32
      %dma_wait3A_97 = tpu.memref_slice %arg7[%dma_wait3A_95, %dma_wait3A_96] : memref<32x80xi32, #tpu.memory_space<vmem>> -> memref<1x80xi32, #tpu.memory_space<vmem>>
      %dma_wait3A_98 = tpu.memref_squeeze %dma_wait3A_97 : memref<1x80xi32, #tpu.memory_space<vmem>> -> memref<80xi32, #tpu.memory_space<vmem>>
      %dma_wait3A_99 = arith.constant 0 : i32
      %dma_wait3A_100 = arith.constant 0 : i32
      %dma_wait3A_101 = tpu.memref_slice %arg2[%dma_wait3A_99, %dma_wait3A_100] : memref<10000x128xf32, #tpu.memory_space<hbm>> -> memref<10000x128xf32, #tpu.memory_space<hbm>>
      tpu.wait_indirect_dma semaphore(%arg16 : memref<!tpu.dma_semaphore, #tpu.memory_space<semaphore_mem>>) src(%dma_wait3A_101 : memref<10000x128xf32, #tpu.memory_space<hbm>>) dst(%arg12 : memref<80x128xf32, #tpu.memory_space<vmem>>)
      %dma_start3A_102 = arith.constant 31 : i32
      %dma_start3A_103 = arith.constant 0 : i32
      %dma_start3A_104 = tpu.memref_slice %arg8[%dma_start3A_102, %dma_start3A_103] : memref<32x80xi32, #tpu.memory_space<vmem>> -> memref<1x80xi32, #tpu.memory_space<vmem>>
      %dma_start3A_105 = tpu.memref_squeeze %dma_start3A_104 : memref<1x80xi32, #tpu.memory_space<vmem>> -> memref<80xi32, #tpu.memory_space<vmem>>
      %dma_start3A_106 = arith.constant 0 : i32
      %dma_start3A_107 = arith.constant 0 : i32
      %dma_start3A_108 = tpu.memref_slice %arg21[%dma_start3A_106, %dma_start3A_107] : memref<10080x128xf32, #tpu.memory_space<vmem_shared>> -> memref<10080x128xf32, #tpu.memory_space<vmem_shared>>
      tpu.enqueue_indirect_dma source(%arg12 : memref<80x128xf32, #tpu.memory_space<vmem>>) target(%dma_start3A_108 : memref<10080x128xf32, #tpu.memory_space<vmem_shared>>) offsets(%dma_start3A_105 : memref<80xi32, #tpu.memory_space<vmem>>) semaphore(%arg20 : memref<!tpu.dma_semaphore, #tpu.memory_space<semaphore_mem>>) {add = true}
      %dma_wait3A_109 = arith.constant 28 : i32
      %dma_wait3A_110 = arith.constant 0 : i32
      %dma_wait3A_111 = tpu.memref_slice %arg8[%dma_wait3A_109, %dma_wait3A_110] : memref<32x80xi32, #tpu.memory_space<vmem>> -> memref<1x80xi32, #tpu.memory_space<vmem>>
      %dma_wait3A_112 = tpu.memref_squeeze %dma_wait3A_111 : memref<1x80xi32, #tpu.memory_space<vmem>> -> memref<80xi32, #tpu.memory_space<vmem>>
      %dma_wait3A_113 = arith.constant 0 : i32
      %dma_wait3A_114 = arith.constant 0 : i32
      %dma_wait3A_115 = tpu.memref_slice %arg21[%dma_wait3A_113, %dma_wait3A_114] : memref<10080x128xf32, #tpu.memory_space<vmem_shared>> -> memref<10080x128xf32, #tpu.memory_space<vmem_shared>>
      tpu.wait_indirect_dma semaphore(%arg17 : memref<!tpu.dma_semaphore, #tpu.memory_space<semaphore_mem>>) src(%arg9 : memref<80x128xf32, #tpu.memory_space<vmem>>) dst(%dma_wait3A_115 : memref<10080x128xf32, #tpu.memory_space<vmem_shared>>)
      %dma_wait3A_116 = arith.constant 29 : i32
      %dma_wait3A_117 = arith.constant 0 : i32
      %dma_wait3A_118 = tpu.memref_slice %arg8[%dma_wait3A_116, %dma_wait3A_117] : memref<32x80xi32, #tpu.memory_space<vmem>> -> memref<1x80xi32, #tpu.memory_space<vmem>>
      %dma_wait3A_119 = tpu.memref_squeeze %dma_wait3A_118 : memref<1x80xi32, #tpu.memory_space<vmem>> -> memref<80xi32, #tpu.memory_space<vmem>>
      %dma_wait3A_120 = arith.constant 0 : i32
      %dma_wait3A_121 = arith.constant 0 : i32
      %dma_wait3A_122 = tpu.memref_slice %arg21[%dma_wait3A_120, %dma_wait3A_121] : memref<10080x128xf32, #tpu.memory_space<vmem_shared>> -> memref<10080x128xf32, #tpu.memory_space<vmem_shared>>
      tpu.wait_indirect_dma semaphore(%arg18 : memref<!tpu.dma_semaphore, #tpu.memory_space<semaphore_mem>>) src(%arg10 : memref<80x128xf32, #tpu.memory_space<vmem>>) dst(%dma_wait3A_122 : memref<10080x128xf32, #tpu.memory_space<vmem_shared>>)
      %dma_wait3A_123 = arith.constant 30 : i32
      %dma_wait3A_124 = arith.constant 0 : i32
      %dma_wait3A_125 = tpu.memref_slice %arg8[%dma_wait3A_123, %dma_wait3A_124] : memref<32x80xi32, #tpu.memory_space<vmem>> -> memref<1x80xi32, #tpu.memory_space<vmem>>
      %dma_wait3A_126 = tpu.memref_squeeze %dma_wait3A_125 : memref<1x80xi32, #tpu.memory_space<vmem>> -> memref<80xi32, #tpu.memory_space<vmem>>
      %dma_wait3A_127 = arith.constant 0 : i32
      %dma_wait3A_128 = arith.constant 0 : i32
      %dma_wait3A_129 = tpu.memref_slice %arg21[%dma_wait3A_127, %dma_wait3A_128] : memref<10080x128xf32, #tpu.memory_space<vmem_shared>> -> memref<10080x128xf32, #tpu.memory_space<vmem_shared>>
      tpu.wait_indirect_dma semaphore(%arg19 : memref<!tpu.dma_semaphore, #tpu.memory_space<semaphore_mem>>) src(%arg11 : memref<80x128xf32, #tpu.memory_space<vmem>>) dst(%dma_wait3A_129 : memref<10080x128xf32, #tpu.memory_space<vmem_shared>>)
      %dma_wait3A_130 = arith.constant 31 : i32
      %dma_wait3A_131 = arith.constant 0 : i32
      %dma_wait3A_132 = tpu.memref_slice %arg8[%dma_wait3A_130, %dma_wait3A_131] : memref<32x80xi32, #tpu.memory_space<vmem>> -> memref<1x80xi32, #tpu.memory_space<vmem>>
      %dma_wait3A_133 = tpu.memref_squeeze %dma_wait3A_132 : memref<1x80xi32, #tpu.memory_space<vmem>> -> memref<80xi32, #tpu.memory_space<vmem>>
      %dma_wait3A_134 = arith.constant 0 : i32
      %dma_wait3A_135 = arith.constant 0 : i32
      %dma_wait3A_136 = tpu.memref_slice %arg21[%dma_wait3A_134, %dma_wait3A_135] : memref<10080x128xf32, #tpu.memory_space<vmem_shared>> -> memref<10080x128xf32, #tpu.memory_space<vmem_shared>>
      tpu.wait_indirect_dma semaphore(%arg20 : memref<!tpu.dma_semaphore, #tpu.memory_space<semaphore_mem>>) src(%arg12 : memref<80x128xf32, #tpu.memory_space<vmem>>) dst(%dma_wait3A_136 : memref<10080x128xf32, #tpu.memory_space<vmem_shared>>)
    }
    %scan3A_7 = arith.constant 4 : i32
    %barrier3A_8 = arith.constant 0 : index
    tpu.barrier barrier_id(%barrier3A_8)
    %mul3A_9 = arith.constant 10000 : i32
    %mul3A_10 = arith.muli %arg0, %mul3A_9 : i32
    %mul3A_11 = arith.constant 624 : i32
    %mul3A_12 = arith.muli %arg1, %mul3A_11 : i32
    %add3A_13 = arith.addi %mul3A_10, %mul3A_12 : i32
    %mul3A_14 = arith.constant 624 : i32
    %mul3A_15 = arith.muli %arg1, %mul3A_14 : i32
    "tpu.region"() ({
      %run_scoped3A = tpu.sem_alloc : memref<!tpu.dma_semaphore, #tpu.memory_space<semaphore_mem>>
      %dma_start3A = arith.constant 0 : i32
      %dma_start3A_16 = tpu.memref_slice %arg6[%add3A_13, %dma_start3A] : memref<20000x128xf32, #tpu.memory_space<hbm>> -> memref<640x128xf32, #tpu.memory_space<hbm>>
      %dma_start3A_17 = arith.constant 0 : i32
      %dma_start3A_18 = tpu.memref_slice %arg21[%mul3A_15, %dma_start3A_17] : memref<10080x128xf32, #tpu.memory_space<vmem_shared>> -> memref<640x128xf32, #tpu.memory_space<vmem_shared>>
      tpu.enqueue_dma source(%dma_start3A_18 : memref<640x128xf32, #tpu.memory_space<vmem_shared>>) target(%dma_start3A_16 : memref<640x128xf32, #tpu.memory_space<hbm>>) target_semaphore(%run_scoped3A : memref<!tpu.dma_semaphore, #tpu.memory_space<semaphore_mem>>)
      %dma_wait3A = arith.constant 0 : i32
      %dma_wait3A_19 = tpu.memref_slice %arg6[%add3A_13, %dma_wait3A] : memref<20000x128xf32, #tpu.memory_space<hbm>> -> memref<640x128xf32, #tpu.memory_space<hbm>>
      %dma_wait3A_20 = arith.constant 0 : i32
      %dma_wait3A_21 = tpu.memref_slice %arg21[%mul3A_15, %dma_wait3A_20] : memref<10080x128xf32, #tpu.memory_space<vmem_shared>> -> memref<640x128xf32, #tpu.memory_space<vmem_shared>>
      tpu.wait_dma2 semaphore(%run_scoped3A : memref<!tpu.dma_semaphore, #tpu.memory_space<semaphore_mem>>) src(%dma_wait3A_21 : memref<640x128xf32, #tpu.memory_space<vmem_shared>>) dst(%dma_wait3A_19 : memref<640x128xf32, #tpu.memory_space<hbm>>)
      tpu.yield
    }) : () -> ()
    return
  }
}

#map = affine_map<(d0, d1) -> (0, 0)>
#map1 = affine_map<(d0, d1) -> (0, 0, 0)>
module attributes {stable_mosaic.version = 14 : i64} {
  func.func @_sc_agg_body(%arg0: i32, %arg1: i32, %arg2: memref<10000x128xf32, #tpu.memory_space<hbm>>, %arg3: memref<32x128x80xi32, #tpu.memory_space<hbm>>, %arg4: memref<32x128x80xi32, #tpu.memory_space<hbm>>, %arg5: memref<640x128xf32, #tpu.memory_space<hbm>>, %arg6: memref<20000x128xf32, #tpu.memory_space<hbm>>, %arg7: memref<32x80xi32, #tpu.memory_space<vmem>>, %arg8: memref<32x80xi32, #tpu.memory_space<vmem>>, %arg9: memref<80x128xf32, #tpu.memory_space<vmem>>, %arg10: memref<80x128xf32, #tpu.memory_space<vmem>>, %arg11: memref<80x128xf32, #tpu.memory_space<vmem>>, %arg12: memref<80x128xf32, #tpu.memory_space<vmem>>, %arg13: memref<!tpu.dma_semaphore, #tpu.memory_space<semaphore_mem>>, %arg14: memref<!tpu.dma_semaphore, #tpu.memory_space<semaphore_mem>>, %arg15: memref<!tpu.dma_semaphore, #tpu.memory_space<semaphore_mem>>, %arg16: memref<!tpu.dma_semaphore, #tpu.memory_space<semaphore_mem>>, %arg17: memref<!tpu.dma_semaphore, #tpu.memory_space<semaphore_mem>>, %arg18: memref<!tpu.dma_semaphore, #tpu.memory_space<semaphore_mem>>, %arg19: memref<!tpu.dma_semaphore, #tpu.memory_space<semaphore_mem>>, %arg20: memref<!tpu.dma_semaphore, #tpu.memory_space<semaphore_mem>>, %arg21: memref<10080x128xf32, #tpu.memory_space<vmem_shared>>) attributes {dimension_semantics = [#tpu.dimension_semantics<core_parallel>, #tpu.dimension_semantics<subcore_parallel>], iteration_bounds = array<i64: 2, 16>, scalar_prefetch = 0 : i64, scratch_operands = 15 : i64, tpu.core_type = #tpu.core_type<sc_vector_subcore>, window_params = [{transform_indices = #map}, {transform_indices = #map1}, {transform_indices = #map1}, {transform_indices = #map}, {transform_indices = #map}]} {
    %mul3A = arith.constant 2 : i32
    %mul3A_0 = arith.muli %arg1, %mul3A : i32
    %add3A = arith.addi %mul3A_0, %arg0 : i32
    %mul3A_1 = arith.constant 624 : i32
    %mul3A_2 = arith.muli %arg1, %mul3A_1 : i32
    "tpu.region"() ({
      %run_scoped3A = tpu.sem_alloc : memref<!tpu.dma_semaphore, #tpu.memory_space<semaphore_mem>>
      %dma_start3A = arith.constant 0 : i32
      %dma_start3A_16 = tpu.memref_slice %arg21[%mul3A_2, %dma_start3A] : memref<10080x128xf32, #tpu.memory_space<vmem_shared>> -> memref<640x128xf32, #tpu.memory_space<vmem_shared>>
      tpu.enqueue_dma source(%arg5 : memref<640x128xf32, #tpu.memory_space<hbm>>) target(%dma_start3A_16 : memref<640x128xf32, #tpu.memory_space<vmem_shared>>) target_semaphore(%run_scoped3A : memref<!tpu.dma_semaphore, #tpu.memory_space<semaphore_mem>>)
      %dma_wait3A = arith.constant 0 : i32
      %dma_wait3A_17 = tpu.memref_slice %arg21[%mul3A_2, %dma_wait3A] : memref<10080x128xf32, #tpu.memory_space<vmem_shared>> -> memref<640x128xf32, #tpu.memory_space<vmem_shared>>
      tpu.wait_dma2 semaphore(%run_scoped3A : memref<!tpu.dma_semaphore, #tpu.memory_space<semaphore_mem>>) src(%arg5 : memref<640x128xf32, #tpu.memory_space<hbm>>) dst(%dma_wait3A_17 : memref<640x128xf32, #tpu.memory_space<vmem_shared>>)
      tpu.yield
    }) : () -> ()
    %barrier3A = arith.constant 0 : index
    tpu.barrier barrier_id(%barrier3A)
    %scan3A = arith.constant 0 : i32
    %scan3A_3 = arith.constant 0 : i32
    %scan3A_4 = arith.constant 4 : i32
    %scan3A_5 = arith.addi %scan3A_3, %scan3A_4 : i32
    %scan3A_6 = arith.constant 1 : i32
    scf.for %scan3A_16 = %scan3A_3 to %scan3A_5 step %scan3A_6  : i32 {
      %mul3A_17 = arith.constant 32 : i32
      %mul3A_18 = arith.muli %scan3A_16, %mul3A_17 : i32
      "tpu.region"() ({
        %run_scoped3A = tpu.sem_alloc : memref<!tpu.dma_semaphore, #tpu.memory_space<semaphore_mem>>
        %dma_start3A_137 = arith.constant 0 : i32
        %dma_start3A_138 = tpu.memref_slice %arg3[%add3A, %mul3A_18, %dma_start3A_137] : memref<32x128x80xi32, #tpu.memory_space<hbm>> -> memref<1x32x80xi32, #tpu.memory_space<hbm>>
        %dma_start3A_139 = tpu.memref_squeeze %dma_start3A_138 : memref<1x32x80xi32, #tpu.memory_space<hbm>> -> memref<32x80xi32, #tpu.memory_space<hbm>>
        %dma_start3A_140 = arith.constant 0 : i32
        %dma_start3A_141 = tpu.memref_slice %arg3[%add3A, %mul3A_18, %dma_start3A_140] : memref<32x128x80xi32, #tpu.memory_space<hbm>> -> memref<1x32x80xi32, #tpu.memory_space<hbm>>
        %dma_start3A_142 = tpu.memref_squeeze %dma_start3A_141 : memref<1x32x80xi32, #tpu.memory_space<hbm>> -> memref<32x80xi32, #tpu.memory_space<hbm>>
        tpu.enqueue_dma source(%dma_start3A_142 : memref<32x80xi32, #tpu.memory_space<hbm>>) target(%arg7 : memref<32x80xi32, #tpu.memory_space<vmem>>) target_semaphore(%run_scoped3A : memref<!tpu.dma_semaphore, #tpu.memory_space<semaphore_mem>>)
        %dma_wait3A_143 = arith.constant 0 : i32
        %dma_wait3A_144 = tpu.memref_slice %arg3[%add3A, %mul3A_18, %dma_wait3A_143] : memref<32x128x80xi32, #tpu.memory_space<hbm>> -> memref<1x32x80xi32, #tpu.memory_space<hbm>>
        %dma_wait3A_145 = tpu.memref_squeeze %dma_wait3A_144 : memref<1x32x80xi32, #tpu.memory_space<hbm>> -> memref<32x80xi32, #tpu.memory_space<hbm>>
        %dma_wait3A_146 = arith.constant 0 : i32
        %dma_wait3A_147 = tpu.memref_slice %arg3[%add3A, %mul3A_18, %dma_wait3A_146] : memref<32x128x80xi32, #tpu.memory_space<hbm>> -> memref<1x32x80xi32, #tpu.memory_space<hbm>>
        %dma_wait3A_148 = tpu.memref_squeeze %dma_wait3A_147 : memref<1x32x80xi32, #tpu.memory_space<hbm>> -> memref<32x80xi32, #tpu.memory_space<hbm>>
        tpu.wait_dma2 semaphore(%run_scoped3A : memref<!tpu.dma_semaphore, #tpu.memory_space<semaphore_mem>>) src(%dma_wait3A_148 : memref<32x80xi32, #tpu.memory_space<hbm>>) dst(%arg7 : memref<32x80xi32, #tpu.memory_space<vmem>>)
        tpu.yield
      }) : () -> ()
      %mul3A_19 = arith.constant 32 : i32
      %mul3A_20 = arith.muli %scan3A_16, %mul3A_19 : i32
      "tpu.region"() ({
        %run_scoped3A = tpu.sem_alloc : memref<!tpu.dma_semaphore, #tpu.memory_space<semaphore_mem>>
        %dma_start3A_137 = arith.constant 0 : i32
        %dma_start3A_138 = tpu.memref_slice %arg4[%add3A, %mul3A_20, %dma_start3A_137] : memref<32x128x80xi32, #tpu.memory_space<hbm>> -> memref<1x32x80xi32, #tpu.memory_space<hbm>>
        %dma_start3A_139 = tpu.memref_squeeze %dma_start3A_138 : memref<1x32x80xi32, #tpu.memory_space<hbm>> -> memref<32x80xi32, #tpu.memory_space<hbm>>
        %dma_start3A_140 = arith.constant 0 : i32
        %dma_start3A_141 = tpu.memref_slice %arg4[%add3A, %mul3A_20, %dma_start3A_140] : memref<32x128x80xi32, #tpu.memory_space<hbm>> -> memref<1x32x80xi32, #tpu.memory_space<hbm>>
        %dma_start3A_142 = tpu.memref_squeeze %dma_start3A_141 : memref<1x32x80xi32, #tpu.memory_space<hbm>> -> memref<32x80xi32, #tpu.memory_space<hbm>>
        tpu.enqueue_dma source(%dma_start3A_142 : memref<32x80xi32, #tpu.memory_space<hbm>>) target(%arg8 : memref<32x80xi32, #tpu.memory_space<vmem>>) target_semaphore(%run_scoped3A : memref<!tpu.dma_semaphore, #tpu.memory_space<semaphore_mem>>)
        %dma_wait3A_143 = arith.constant 0 : i32
        %dma_wait3A_144 = tpu.memref_slice %arg4[%add3A, %mul3A_20, %dma_wait3A_143] : memref<32x128x80xi32, #tpu.memory_space<hbm>> -> memref<1x32x80xi32, #tpu.memory_space<hbm>>
        %dma_wait3A_145 = tpu.memref_squeeze %dma_wait3A_144 : memref<1x32x80xi32, #tpu.memory_space<hbm>> -> memref<32x80xi32, #tpu.memory_space<hbm>>
        %dma_wait3A_146 = arith.constant 0 : i32
        %dma_wait3A_147 = tpu.memref_slice %arg4[%add3A, %mul3A_20, %dma_wait3A_146] : memref<32x128x80xi32, #tpu.memory_space<hbm>> -> memref<1x32x80xi32, #tpu.memory_space<hbm>>
        %dma_wait3A_148 = tpu.memref_squeeze %dma_wait3A_147 : memref<1x32x80xi32, #tpu.memory_space<hbm>> -> memref<32x80xi32, #tpu.memory_space<hbm>>
        tpu.wait_dma2 semaphore(%run_scoped3A : memref<!tpu.dma_semaphore, #tpu.memory_space<semaphore_mem>>) src(%dma_wait3A_148 : memref<32x80xi32, #tpu.memory_space<hbm>>) dst(%arg8 : memref<32x80xi32, #tpu.memory_space<vmem>>)
        tpu.yield
      }) : () -> ()
      %dma_start3A = arith.constant 0 : i32
      %dma_start3A_21 = arith.constant 0 : i32
      %dma_start3A_22 = tpu.memref_slice %arg7[%dma_start3A, %dma_start3A_21] : memref<32x80xi32, #tpu.memory_space<vmem>> -> memref<1x80xi32, #tpu.memory_space<vmem>>
      %dma_start3A_23 = tpu.memref_squeeze %dma_start3A_22 : memref<1x80xi32, #tpu.memory_space<vmem>> -> memref<80xi32, #tpu.memory_space<vmem>>
      %dma_start3A_24 = arith.constant 0 : i32
      %dma_start3A_25 = arith.constant 0 : i32
      %dma_start3A_26 = tpu.memref_slice %arg2[%dma_start3A_24, %dma_start3A_25] : memref<10000x128xf32, #tpu.memory_space<hbm>> -> memref<10000x128xf32, #tpu.memory_space<hbm>>
      tpu.enqueue_indirect_dma source(%dma_start3A_26 : memref<10000x128xf32, #tpu.memory_space<hbm>>) target(%arg9 : memref<80x128xf32, #tpu.memory_space<vmem>>) offsets(%dma_start3A_23 : memref<80xi32, #tpu.memory_space<vmem>>) semaphore(%arg13 : memref<!tpu.dma_semaphore, #tpu.memory_space<semaphore_mem>>)
      %dma_start3A_27 = arith.constant 1 : i32
      %dma_start3A_28 = arith.constant 0 : i32
      %dma_start3A_29 = tpu.memref_slice %arg7[%dma_start3A_27, %dma_start3A_28] : memref<32x80xi32, #tpu.memory_space<vmem>> -> memref<1x80xi32, #tpu.memory_space<vmem>>
      %dma_start3A_30 = tpu.memref_squeeze %dma_start3A_29 : memref<1x80xi32, #tpu.memory_space<vmem>> -> memref<80xi32, #tpu.memory_space<vmem>>
      %dma_start3A_31 = arith.constant 0 : i32
      %dma_start3A_32 = arith.constant 0 : i32
      %dma_start3A_33 = tpu.memref_slice %arg2[%dma_start3A_31, %dma_start3A_32] : memref<10000x128xf32, #tpu.memory_space<hbm>> -> memref<10000x128xf32, #tpu.memory_space<hbm>>
      tpu.enqueue_indirect_dma source(%dma_start3A_33 : memref<10000x128xf32, #tpu.memory_space<hbm>>) target(%arg10 : memref<80x128xf32, #tpu.memory_space<vmem>>) offsets(%dma_start3A_30 : memref<80xi32, #tpu.memory_space<vmem>>) semaphore(%arg14 : memref<!tpu.dma_semaphore, #tpu.memory_space<semaphore_mem>>)
      %dma_start3A_34 = arith.constant 2 : i32
      %dma_start3A_35 = arith.constant 0 : i32
      %dma_start3A_36 = tpu.memref_slice %arg7[%dma_start3A_34, %dma_start3A_35] : memref<32x80xi32, #tpu.memory_space<vmem>> -> memref<1x80xi32, #tpu.memory_space<vmem>>
      %dma_start3A_37 = tpu.memref_squeeze %dma_start3A_36 : memref<1x80xi32, #tpu.memory_space<vmem>> -> memref<80xi32, #tpu.memory_space<vmem>>
      %dma_start3A_38 = arith.constant 0 : i32
      %dma_start3A_39 = arith.constant 0 : i32
      %dma_start3A_40 = tpu.memref_slice %arg2[%dma_start3A_38, %dma_start3A_39] : memref<10000x128xf32, #tpu.memory_space<hbm>> -> memref<10000x128xf32, #tpu.memory_space<hbm>>
      tpu.enqueue_indirect_dma source(%dma_start3A_40 : memref<10000x128xf32, #tpu.memory_space<hbm>>) target(%arg11 : memref<80x128xf32, #tpu.memory_space<vmem>>) offsets(%dma_start3A_37 : memref<80xi32, #tpu.memory_space<vmem>>) semaphore(%arg15 : memref<!tpu.dma_semaphore, #tpu.memory_space<semaphore_mem>>)
      %dma_start3A_41 = arith.constant 3 : i32
      %dma_start3A_42 = arith.constant 0 : i32
      %dma_start3A_43 = tpu.memref_slice %arg7[%dma_start3A_41, %dma_start3A_42] : memref<32x80xi32, #tpu.memory_space<vmem>> -> memref<1x80xi32, #tpu.memory_space<vmem>>
      %dma_start3A_44 = tpu.memref_squeeze %dma_start3A_43 : memref<1x80xi32, #tpu.memory_space<vmem>> -> memref<80xi32, #tpu.memory_space<vmem>>
      %dma_start3A_45 = arith.constant 0 : i32
      %dma_start3A_46 = arith.constant 0 : i32
      %dma_start3A_47 = tpu.memref_slice %arg2[%dma_start3A_45, %dma_start3A_46] : memref<10000x128xf32, #tpu.memory_space<hbm>> -> memref<10000x128xf32, #tpu.memory_space<hbm>>
      tpu.enqueue_indirect_dma source(%dma_start3A_47 : memref<10000x128xf32, #tpu.memory_space<hbm>>) target(%arg12 : memref<80x128xf32, #tpu.memory_space<vmem>>) offsets(%dma_start3A_44 : memref<80xi32, #tpu.memory_space<vmem>>) semaphore(%arg16 : memref<!tpu.dma_semaphore, #tpu.memory_space<semaphore_mem>>)
      %scan3A_48 = arith.constant 0 : i32
      %scan3A_49 = arith.constant 0 : i32
      %scan3A_50 = arith.constant 7 : i32
      %scan3A_51 = arith.addi %scan3A_49, %scan3A_50 : i32
      %scan3A_52 = arith.constant 1 : i32
      scf.for %scan3A_137 = %scan3A_49 to %scan3A_51 step %scan3A_52  : i32 {
        %mul3A_138 = arith.constant 4 : i32
        %mul3A_139 = arith.muli %scan3A_137, %mul3A_138 : i32
        %add3A_140 = arith.constant 0 : i32
        %add3A_141 = arith.addi %mul3A_139, %add3A_140 : i32
        %dma_wait3A_142 = arith.constant 0 : i32
        %dma_wait3A_143 = tpu.memref_slice %arg7[%add3A_141, %dma_wait3A_142] : memref<32x80xi32, #tpu.memory_space<vmem>> -> memref<1x80xi32, #tpu.memory_space<vmem>>
        %dma_wait3A_144 = tpu.memref_squeeze %dma_wait3A_143 : memref<1x80xi32, #tpu.memory_space<vmem>> -> memref<80xi32, #tpu.memory_space<vmem>>
        %dma_wait3A_145 = arith.constant 0 : i32
        %dma_wait3A_146 = arith.constant 0 : i32
        %dma_wait3A_147 = tpu.memref_slice %arg2[%dma_wait3A_145, %dma_wait3A_146] : memref<10000x128xf32, #tpu.memory_space<hbm>> -> memref<10000x128xf32, #tpu.memory_space<hbm>>
        tpu.wait_indirect_dma semaphore(%arg13 : memref<!tpu.dma_semaphore, #tpu.memory_space<semaphore_mem>>) src(%dma_wait3A_147 : memref<10000x128xf32, #tpu.memory_space<hbm>>) dst(%arg9 : memref<80x128xf32, #tpu.memory_space<vmem>>)
        %add3A_148 = arith.constant 0 : i32
        %add3A_149 = arith.addi %mul3A_139, %add3A_148 : i32
        %dma_start3A_150 = arith.constant 0 : i32
        %dma_start3A_151 = tpu.memref_slice %arg8[%add3A_149, %dma_start3A_150] : memref<32x80xi32, #tpu.memory_space<vmem>> -> memref<1x80xi32, #tpu.memory_space<vmem>>
        %dma_start3A_152 = tpu.memref_squeeze %dma_start3A_151 : memref<1x80xi32, #tpu.memory_space<vmem>> -> memref<80xi32, #tpu.memory_space<vmem>>
        %dma_start3A_153 = arith.constant 0 : i32
        %dma_start3A_154 = arith.constant 0 : i32
        %dma_start3A_155 = tpu.memref_slice %arg21[%dma_start3A_153, %dma_start3A_154] : memref<10080x128xf32, #tpu.memory_space<vmem_shared>> -> memref<10080x128xf32, #tpu.memory_space<vmem_shared>>
        tpu.enqueue_indirect_dma source(%arg9 : memref<80x128xf32, #tpu.memory_space<vmem>>) target(%dma_start3A_155 : memref<10080x128xf32, #tpu.memory_space<vmem_shared>>) offsets(%dma_start3A_152 : memref<80xi32, #tpu.memory_space<vmem>>) semaphore(%arg17 : memref<!tpu.dma_semaphore, #tpu.memory_space<semaphore_mem>>) {add = true}
        %add3A_156 = arith.constant 1 : i32
        %add3A_157 = arith.addi %mul3A_139, %add3A_156 : i32
        %dma_wait3A_158 = arith.constant 0 : i32
        %dma_wait3A_159 = tpu.memref_slice %arg7[%add3A_157, %dma_wait3A_158] : memref<32x80xi32, #tpu.memory_space<vmem>> -> memref<1x80xi32, #tpu.memory_space<vmem>>
        %dma_wait3A_160 = tpu.memref_squeeze %dma_wait3A_159 : memref<1x80xi32, #tpu.memory_space<vmem>> -> memref<80xi32, #tpu.memory_space<vmem>>
        %dma_wait3A_161 = arith.constant 0 : i32
        %dma_wait3A_162 = arith.constant 0 : i32
        %dma_wait3A_163 = tpu.memref_slice %arg2[%dma_wait3A_161, %dma_wait3A_162] : memref<10000x128xf32, #tpu.memory_space<hbm>> -> memref<10000x128xf32, #tpu.memory_space<hbm>>
        tpu.wait_indirect_dma semaphore(%arg14 : memref<!tpu.dma_semaphore, #tpu.memory_space<semaphore_mem>>) src(%dma_wait3A_163 : memref<10000x128xf32, #tpu.memory_space<hbm>>) dst(%arg10 : memref<80x128xf32, #tpu.memory_space<vmem>>)
        %add3A_164 = arith.constant 1 : i32
        %add3A_165 = arith.addi %mul3A_139, %add3A_164 : i32
        %dma_start3A_166 = arith.constant 0 : i32
        %dma_start3A_167 = tpu.memref_slice %arg8[%add3A_165, %dma_start3A_166] : memref<32x80xi32, #tpu.memory_space<vmem>> -> memref<1x80xi32, #tpu.memory_space<vmem>>
        %dma_start3A_168 = tpu.memref_squeeze %dma_start3A_167 : memref<1x80xi32, #tpu.memory_space<vmem>> -> memref<80xi32, #tpu.memory_space<vmem>>
        %dma_start3A_169 = arith.constant 0 : i32
        %dma_start3A_170 = arith.constant 0 : i32
        %dma_start3A_171 = tpu.memref_slice %arg21[%dma_start3A_169, %dma_start3A_170] : memref<10080x128xf32, #tpu.memory_space<vmem_shared>> -> memref<10080x128xf32, #tpu.memory_space<vmem_shared>>
        tpu.enqueue_indirect_dma source(%arg10 : memref<80x128xf32, #tpu.memory_space<vmem>>) target(%dma_start3A_171 : memref<10080x128xf32, #tpu.memory_space<vmem_shared>>) offsets(%dma_start3A_168 : memref<80xi32, #tpu.memory_space<vmem>>) semaphore(%arg18 : memref<!tpu.dma_semaphore, #tpu.memory_space<semaphore_mem>>) {add = true}
        %add3A_172 = arith.constant 2 : i32
        %add3A_173 = arith.addi %mul3A_139, %add3A_172 : i32
        %dma_wait3A_174 = arith.constant 0 : i32
        %dma_wait3A_175 = tpu.memref_slice %arg7[%add3A_173, %dma_wait3A_174] : memref<32x80xi32, #tpu.memory_space<vmem>> -> memref<1x80xi32, #tpu.memory_space<vmem>>
        %dma_wait3A_176 = tpu.memref_squeeze %dma_wait3A_175 : memref<1x80xi32, #tpu.memory_space<vmem>> -> memref<80xi32, #tpu.memory_space<vmem>>
        %dma_wait3A_177 = arith.constant 0 : i32
        %dma_wait3A_178 = arith.constant 0 : i32
        %dma_wait3A_179 = tpu.memref_slice %arg2[%dma_wait3A_177, %dma_wait3A_178] : memref<10000x128xf32, #tpu.memory_space<hbm>> -> memref<10000x128xf32, #tpu.memory_space<hbm>>
        tpu.wait_indirect_dma semaphore(%arg15 : memref<!tpu.dma_semaphore, #tpu.memory_space<semaphore_mem>>) src(%dma_wait3A_179 : memref<10000x128xf32, #tpu.memory_space<hbm>>) dst(%arg11 : memref<80x128xf32, #tpu.memory_space<vmem>>)
        %add3A_180 = arith.constant 2 : i32
        %add3A_181 = arith.addi %mul3A_139, %add3A_180 : i32
        %dma_start3A_182 = arith.constant 0 : i32
        %dma_start3A_183 = tpu.memref_slice %arg8[%add3A_181, %dma_start3A_182] : memref<32x80xi32, #tpu.memory_space<vmem>> -> memref<1x80xi32, #tpu.memory_space<vmem>>
        %dma_start3A_184 = tpu.memref_squeeze %dma_start3A_183 : memref<1x80xi32, #tpu.memory_space<vmem>> -> memref<80xi32, #tpu.memory_space<vmem>>
        %dma_start3A_185 = arith.constant 0 : i32
        %dma_start3A_186 = arith.constant 0 : i32
        %dma_start3A_187 = tpu.memref_slice %arg21[%dma_start3A_185, %dma_start3A_186] : memref<10080x128xf32, #tpu.memory_space<vmem_shared>> -> memref<10080x128xf32, #tpu.memory_space<vmem_shared>>
        tpu.enqueue_indirect_dma source(%arg11 : memref<80x128xf32, #tpu.memory_space<vmem>>) target(%dma_start3A_187 : memref<10080x128xf32, #tpu.memory_space<vmem_shared>>) offsets(%dma_start3A_184 : memref<80xi32, #tpu.memory_space<vmem>>) semaphore(%arg19 : memref<!tpu.dma_semaphore, #tpu.memory_space<semaphore_mem>>) {add = true}
        %add3A_188 = arith.constant 3 : i32
        %add3A_189 = arith.addi %mul3A_139, %add3A_188 : i32
        %dma_wait3A_190 = arith.constant 0 : i32
        %dma_wait3A_191 = tpu.memref_slice %arg7[%add3A_189, %dma_wait3A_190] : memref<32x80xi32, #tpu.memory_space<vmem>> -> memref<1x80xi32, #tpu.memory_space<vmem>>
        %dma_wait3A_192 = tpu.memref_squeeze %dma_wait3A_191 : memref<1x80xi32, #tpu.memory_space<vmem>> -> memref<80xi32, #tpu.memory_space<vmem>>
        %dma_wait3A_193 = arith.constant 0 : i32
        %dma_wait3A_194 = arith.constant 0 : i32
        %dma_wait3A_195 = tpu.memref_slice %arg2[%dma_wait3A_193, %dma_wait3A_194] : memref<10000x128xf32, #tpu.memory_space<hbm>> -> memref<10000x128xf32, #tpu.memory_space<hbm>>
        tpu.wait_indirect_dma semaphore(%arg16 : memref<!tpu.dma_semaphore, #tpu.memory_space<semaphore_mem>>) src(%dma_wait3A_195 : memref<10000x128xf32, #tpu.memory_space<hbm>>) dst(%arg12 : memref<80x128xf32, #tpu.memory_space<vmem>>)
        %add3A_196 = arith.constant 3 : i32
        %add3A_197 = arith.addi %mul3A_139, %add3A_196 : i32
        %dma_start3A_198 = arith.constant 0 : i32
        %dma_start3A_199 = tpu.memref_slice %arg8[%add3A_197, %dma_start3A_198] : memref<32x80xi32, #tpu.memory_space<vmem>> -> memref<1x80xi32, #tpu.memory_space<vmem>>
        %dma_start3A_200 = tpu.memref_squeeze %dma_start3A_199 : memref<1x80xi32, #tpu.memory_space<vmem>> -> memref<80xi32, #tpu.memory_space<vmem>>
        %dma_start3A_201 = arith.constant 0 : i32
        %dma_start3A_202 = arith.constant 0 : i32
        %dma_start3A_203 = tpu.memref_slice %arg21[%dma_start3A_201, %dma_start3A_202] : memref<10080x128xf32, #tpu.memory_space<vmem_shared>> -> memref<10080x128xf32, #tpu.memory_space<vmem_shared>>
        tpu.enqueue_indirect_dma source(%arg12 : memref<80x128xf32, #tpu.memory_space<vmem>>) target(%dma_start3A_203 : memref<10080x128xf32, #tpu.memory_space<vmem_shared>>) offsets(%dma_start3A_200 : memref<80xi32, #tpu.memory_space<vmem>>) semaphore(%arg20 : memref<!tpu.dma_semaphore, #tpu.memory_space<semaphore_mem>>) {add = true}
        %add3A_204 = arith.constant 0 : i32
        %add3A_205 = arith.addi %mul3A_139, %add3A_204 : i32
        %dma_wait3A_206 = arith.constant 0 : i32
        %dma_wait3A_207 = tpu.memref_slice %arg8[%add3A_205, %dma_wait3A_206] : memref<32x80xi32, #tpu.memory_space<vmem>> -> memref<1x80xi32, #tpu.memory_space<vmem>>
        %dma_wait3A_208 = tpu.memref_squeeze %dma_wait3A_207 : memref<1x80xi32, #tpu.memory_space<vmem>> -> memref<80xi32, #tpu.memory_space<vmem>>
        %dma_wait3A_209 = arith.constant 0 : i32
        %dma_wait3A_210 = arith.constant 0 : i32
        %dma_wait3A_211 = tpu.memref_slice %arg21[%dma_wait3A_209, %dma_wait3A_210] : memref<10080x128xf32, #tpu.memory_space<vmem_shared>> -> memref<10080x128xf32, #tpu.memory_space<vmem_shared>>
        tpu.wait_indirect_dma semaphore(%arg17 : memref<!tpu.dma_semaphore, #tpu.memory_space<semaphore_mem>>) src(%arg9 : memref<80x128xf32, #tpu.memory_space<vmem>>) dst(%dma_wait3A_211 : memref<10080x128xf32, #tpu.memory_space<vmem_shared>>)
        %add3A_212 = arith.constant 4 : i32
        %add3A_213 = arith.addi %mul3A_139, %add3A_212 : i32
        %add3A_214 = arith.constant 0 : i32
        %add3A_215 = arith.addi %add3A_213, %add3A_214 : i32
        %dma_start3A_216 = arith.constant 0 : i32
        %dma_start3A_217 = tpu.memref_slice %arg7[%add3A_215, %dma_start3A_216] : memref<32x80xi32, #tpu.memory_space<vmem>> -> memref<1x80xi32, #tpu.memory_space<vmem>>
        %dma_start3A_218 = tpu.memref_squeeze %dma_start3A_217 : memref<1x80xi32, #tpu.memory_space<vmem>> -> memref<80xi32, #tpu.memory_space<vmem>>
        %dma_start3A_219 = arith.constant 0 : i32
        %dma_start3A_220 = arith.constant 0 : i32
        %dma_start3A_221 = tpu.memref_slice %arg2[%dma_start3A_219, %dma_start3A_220] : memref<10000x128xf32, #tpu.memory_space<hbm>> -> memref<10000x128xf32, #tpu.memory_space<hbm>>
        tpu.enqueue_indirect_dma source(%dma_start3A_221 : memref<10000x128xf32, #tpu.memory_space<hbm>>) target(%arg9 : memref<80x128xf32, #tpu.memory_space<vmem>>) offsets(%dma_start3A_218 : memref<80xi32, #tpu.memory_space<vmem>>) semaphore(%arg13 : memref<!tpu.dma_semaphore, #tpu.memory_space<semaphore_mem>>)
        %add3A_222 = arith.constant 1 : i32
        %add3A_223 = arith.addi %mul3A_139, %add3A_222 : i32
        %dma_wait3A_224 = arith.constant 0 : i32
        %dma_wait3A_225 = tpu.memref_slice %arg8[%add3A_223, %dma_wait3A_224] : memref<32x80xi32, #tpu.memory_space<vmem>> -> memref<1x80xi32, #tpu.memory_space<vmem>>
        %dma_wait3A_226 = tpu.memref_squeeze %dma_wait3A_225 : memref<1x80xi32, #tpu.memory_space<vmem>> -> memref<80xi32, #tpu.memory_space<vmem>>
        %dma_wait3A_227 = arith.constant 0 : i32
        %dma_wait3A_228 = arith.constant 0 : i32
        %dma_wait3A_229 = tpu.memref_slice %arg21[%dma_wait3A_227, %dma_wait3A_228] : memref<10080x128xf32, #tpu.memory_space<vmem_shared>> -> memref<10080x128xf32, #tpu.memory_space<vmem_shared>>
        tpu.wait_indirect_dma semaphore(%arg18 : memref<!tpu.dma_semaphore, #tpu.memory_space<semaphore_mem>>) src(%arg10 : memref<80x128xf32, #tpu.memory_space<vmem>>) dst(%dma_wait3A_229 : memref<10080x128xf32, #tpu.memory_space<vmem_shared>>)
        %add3A_230 = arith.constant 4 : i32
        %add3A_231 = arith.addi %mul3A_139, %add3A_230 : i32
        %add3A_232 = arith.constant 1 : i32
        %add3A_233 = arith.addi %add3A_231, %add3A_232 : i32
        %dma_start3A_234 = arith.constant 0 : i32
        %dma_start3A_235 = tpu.memref_slice %arg7[%add3A_233, %dma_start3A_234] : memref<32x80xi32, #tpu.memory_space<vmem>> -> memref<1x80xi32, #tpu.memory_space<vmem>>
        %dma_start3A_236 = tpu.memref_squeeze %dma_start3A_235 : memref<1x80xi32, #tpu.memory_space<vmem>> -> memref<80xi32, #tpu.memory_space<vmem>>
        %dma_start3A_237 = arith.constant 0 : i32
        %dma_start3A_238 = arith.constant 0 : i32
        %dma_start3A_239 = tpu.memref_slice %arg2[%dma_start3A_237, %dma_start3A_238] : memref<10000x128xf32, #tpu.memory_space<hbm>> -> memref<10000x128xf32, #tpu.memory_space<hbm>>
        tpu.enqueue_indirect_dma source(%dma_start3A_239 : memref<10000x128xf32, #tpu.memory_space<hbm>>) target(%arg10 : memref<80x128xf32, #tpu.memory_space<vmem>>) offsets(%dma_start3A_236 : memref<80xi32, #tpu.memory_space<vmem>>) semaphore(%arg14 : memref<!tpu.dma_semaphore, #tpu.memory_space<semaphore_mem>>)
        %add3A_240 = arith.constant 2 : i32
        %add3A_241 = arith.addi %mul3A_139, %add3A_240 : i32
        %dma_wait3A_242 = arith.constant 0 : i32
        %dma_wait3A_243 = tpu.memref_slice %arg8[%add3A_241, %dma_wait3A_242] : memref<32x80xi32, #tpu.memory_space<vmem>> -> memref<1x80xi32, #tpu.memory_space<vmem>>
        %dma_wait3A_244 = tpu.memref_squeeze %dma_wait3A_243 : memref<1x80xi32, #tpu.memory_space<vmem>> -> memref<80xi32, #tpu.memory_space<vmem>>
        %dma_wait3A_245 = arith.constant 0 : i32
        %dma_wait3A_246 = arith.constant 0 : i32
        %dma_wait3A_247 = tpu.memref_slice %arg21[%dma_wait3A_245, %dma_wait3A_246] : memref<10080x128xf32, #tpu.memory_space<vmem_shared>> -> memref<10080x128xf32, #tpu.memory_space<vmem_shared>>
        tpu.wait_indirect_dma semaphore(%arg19 : memref<!tpu.dma_semaphore, #tpu.memory_space<semaphore_mem>>) src(%arg11 : memref<80x128xf32, #tpu.memory_space<vmem>>) dst(%dma_wait3A_247 : memref<10080x128xf32, #tpu.memory_space<vmem_shared>>)
        %add3A_248 = arith.constant 4 : i32
        %add3A_249 = arith.addi %mul3A_139, %add3A_248 : i32
        %add3A_250 = arith.constant 2 : i32
        %add3A_251 = arith.addi %add3A_249, %add3A_250 : i32
        %dma_start3A_252 = arith.constant 0 : i32
        %dma_start3A_253 = tpu.memref_slice %arg7[%add3A_251, %dma_start3A_252] : memref<32x80xi32, #tpu.memory_space<vmem>> -> memref<1x80xi32, #tpu.memory_space<vmem>>
        %dma_start3A_254 = tpu.memref_squeeze %dma_start3A_253 : memref<1x80xi32, #tpu.memory_space<vmem>> -> memref<80xi32, #tpu.memory_space<vmem>>
        %dma_start3A_255 = arith.constant 0 : i32
        %dma_start3A_256 = arith.constant 0 : i32
        %dma_start3A_257 = tpu.memref_slice %arg2[%dma_start3A_255, %dma_start3A_256] : memref<10000x128xf32, #tpu.memory_space<hbm>> -> memref<10000x128xf32, #tpu.memory_space<hbm>>
        tpu.enqueue_indirect_dma source(%dma_start3A_257 : memref<10000x128xf32, #tpu.memory_space<hbm>>) target(%arg11 : memref<80x128xf32, #tpu.memory_space<vmem>>) offsets(%dma_start3A_254 : memref<80xi32, #tpu.memory_space<vmem>>) semaphore(%arg15 : memref<!tpu.dma_semaphore, #tpu.memory_space<semaphore_mem>>)
        %add3A_258 = arith.constant 3 : i32
        %add3A_259 = arith.addi %mul3A_139, %add3A_258 : i32
        %dma_wait3A_260 = arith.constant 0 : i32
        %dma_wait3A_261 = tpu.memref_slice %arg8[%add3A_259, %dma_wait3A_260] : memref<32x80xi32, #tpu.memory_space<vmem>> -> memref<1x80xi32, #tpu.memory_space<vmem>>
        %dma_wait3A_262 = tpu.memref_squeeze %dma_wait3A_261 : memref<1x80xi32, #tpu.memory_space<vmem>> -> memref<80xi32, #tpu.memory_space<vmem>>
        %dma_wait3A_263 = arith.constant 0 : i32
        %dma_wait3A_264 = arith.constant 0 : i32
        %dma_wait3A_265 = tpu.memref_slice %arg21[%dma_wait3A_263, %dma_wait3A_264] : memref<10080x128xf32, #tpu.memory_space<vmem_shared>> -> memref<10080x128xf32, #tpu.memory_space<vmem_shared>>
        tpu.wait_indirect_dma semaphore(%arg20 : memref<!tpu.dma_semaphore, #tpu.memory_space<semaphore_mem>>) src(%arg12 : memref<80x128xf32, #tpu.memory_space<vmem>>) dst(%dma_wait3A_265 : memref<10080x128xf32, #tpu.memory_space<vmem_shared>>)
        %add3A_266 = arith.constant 4 : i32
        %add3A_267 = arith.addi %mul3A_139, %add3A_266 : i32
        %add3A_268 = arith.constant 3 : i32
        %add3A_269 = arith.addi %add3A_267, %add3A_268 : i32
        %dma_start3A_270 = arith.constant 0 : i32
        %dma_start3A_271 = tpu.memref_slice %arg7[%add3A_269, %dma_start3A_270] : memref<32x80xi32, #tpu.memory_space<vmem>> -> memref<1x80xi32, #tpu.memory_space<vmem>>
        %dma_start3A_272 = tpu.memref_squeeze %dma_start3A_271 : memref<1x80xi32, #tpu.memory_space<vmem>> -> memref<80xi32, #tpu.memory_space<vmem>>
        %dma_start3A_273 = arith.constant 0 : i32
        %dma_start3A_274 = arith.constant 0 : i32
        %dma_start3A_275 = tpu.memref_slice %arg2[%dma_start3A_273, %dma_start3A_274] : memref<10000x128xf32, #tpu.memory_space<hbm>> -> memref<10000x128xf32, #tpu.memory_space<hbm>>
        tpu.enqueue_indirect_dma source(%dma_start3A_275 : memref<10000x128xf32, #tpu.memory_space<hbm>>) target(%arg12 : memref<80x128xf32, #tpu.memory_space<vmem>>) offsets(%dma_start3A_272 : memref<80xi32, #tpu.memory_space<vmem>>) semaphore(%arg16 : memref<!tpu.dma_semaphore, #tpu.memory_space<semaphore_mem>>)
      }
      %scan3A_53 = arith.constant 7 : i32
      %dma_wait3A = arith.constant 28 : i32
      %dma_wait3A_54 = arith.constant 0 : i32
      %dma_wait3A_55 = tpu.memref_slice %arg7[%dma_wait3A, %dma_wait3A_54] : memref<32x80xi32, #tpu.memory_space<vmem>> -> memref<1x80xi32, #tpu.memory_space<vmem>>
      %dma_wait3A_56 = tpu.memref_squeeze %dma_wait3A_55 : memref<1x80xi32, #tpu.memory_space<vmem>> -> memref<80xi32, #tpu.memory_space<vmem>>
      %dma_wait3A_57 = arith.constant 0 : i32
      %dma_wait3A_58 = arith.constant 0 : i32
      %dma_wait3A_59 = tpu.memref_slice %arg2[%dma_wait3A_57, %dma_wait3A_58] : memref<10000x128xf32, #tpu.memory_space<hbm>> -> memref<10000x128xf32, #tpu.memory_space<hbm>>
      tpu.wait_indirect_dma semaphore(%arg13 : memref<!tpu.dma_semaphore, #tpu.memory_space<semaphore_mem>>) src(%dma_wait3A_59 : memref<10000x128xf32, #tpu.memory_space<hbm>>) dst(%arg9 : memref<80x128xf32, #tpu.memory_space<vmem>>)
      %dma_start3A_60 = arith.constant 28 : i32
      %dma_start3A_61 = arith.constant 0 : i32
      %dma_start3A_62 = tpu.memref_slice %arg8[%dma_start3A_60, %dma_start3A_61] : memref<32x80xi32, #tpu.memory_space<vmem>> -> memref<1x80xi32, #tpu.memory_space<vmem>>
      %dma_start3A_63 = tpu.memref_squeeze %dma_start3A_62 : memref<1x80xi32, #tpu.memory_space<vmem>> -> memref<80xi32, #tpu.memory_space<vmem>>
      %dma_start3A_64 = arith.constant 0 : i32
      %dma_start3A_65 = arith.constant 0 : i32
      %dma_start3A_66 = tpu.memref_slice %arg21[%dma_start3A_64, %dma_start3A_65] : memref<10080x128xf32, #tpu.memory_space<vmem_shared>> -> memref<10080x128xf32, #tpu.memory_space<vmem_shared>>
      tpu.enqueue_indirect_dma source(%arg9 : memref<80x128xf32, #tpu.memory_space<vmem>>) target(%dma_start3A_66 : memref<10080x128xf32, #tpu.memory_space<vmem_shared>>) offsets(%dma_start3A_63 : memref<80xi32, #tpu.memory_space<vmem>>) semaphore(%arg17 : memref<!tpu.dma_semaphore, #tpu.memory_space<semaphore_mem>>) {add = true}
      %dma_wait3A_67 = arith.constant 29 : i32
      %dma_wait3A_68 = arith.constant 0 : i32
      %dma_wait3A_69 = tpu.memref_slice %arg7[%dma_wait3A_67, %dma_wait3A_68] : memref<32x80xi32, #tpu.memory_space<vmem>> -> memref<1x80xi32, #tpu.memory_space<vmem>>
      %dma_wait3A_70 = tpu.memref_squeeze %dma_wait3A_69 : memref<1x80xi32, #tpu.memory_space<vmem>> -> memref<80xi32, #tpu.memory_space<vmem>>
      %dma_wait3A_71 = arith.constant 0 : i32
      %dma_wait3A_72 = arith.constant 0 : i32
      %dma_wait3A_73 = tpu.memref_slice %arg2[%dma_wait3A_71, %dma_wait3A_72] : memref<10000x128xf32, #tpu.memory_space<hbm>> -> memref<10000x128xf32, #tpu.memory_space<hbm>>
      tpu.wait_indirect_dma semaphore(%arg14 : memref<!tpu.dma_semaphore, #tpu.memory_space<semaphore_mem>>) src(%dma_wait3A_73 : memref<10000x128xf32, #tpu.memory_space<hbm>>) dst(%arg10 : memref<80x128xf32, #tpu.memory_space<vmem>>)
      %dma_start3A_74 = arith.constant 29 : i32
      %dma_start3A_75 = arith.constant 0 : i32
      %dma_start3A_76 = tpu.memref_slice %arg8[%dma_start3A_74, %dma_start3A_75] : memref<32x80xi32, #tpu.memory_space<vmem>> -> memref<1x80xi32, #tpu.memory_space<vmem>>
      %dma_start3A_77 = tpu.memref_squeeze %dma_start3A_76 : memref<1x80xi32, #tpu.memory_space<vmem>> -> memref<80xi32, #tpu.memory_space<vmem>>
      %dma_start3A_78 = arith.constant 0 : i32
      %dma_start3A_79 = arith.constant 0 : i32
      %dma_start3A_80 = tpu.memref_slice %arg21[%dma_start3A_78, %dma_start3A_79] : memref<10080x128xf32, #tpu.memory_space<vmem_shared>> -> memref<10080x128xf32, #tpu.memory_space<vmem_shared>>
      tpu.enqueue_indirect_dma source(%arg10 : memref<80x128xf32, #tpu.memory_space<vmem>>) target(%dma_start3A_80 : memref<10080x128xf32, #tpu.memory_space<vmem_shared>>) offsets(%dma_start3A_77 : memref<80xi32, #tpu.memory_space<vmem>>) semaphore(%arg18 : memref<!tpu.dma_semaphore, #tpu.memory_space<semaphore_mem>>) {add = true}
      %dma_wait3A_81 = arith.constant 30 : i32
      %dma_wait3A_82 = arith.constant 0 : i32
      %dma_wait3A_83 = tpu.memref_slice %arg7[%dma_wait3A_81, %dma_wait3A_82] : memref<32x80xi32, #tpu.memory_space<vmem>> -> memref<1x80xi32, #tpu.memory_space<vmem>>
      %dma_wait3A_84 = tpu.memref_squeeze %dma_wait3A_83 : memref<1x80xi32, #tpu.memory_space<vmem>> -> memref<80xi32, #tpu.memory_space<vmem>>
      %dma_wait3A_85 = arith.constant 0 : i32
      %dma_wait3A_86 = arith.constant 0 : i32
      %dma_wait3A_87 = tpu.memref_slice %arg2[%dma_wait3A_85, %dma_wait3A_86] : memref<10000x128xf32, #tpu.memory_space<hbm>> -> memref<10000x128xf32, #tpu.memory_space<hbm>>
      tpu.wait_indirect_dma semaphore(%arg15 : memref<!tpu.dma_semaphore, #tpu.memory_space<semaphore_mem>>) src(%dma_wait3A_87 : memref<10000x128xf32, #tpu.memory_space<hbm>>) dst(%arg11 : memref<80x128xf32, #tpu.memory_space<vmem>>)
      %dma_start3A_88 = arith.constant 30 : i32
      %dma_start3A_89 = arith.constant 0 : i32
      %dma_start3A_90 = tpu.memref_slice %arg8[%dma_start3A_88, %dma_start3A_89] : memref<32x80xi32, #tpu.memory_space<vmem>> -> memref<1x80xi32, #tpu.memory_space<vmem>>
      %dma_start3A_91 = tpu.memref_squeeze %dma_start3A_90 : memref<1x80xi32, #tpu.memory_space<vmem>> -> memref<80xi32, #tpu.memory_space<vmem>>
      %dma_start3A_92 = arith.constant 0 : i32
      %dma_start3A_93 = arith.constant 0 : i32
      %dma_start3A_94 = tpu.memref_slice %arg21[%dma_start3A_92, %dma_start3A_93] : memref<10080x128xf32, #tpu.memory_space<vmem_shared>> -> memref<10080x128xf32, #tpu.memory_space<vmem_shared>>
      tpu.enqueue_indirect_dma source(%arg11 : memref<80x128xf32, #tpu.memory_space<vmem>>) target(%dma_start3A_94 : memref<10080x128xf32, #tpu.memory_space<vmem_shared>>) offsets(%dma_start3A_91 : memref<80xi32, #tpu.memory_space<vmem>>) semaphore(%arg19 : memref<!tpu.dma_semaphore, #tpu.memory_space<semaphore_mem>>) {add = true}
      %dma_wait3A_95 = arith.constant 31 : i32
      %dma_wait3A_96 = arith.constant 0 : i32
      %dma_wait3A_97 = tpu.memref_slice %arg7[%dma_wait3A_95, %dma_wait3A_96] : memref<32x80xi32, #tpu.memory_space<vmem>> -> memref<1x80xi32, #tpu.memory_space<vmem>>
      %dma_wait3A_98 = tpu.memref_squeeze %dma_wait3A_97 : memref<1x80xi32, #tpu.memory_space<vmem>> -> memref<80xi32, #tpu.memory_space<vmem>>
      %dma_wait3A_99 = arith.constant 0 : i32
      %dma_wait3A_100 = arith.constant 0 : i32
      %dma_wait3A_101 = tpu.memref_slice %arg2[%dma_wait3A_99, %dma_wait3A_100] : memref<10000x128xf32, #tpu.memory_space<hbm>> -> memref<10000x128xf32, #tpu.memory_space<hbm>>
      tpu.wait_indirect_dma semaphore(%arg16 : memref<!tpu.dma_semaphore, #tpu.memory_space<semaphore_mem>>) src(%dma_wait3A_101 : memref<10000x128xf32, #tpu.memory_space<hbm>>) dst(%arg12 : memref<80x128xf32, #tpu.memory_space<vmem>>)
      %dma_start3A_102 = arith.constant 31 : i32
      %dma_start3A_103 = arith.constant 0 : i32
      %dma_start3A_104 = tpu.memref_slice %arg8[%dma_start3A_102, %dma_start3A_103] : memref<32x80xi32, #tpu.memory_space<vmem>> -> memref<1x80xi32, #tpu.memory_space<vmem>>
      %dma_start3A_105 = tpu.memref_squeeze %dma_start3A_104 : memref<1x80xi32, #tpu.memory_space<vmem>> -> memref<80xi32, #tpu.memory_space<vmem>>
      %dma_start3A_106 = arith.constant 0 : i32
      %dma_start3A_107 = arith.constant 0 : i32
      %dma_start3A_108 = tpu.memref_slice %arg21[%dma_start3A_106, %dma_start3A_107] : memref<10080x128xf32, #tpu.memory_space<vmem_shared>> -> memref<10080x128xf32, #tpu.memory_space<vmem_shared>>
      tpu.enqueue_indirect_dma source(%arg12 : memref<80x128xf32, #tpu.memory_space<vmem>>) target(%dma_start3A_108 : memref<10080x128xf32, #tpu.memory_space<vmem_shared>>) offsets(%dma_start3A_105 : memref<80xi32, #tpu.memory_space<vmem>>) semaphore(%arg20 : memref<!tpu.dma_semaphore, #tpu.memory_space<semaphore_mem>>) {add = true}
      %dma_wait3A_109 = arith.constant 28 : i32
      %dma_wait3A_110 = arith.constant 0 : i32
      %dma_wait3A_111 = tpu.memref_slice %arg8[%dma_wait3A_109, %dma_wait3A_110] : memref<32x80xi32, #tpu.memory_space<vmem>> -> memref<1x80xi32, #tpu.memory_space<vmem>>
      %dma_wait3A_112 = tpu.memref_squeeze %dma_wait3A_111 : memref<1x80xi32, #tpu.memory_space<vmem>> -> memref<80xi32, #tpu.memory_space<vmem>>
      %dma_wait3A_113 = arith.constant 0 : i32
      %dma_wait3A_114 = arith.constant 0 : i32
      %dma_wait3A_115 = tpu.memref_slice %arg21[%dma_wait3A_113, %dma_wait3A_114] : memref<10080x128xf32, #tpu.memory_space<vmem_shared>> -> memref<10080x128xf32, #tpu.memory_space<vmem_shared>>
      tpu.wait_indirect_dma semaphore(%arg17 : memref<!tpu.dma_semaphore, #tpu.memory_space<semaphore_mem>>) src(%arg9 : memref<80x128xf32, #tpu.memory_space<vmem>>) dst(%dma_wait3A_115 : memref<10080x128xf32, #tpu.memory_space<vmem_shared>>)
      %dma_wait3A_116 = arith.constant 29 : i32
      %dma_wait3A_117 = arith.constant 0 : i32
      %dma_wait3A_118 = tpu.memref_slice %arg8[%dma_wait3A_116, %dma_wait3A_117] : memref<32x80xi32, #tpu.memory_space<vmem>> -> memref<1x80xi32, #tpu.memory_space<vmem>>
      %dma_wait3A_119 = tpu.memref_squeeze %dma_wait3A_118 : memref<1x80xi32, #tpu.memory_space<vmem>> -> memref<80xi32, #tpu.memory_space<vmem>>
      %dma_wait3A_120 = arith.constant 0 : i32
      %dma_wait3A_121 = arith.constant 0 : i32
      %dma_wait3A_122 = tpu.memref_slice %arg21[%dma_wait3A_120, %dma_wait3A_121] : memref<10080x128xf32, #tpu.memory_space<vmem_shared>> -> memref<10080x128xf32, #tpu.memory_space<vmem_shared>>
      tpu.wait_indirect_dma semaphore(%arg18 : memref<!tpu.dma_semaphore, #tpu.memory_space<semaphore_mem>>) src(%arg10 : memref<80x128xf32, #tpu.memory_space<vmem>>) dst(%dma_wait3A_122 : memref<10080x128xf32, #tpu.memory_space<vmem_shared>>)
      %dma_wait3A_123 = arith.constant 30 : i32
      %dma_wait3A_124 = arith.constant 0 : i32
      %dma_wait3A_125 = tpu.memref_slice %arg8[%dma_wait3A_123, %dma_wait3A_124] : memref<32x80xi32, #tpu.memory_space<vmem>> -> memref<1x80xi32, #tpu.memory_space<vmem>>
      %dma_wait3A_126 = tpu.memref_squeeze %dma_wait3A_125 : memref<1x80xi32, #tpu.memory_space<vmem>> -> memref<80xi32, #tpu.memory_space<vmem>>
      %dma_wait3A_127 = arith.constant 0 : i32
      %dma_wait3A_128 = arith.constant 0 : i32
      %dma_wait3A_129 = tpu.memref_slice %arg21[%dma_wait3A_127, %dma_wait3A_128] : memref<10080x128xf32, #tpu.memory_space<vmem_shared>> -> memref<10080x128xf32, #tpu.memory_space<vmem_shared>>
      tpu.wait_indirect_dma semaphore(%arg19 : memref<!tpu.dma_semaphore, #tpu.memory_space<semaphore_mem>>) src(%arg11 : memref<80x128xf32, #tpu.memory_space<vmem>>) dst(%dma_wait3A_129 : memref<10080x128xf32, #tpu.memory_space<vmem_shared>>)
      %dma_wait3A_130 = arith.constant 31 : i32
      %dma_wait3A_131 = arith.constant 0 : i32
      %dma_wait3A_132 = tpu.memref_slice %arg8[%dma_wait3A_130, %dma_wait3A_131] : memref<32x80xi32, #tpu.memory_space<vmem>> -> memref<1x80xi32, #tpu.memory_space<vmem>>
      %dma_wait3A_133 = tpu.memref_squeeze %dma_wait3A_132 : memref<1x80xi32, #tpu.memory_space<vmem>> -> memref<80xi32, #tpu.memory_space<vmem>>
      %dma_wait3A_134 = arith.constant 0 : i32
      %dma_wait3A_135 = arith.constant 0 : i32
      %dma_wait3A_136 = tpu.memref_slice %arg21[%dma_wait3A_134, %dma_wait3A_135] : memref<10080x128xf32, #tpu.memory_space<vmem_shared>> -> memref<10080x128xf32, #tpu.memory_space<vmem_shared>>
      tpu.wait_indirect_dma semaphore(%arg20 : memref<!tpu.dma_semaphore, #tpu.memory_space<semaphore_mem>>) src(%arg12 : memref<80x128xf32, #tpu.memory_space<vmem>>) dst(%dma_wait3A_136 : memref<10080x128xf32, #tpu.memory_space<vmem_shared>>)
    }
    %scan3A_7 = arith.constant 4 : i32
    %barrier3A_8 = arith.constant 0 : index
    tpu.barrier barrier_id(%barrier3A_8)
    %mul3A_9 = arith.constant 10000 : i32
    %mul3A_10 = arith.muli %arg0, %mul3A_9 : i32
    %mul3A_11 = arith.constant 624 : i32
    %mul3A_12 = arith.muli %arg1, %mul3A_11 : i32
    %add3A_13 = arith.addi %mul3A_10, %mul3A_12 : i32
    %mul3A_14 = arith.constant 624 : i32
    %mul3A_15 = arith.muli %arg1, %mul3A_14 : i32
    "tpu.region"() ({
      %run_scoped3A = tpu.sem_alloc : memref<!tpu.dma_semaphore, #tpu.memory_space<semaphore_mem>>
      %dma_start3A = arith.constant 0 : i32
      %dma_start3A_16 = tpu.memref_slice %arg6[%add3A_13, %dma_start3A] : memref<20000x128xf32, #tpu.memory_space<hbm>> -> memref<640x128xf32, #tpu.memory_space<hbm>>
      %dma_start3A_17 = arith.constant 0 : i32
      %dma_start3A_18 = tpu.memref_slice %arg21[%mul3A_15, %dma_start3A_17] : memref<10080x128xf32, #tpu.memory_space<vmem_shared>> -> memref<640x128xf32, #tpu.memory_space<vmem_shared>>
      tpu.enqueue_dma source(%dma_start3A_18 : memref<640x128xf32, #tpu.memory_space<vmem_shared>>) target(%dma_start3A_16 : memref<640x128xf32, #tpu.memory_space<hbm>>) target_semaphore(%run_scoped3A : memref<!tpu.dma_semaphore, #tpu.memory_space<semaphore_mem>>)
      %dma_wait3A = arith.constant 0 : i32
      %dma_wait3A_19 = tpu.memref_slice %arg6[%add3A_13, %dma_wait3A] : memref<20000x128xf32, #tpu.memory_space<hbm>> -> memref<640x128xf32, #tpu.memory_space<hbm>>
      %dma_wait3A_20 = arith.constant 0 : i32
      %dma_wait3A_21 = tpu.memref_slice %arg21[%mul3A_15, %dma_wait3A_20] : memref<10080x128xf32, #tpu.memory_space<vmem_shared>> -> memref<640x128xf32, #tpu.memory_space<vmem_shared>>
      tpu.wait_dma2 semaphore(%run_scoped3A : memref<!tpu.dma_semaphore, #tpu.memory_space<semaphore_mem>>) src(%dma_wait3A_21 : memref<640x128xf32, #tpu.memory_space<vmem_shared>>) dst(%dma_wait3A_19 : memref<640x128xf32, #tpu.memory_space<hbm>>)
      tpu.yield
    }) : () -> ()
    return
  }
}

#map = affine_map<(d0, d1) -> (0, 0)>
#map1 = affine_map<(d0, d1) -> (0, 0, 0)>
module attributes {stable_mosaic.version = 14 : i64} {
  func.func @_sc_agg_body(%arg0: i32, %arg1: i32, %arg2: memref<10000x128xf32, #tpu.memory_space<hbm>>, %arg3: memref<32x128x80xi32, #tpu.memory_space<hbm>>, %arg4: memref<32x128x80xi32, #tpu.memory_space<hbm>>, %arg5: memref<640x128xf32, #tpu.memory_space<hbm>>, %arg6: memref<20000x128xf32, #tpu.memory_space<hbm>>, %arg7: memref<32x80xi32, #tpu.memory_space<vmem>>, %arg8: memref<32x80xi32, #tpu.memory_space<vmem>>, %arg9: memref<80x128xf32, #tpu.memory_space<vmem>>, %arg10: memref<80x128xf32, #tpu.memory_space<vmem>>, %arg11: memref<80x128xf32, #tpu.memory_space<vmem>>, %arg12: memref<80x128xf32, #tpu.memory_space<vmem>>, %arg13: memref<!tpu.dma_semaphore, #tpu.memory_space<semaphore_mem>>, %arg14: memref<!tpu.dma_semaphore, #tpu.memory_space<semaphore_mem>>, %arg15: memref<!tpu.dma_semaphore, #tpu.memory_space<semaphore_mem>>, %arg16: memref<!tpu.dma_semaphore, #tpu.memory_space<semaphore_mem>>, %arg17: memref<!tpu.dma_semaphore, #tpu.memory_space<semaphore_mem>>, %arg18: memref<!tpu.dma_semaphore, #tpu.memory_space<semaphore_mem>>, %arg19: memref<!tpu.dma_semaphore, #tpu.memory_space<semaphore_mem>>, %arg20: memref<!tpu.dma_semaphore, #tpu.memory_space<semaphore_mem>>, %arg21: memref<10080x128xf32, #tpu.memory_space<vmem_shared>>) attributes {dimension_semantics = [#tpu.dimension_semantics<core_parallel>, #tpu.dimension_semantics<subcore_parallel>], iteration_bounds = array<i64: 2, 16>, scalar_prefetch = 0 : i64, scratch_operands = 15 : i64, tpu.core_type = #tpu.core_type<sc_vector_subcore>, window_params = [{transform_indices = #map}, {transform_indices = #map1}, {transform_indices = #map1}, {transform_indices = #map}, {transform_indices = #map}]} {
    %mul3A = arith.constant 2 : i32
    %mul3A_0 = arith.muli %arg1, %mul3A : i32
    %add3A = arith.addi %mul3A_0, %arg0 : i32
    %mul3A_1 = arith.constant 624 : i32
    %mul3A_2 = arith.muli %arg1, %mul3A_1 : i32
    "tpu.region"() ({
      %run_scoped3A = tpu.sem_alloc : memref<!tpu.dma_semaphore, #tpu.memory_space<semaphore_mem>>
      %dma_start3A = arith.constant 0 : i32
      %dma_start3A_16 = tpu.memref_slice %arg21[%mul3A_2, %dma_start3A] : memref<10080x128xf32, #tpu.memory_space<vmem_shared>> -> memref<640x128xf32, #tpu.memory_space<vmem_shared>>
      tpu.enqueue_dma source(%arg5 : memref<640x128xf32, #tpu.memory_space<hbm>>) target(%dma_start3A_16 : memref<640x128xf32, #tpu.memory_space<vmem_shared>>) target_semaphore(%run_scoped3A : memref<!tpu.dma_semaphore, #tpu.memory_space<semaphore_mem>>)
      %dma_wait3A = arith.constant 0 : i32
      %dma_wait3A_17 = tpu.memref_slice %arg21[%mul3A_2, %dma_wait3A] : memref<10080x128xf32, #tpu.memory_space<vmem_shared>> -> memref<640x128xf32, #tpu.memory_space<vmem_shared>>
      tpu.wait_dma2 semaphore(%run_scoped3A : memref<!tpu.dma_semaphore, #tpu.memory_space<semaphore_mem>>) src(%arg5 : memref<640x128xf32, #tpu.memory_space<hbm>>) dst(%dma_wait3A_17 : memref<640x128xf32, #tpu.memory_space<vmem_shared>>)
      tpu.yield
    }) : () -> ()
    %barrier3A = arith.constant 0 : index
    tpu.barrier barrier_id(%barrier3A)
    %scan3A = arith.constant 0 : i32
    %scan3A_3 = arith.constant 0 : i32
    %scan3A_4 = arith.constant 4 : i32
    %scan3A_5 = arith.addi %scan3A_3, %scan3A_4 : i32
    %scan3A_6 = arith.constant 1 : i32
    scf.for %scan3A_16 = %scan3A_3 to %scan3A_5 step %scan3A_6  : i32 {
      %mul3A_17 = arith.constant 32 : i32
      %mul3A_18 = arith.muli %scan3A_16, %mul3A_17 : i32
      "tpu.region"() ({
        %run_scoped3A = tpu.sem_alloc : memref<!tpu.dma_semaphore, #tpu.memory_space<semaphore_mem>>
        %dma_start3A_137 = arith.constant 0 : i32
        %dma_start3A_138 = tpu.memref_slice %arg3[%add3A, %mul3A_18, %dma_start3A_137] : memref<32x128x80xi32, #tpu.memory_space<hbm>> -> memref<1x32x80xi32, #tpu.memory_space<hbm>>
        %dma_start3A_139 = tpu.memref_squeeze %dma_start3A_138 : memref<1x32x80xi32, #tpu.memory_space<hbm>> -> memref<32x80xi32, #tpu.memory_space<hbm>>
        %dma_start3A_140 = arith.constant 0 : i32
        %dma_start3A_141 = tpu.memref_slice %arg3[%add3A, %mul3A_18, %dma_start3A_140] : memref<32x128x80xi32, #tpu.memory_space<hbm>> -> memref<1x32x80xi32, #tpu.memory_space<hbm>>
        %dma_start3A_142 = tpu.memref_squeeze %dma_start3A_141 : memref<1x32x80xi32, #tpu.memory_space<hbm>> -> memref<32x80xi32, #tpu.memory_space<hbm>>
        tpu.enqueue_dma source(%dma_start3A_142 : memref<32x80xi32, #tpu.memory_space<hbm>>) target(%arg7 : memref<32x80xi32, #tpu.memory_space<vmem>>) target_semaphore(%run_scoped3A : memref<!tpu.dma_semaphore, #tpu.memory_space<semaphore_mem>>)
        %dma_wait3A_143 = arith.constant 0 : i32
        %dma_wait3A_144 = tpu.memref_slice %arg3[%add3A, %mul3A_18, %dma_wait3A_143] : memref<32x128x80xi32, #tpu.memory_space<hbm>> -> memref<1x32x80xi32, #tpu.memory_space<hbm>>
        %dma_wait3A_145 = tpu.memref_squeeze %dma_wait3A_144 : memref<1x32x80xi32, #tpu.memory_space<hbm>> -> memref<32x80xi32, #tpu.memory_space<hbm>>
        %dma_wait3A_146 = arith.constant 0 : i32
        %dma_wait3A_147 = tpu.memref_slice %arg3[%add3A, %mul3A_18, %dma_wait3A_146] : memref<32x128x80xi32, #tpu.memory_space<hbm>> -> memref<1x32x80xi32, #tpu.memory_space<hbm>>
        %dma_wait3A_148 = tpu.memref_squeeze %dma_wait3A_147 : memref<1x32x80xi32, #tpu.memory_space<hbm>> -> memref<32x80xi32, #tpu.memory_space<hbm>>
        tpu.wait_dma2 semaphore(%run_scoped3A : memref<!tpu.dma_semaphore, #tpu.memory_space<semaphore_mem>>) src(%dma_wait3A_148 : memref<32x80xi32, #tpu.memory_space<hbm>>) dst(%arg7 : memref<32x80xi32, #tpu.memory_space<vmem>>)
        tpu.yield
      }) : () -> ()
      %mul3A_19 = arith.constant 32 : i32
      %mul3A_20 = arith.muli %scan3A_16, %mul3A_19 : i32
      "tpu.region"() ({
        %run_scoped3A = tpu.sem_alloc : memref<!tpu.dma_semaphore, #tpu.memory_space<semaphore_mem>>
        %dma_start3A_137 = arith.constant 0 : i32
        %dma_start3A_138 = tpu.memref_slice %arg4[%add3A, %mul3A_20, %dma_start3A_137] : memref<32x128x80xi32, #tpu.memory_space<hbm>> -> memref<1x32x80xi32, #tpu.memory_space<hbm>>
        %dma_start3A_139 = tpu.memref_squeeze %dma_start3A_138 : memref<1x32x80xi32, #tpu.memory_space<hbm>> -> memref<32x80xi32, #tpu.memory_space<hbm>>
        %dma_start3A_140 = arith.constant 0 : i32
        %dma_start3A_141 = tpu.memref_slice %arg4[%add3A, %mul3A_20, %dma_start3A_140] : memref<32x128x80xi32, #tpu.memory_space<hbm>> -> memref<1x32x80xi32, #tpu.memory_space<hbm>>
        %dma_start3A_142 = tpu.memref_squeeze %dma_start3A_141 : memref<1x32x80xi32, #tpu.memory_space<hbm>> -> memref<32x80xi32, #tpu.memory_space<hbm>>
        tpu.enqueue_dma source(%dma_start3A_142 : memref<32x80xi32, #tpu.memory_space<hbm>>) target(%arg8 : memref<32x80xi32, #tpu.memory_space<vmem>>) target_semaphore(%run_scoped3A : memref<!tpu.dma_semaphore, #tpu.memory_space<semaphore_mem>>)
        %dma_wait3A_143 = arith.constant 0 : i32
        %dma_wait3A_144 = tpu.memref_slice %arg4[%add3A, %mul3A_20, %dma_wait3A_143] : memref<32x128x80xi32, #tpu.memory_space<hbm>> -> memref<1x32x80xi32, #tpu.memory_space<hbm>>
        %dma_wait3A_145 = tpu.memref_squeeze %dma_wait3A_144 : memref<1x32x80xi32, #tpu.memory_space<hbm>> -> memref<32x80xi32, #tpu.memory_space<hbm>>
        %dma_wait3A_146 = arith.constant 0 : i32
        %dma_wait3A_147 = tpu.memref_slice %arg4[%add3A, %mul3A_20, %dma_wait3A_146] : memref<32x128x80xi32, #tpu.memory_space<hbm>> -> memref<1x32x80xi32, #tpu.memory_space<hbm>>
        %dma_wait3A_148 = tpu.memref_squeeze %dma_wait3A_147 : memref<1x32x80xi32, #tpu.memory_space<hbm>> -> memref<32x80xi32, #tpu.memory_space<hbm>>
        tpu.wait_dma2 semaphore(%run_scoped3A : memref<!tpu.dma_semaphore, #tpu.memory_space<semaphore_mem>>) src(%dma_wait3A_148 : memref<32x80xi32, #tpu.memory_space<hbm>>) dst(%arg8 : memref<32x80xi32, #tpu.memory_space<vmem>>)
        tpu.yield
      }) : () -> ()
      %dma_start3A = arith.constant 0 : i32
      %dma_start3A_21 = arith.constant 0 : i32
      %dma_start3A_22 = tpu.memref_slice %arg7[%dma_start3A, %dma_start3A_21] : memref<32x80xi32, #tpu.memory_space<vmem>> -> memref<1x80xi32, #tpu.memory_space<vmem>>
      %dma_start3A_23 = tpu.memref_squeeze %dma_start3A_22 : memref<1x80xi32, #tpu.memory_space<vmem>> -> memref<80xi32, #tpu.memory_space<vmem>>
      %dma_start3A_24 = arith.constant 0 : i32
      %dma_start3A_25 = arith.constant 0 : i32
      %dma_start3A_26 = tpu.memref_slice %arg2[%dma_start3A_24, %dma_start3A_25] : memref<10000x128xf32, #tpu.memory_space<hbm>> -> memref<10000x128xf32, #tpu.memory_space<hbm>>
      tpu.enqueue_indirect_dma source(%dma_start3A_26 : memref<10000x128xf32, #tpu.memory_space<hbm>>) target(%arg9 : memref<80x128xf32, #tpu.memory_space<vmem>>) offsets(%dma_start3A_23 : memref<80xi32, #tpu.memory_space<vmem>>) semaphore(%arg13 : memref<!tpu.dma_semaphore, #tpu.memory_space<semaphore_mem>>)
      %dma_start3A_27 = arith.constant 1 : i32
      %dma_start3A_28 = arith.constant 0 : i32
      %dma_start3A_29 = tpu.memref_slice %arg7[%dma_start3A_27, %dma_start3A_28] : memref<32x80xi32, #tpu.memory_space<vmem>> -> memref<1x80xi32, #tpu.memory_space<vmem>>
      %dma_start3A_30 = tpu.memref_squeeze %dma_start3A_29 : memref<1x80xi32, #tpu.memory_space<vmem>> -> memref<80xi32, #tpu.memory_space<vmem>>
      %dma_start3A_31 = arith.constant 0 : i32
      %dma_start3A_32 = arith.constant 0 : i32
      %dma_start3A_33 = tpu.memref_slice %arg2[%dma_start3A_31, %dma_start3A_32] : memref<10000x128xf32, #tpu.memory_space<hbm>> -> memref<10000x128xf32, #tpu.memory_space<hbm>>
      tpu.enqueue_indirect_dma source(%dma_start3A_33 : memref<10000x128xf32, #tpu.memory_space<hbm>>) target(%arg10 : memref<80x128xf32, #tpu.memory_space<vmem>>) offsets(%dma_start3A_30 : memref<80xi32, #tpu.memory_space<vmem>>) semaphore(%arg14 : memref<!tpu.dma_semaphore, #tpu.memory_space<semaphore_mem>>)
      %dma_start3A_34 = arith.constant 2 : i32
      %dma_start3A_35 = arith.constant 0 : i32
      %dma_start3A_36 = tpu.memref_slice %arg7[%dma_start3A_34, %dma_start3A_35] : memref<32x80xi32, #tpu.memory_space<vmem>> -> memref<1x80xi32, #tpu.memory_space<vmem>>
      %dma_start3A_37 = tpu.memref_squeeze %dma_start3A_36 : memref<1x80xi32, #tpu.memory_space<vmem>> -> memref<80xi32, #tpu.memory_space<vmem>>
      %dma_start3A_38 = arith.constant 0 : i32
      %dma_start3A_39 = arith.constant 0 : i32
      %dma_start3A_40 = tpu.memref_slice %arg2[%dma_start3A_38, %dma_start3A_39] : memref<10000x128xf32, #tpu.memory_space<hbm>> -> memref<10000x128xf32, #tpu.memory_space<hbm>>
      tpu.enqueue_indirect_dma source(%dma_start3A_40 : memref<10000x128xf32, #tpu.memory_space<hbm>>) target(%arg11 : memref<80x128xf32, #tpu.memory_space<vmem>>) offsets(%dma_start3A_37 : memref<80xi32, #tpu.memory_space<vmem>>) semaphore(%arg15 : memref<!tpu.dma_semaphore, #tpu.memory_space<semaphore_mem>>)
      %dma_start3A_41 = arith.constant 3 : i32
      %dma_start3A_42 = arith.constant 0 : i32
      %dma_start3A_43 = tpu.memref_slice %arg7[%dma_start3A_41, %dma_start3A_42] : memref<32x80xi32, #tpu.memory_space<vmem>> -> memref<1x80xi32, #tpu.memory_space<vmem>>
      %dma_start3A_44 = tpu.memref_squeeze %dma_start3A_43 : memref<1x80xi32, #tpu.memory_space<vmem>> -> memref<80xi32, #tpu.memory_space<vmem>>
      %dma_start3A_45 = arith.constant 0 : i32
      %dma_start3A_46 = arith.constant 0 : i32
      %dma_start3A_47 = tpu.memref_slice %arg2[%dma_start3A_45, %dma_start3A_46] : memref<10000x128xf32, #tpu.memory_space<hbm>> -> memref<10000x128xf32, #tpu.memory_space<hbm>>
      tpu.enqueue_indirect_dma source(%dma_start3A_47 : memref<10000x128xf32, #tpu.memory_space<hbm>>) target(%arg12 : memref<80x128xf32, #tpu.memory_space<vmem>>) offsets(%dma_start3A_44 : memref<80xi32, #tpu.memory_space<vmem>>) semaphore(%arg16 : memref<!tpu.dma_semaphore, #tpu.memory_space<semaphore_mem>>)
      %scan3A_48 = arith.constant 0 : i32
      %scan3A_49 = arith.constant 0 : i32
      %scan3A_50 = arith.constant 7 : i32
      %scan3A_51 = arith.addi %scan3A_49, %scan3A_50 : i32
      %scan3A_52 = arith.constant 1 : i32
      scf.for %scan3A_137 = %scan3A_49 to %scan3A_51 step %scan3A_52  : i32 {
        %mul3A_138 = arith.constant 4 : i32
        %mul3A_139 = arith.muli %scan3A_137, %mul3A_138 : i32
        %add3A_140 = arith.constant 0 : i32
        %add3A_141 = arith.addi %mul3A_139, %add3A_140 : i32
        %dma_wait3A_142 = arith.constant 0 : i32
        %dma_wait3A_143 = tpu.memref_slice %arg7[%add3A_141, %dma_wait3A_142] : memref<32x80xi32, #tpu.memory_space<vmem>> -> memref<1x80xi32, #tpu.memory_space<vmem>>
        %dma_wait3A_144 = tpu.memref_squeeze %dma_wait3A_143 : memref<1x80xi32, #tpu.memory_space<vmem>> -> memref<80xi32, #tpu.memory_space<vmem>>
        %dma_wait3A_145 = arith.constant 0 : i32
        %dma_wait3A_146 = arith.constant 0 : i32
        %dma_wait3A_147 = tpu.memref_slice %arg2[%dma_wait3A_145, %dma_wait3A_146] : memref<10000x128xf32, #tpu.memory_space<hbm>> -> memref<10000x128xf32, #tpu.memory_space<hbm>>
        tpu.wait_indirect_dma semaphore(%arg13 : memref<!tpu.dma_semaphore, #tpu.memory_space<semaphore_mem>>) src(%dma_wait3A_147 : memref<10000x128xf32, #tpu.memory_space<hbm>>) dst(%arg9 : memref<80x128xf32, #tpu.memory_space<vmem>>)
        %add3A_148 = arith.constant 0 : i32
        %add3A_149 = arith.addi %mul3A_139, %add3A_148 : i32
        %dma_start3A_150 = arith.constant 0 : i32
        %dma_start3A_151 = tpu.memref_slice %arg8[%add3A_149, %dma_start3A_150] : memref<32x80xi32, #tpu.memory_space<vmem>> -> memref<1x80xi32, #tpu.memory_space<vmem>>
        %dma_start3A_152 = tpu.memref_squeeze %dma_start3A_151 : memref<1x80xi32, #tpu.memory_space<vmem>> -> memref<80xi32, #tpu.memory_space<vmem>>
        %dma_start3A_153 = arith.constant 0 : i32
        %dma_start3A_154 = arith.constant 0 : i32
        %dma_start3A_155 = tpu.memref_slice %arg21[%dma_start3A_153, %dma_start3A_154] : memref<10080x128xf32, #tpu.memory_space<vmem_shared>> -> memref<10080x128xf32, #tpu.memory_space<vmem_shared>>
        tpu.enqueue_indirect_dma source(%arg9 : memref<80x128xf32, #tpu.memory_space<vmem>>) target(%dma_start3A_155 : memref<10080x128xf32, #tpu.memory_space<vmem_shared>>) offsets(%dma_start3A_152 : memref<80xi32, #tpu.memory_space<vmem>>) semaphore(%arg17 : memref<!tpu.dma_semaphore, #tpu.memory_space<semaphore_mem>>) {add = true}
        %add3A_156 = arith.constant 1 : i32
        %add3A_157 = arith.addi %mul3A_139, %add3A_156 : i32
        %dma_wait3A_158 = arith.constant 0 : i32
        %dma_wait3A_159 = tpu.memref_slice %arg7[%add3A_157, %dma_wait3A_158] : memref<32x80xi32, #tpu.memory_space<vmem>> -> memref<1x80xi32, #tpu.memory_space<vmem>>
        %dma_wait3A_160 = tpu.memref_squeeze %dma_wait3A_159 : memref<1x80xi32, #tpu.memory_space<vmem>> -> memref<80xi32, #tpu.memory_space<vmem>>
        %dma_wait3A_161 = arith.constant 0 : i32
        %dma_wait3A_162 = arith.constant 0 : i32
        %dma_wait3A_163 = tpu.memref_slice %arg2[%dma_wait3A_161, %dma_wait3A_162] : memref<10000x128xf32, #tpu.memory_space<hbm>> -> memref<10000x128xf32, #tpu.memory_space<hbm>>
        tpu.wait_indirect_dma semaphore(%arg14 : memref<!tpu.dma_semaphore, #tpu.memory_space<semaphore_mem>>) src(%dma_wait3A_163 : memref<10000x128xf32, #tpu.memory_space<hbm>>) dst(%arg10 : memref<80x128xf32, #tpu.memory_space<vmem>>)
        %add3A_164 = arith.constant 1 : i32
        %add3A_165 = arith.addi %mul3A_139, %add3A_164 : i32
        %dma_start3A_166 = arith.constant 0 : i32
        %dma_start3A_167 = tpu.memref_slice %arg8[%add3A_165, %dma_start3A_166] : memref<32x80xi32, #tpu.memory_space<vmem>> -> memref<1x80xi32, #tpu.memory_space<vmem>>
        %dma_start3A_168 = tpu.memref_squeeze %dma_start3A_167 : memref<1x80xi32, #tpu.memory_space<vmem>> -> memref<80xi32, #tpu.memory_space<vmem>>
        %dma_start3A_169 = arith.constant 0 : i32
        %dma_start3A_170 = arith.constant 0 : i32
        %dma_start3A_171 = tpu.memref_slice %arg21[%dma_start3A_169, %dma_start3A_170] : memref<10080x128xf32, #tpu.memory_space<vmem_shared>> -> memref<10080x128xf32, #tpu.memory_space<vmem_shared>>
        tpu.enqueue_indirect_dma source(%arg10 : memref<80x128xf32, #tpu.memory_space<vmem>>) target(%dma_start3A_171 : memref<10080x128xf32, #tpu.memory_space<vmem_shared>>) offsets(%dma_start3A_168 : memref<80xi32, #tpu.memory_space<vmem>>) semaphore(%arg18 : memref<!tpu.dma_semaphore, #tpu.memory_space<semaphore_mem>>) {add = true}
        %add3A_172 = arith.constant 2 : i32
        %add3A_173 = arith.addi %mul3A_139, %add3A_172 : i32
        %dma_wait3A_174 = arith.constant 0 : i32
        %dma_wait3A_175 = tpu.memref_slice %arg7[%add3A_173, %dma_wait3A_174] : memref<32x80xi32, #tpu.memory_space<vmem>> -> memref<1x80xi32, #tpu.memory_space<vmem>>
        %dma_wait3A_176 = tpu.memref_squeeze %dma_wait3A_175 : memref<1x80xi32, #tpu.memory_space<vmem>> -> memref<80xi32, #tpu.memory_space<vmem>>
        %dma_wait3A_177 = arith.constant 0 : i32
        %dma_wait3A_178 = arith.constant 0 : i32
        %dma_wait3A_179 = tpu.memref_slice %arg2[%dma_wait3A_177, %dma_wait3A_178] : memref<10000x128xf32, #tpu.memory_space<hbm>> -> memref<10000x128xf32, #tpu.memory_space<hbm>>
        tpu.wait_indirect_dma semaphore(%arg15 : memref<!tpu.dma_semaphore, #tpu.memory_space<semaphore_mem>>) src(%dma_wait3A_179 : memref<10000x128xf32, #tpu.memory_space<hbm>>) dst(%arg11 : memref<80x128xf32, #tpu.memory_space<vmem>>)
        %add3A_180 = arith.constant 2 : i32
        %add3A_181 = arith.addi %mul3A_139, %add3A_180 : i32
        %dma_start3A_182 = arith.constant 0 : i32
        %dma_start3A_183 = tpu.memref_slice %arg8[%add3A_181, %dma_start3A_182] : memref<32x80xi32, #tpu.memory_space<vmem>> -> memref<1x80xi32, #tpu.memory_space<vmem>>
        %dma_start3A_184 = tpu.memref_squeeze %dma_start3A_183 : memref<1x80xi32, #tpu.memory_space<vmem>> -> memref<80xi32, #tpu.memory_space<vmem>>
        %dma_start3A_185 = arith.constant 0 : i32
        %dma_start3A_186 = arith.constant 0 : i32
        %dma_start3A_187 = tpu.memref_slice %arg21[%dma_start3A_185, %dma_start3A_186] : memref<10080x128xf32, #tpu.memory_space<vmem_shared>> -> memref<10080x128xf32, #tpu.memory_space<vmem_shared>>
        tpu.enqueue_indirect_dma source(%arg11 : memref<80x128xf32, #tpu.memory_space<vmem>>) target(%dma_start3A_187 : memref<10080x128xf32, #tpu.memory_space<vmem_shared>>) offsets(%dma_start3A_184 : memref<80xi32, #tpu.memory_space<vmem>>) semaphore(%arg19 : memref<!tpu.dma_semaphore, #tpu.memory_space<semaphore_mem>>) {add = true}
        %add3A_188 = arith.constant 3 : i32
        %add3A_189 = arith.addi %mul3A_139, %add3A_188 : i32
        %dma_wait3A_190 = arith.constant 0 : i32
        %dma_wait3A_191 = tpu.memref_slice %arg7[%add3A_189, %dma_wait3A_190] : memref<32x80xi32, #tpu.memory_space<vmem>> -> memref<1x80xi32, #tpu.memory_space<vmem>>
        %dma_wait3A_192 = tpu.memref_squeeze %dma_wait3A_191 : memref<1x80xi32, #tpu.memory_space<vmem>> -> memref<80xi32, #tpu.memory_space<vmem>>
        %dma_wait3A_193 = arith.constant 0 : i32
        %dma_wait3A_194 = arith.constant 0 : i32
        %dma_wait3A_195 = tpu.memref_slice %arg2[%dma_wait3A_193, %dma_wait3A_194] : memref<10000x128xf32, #tpu.memory_space<hbm>> -> memref<10000x128xf32, #tpu.memory_space<hbm>>
        tpu.wait_indirect_dma semaphore(%arg16 : memref<!tpu.dma_semaphore, #tpu.memory_space<semaphore_mem>>) src(%dma_wait3A_195 : memref<10000x128xf32, #tpu.memory_space<hbm>>) dst(%arg12 : memref<80x128xf32, #tpu.memory_space<vmem>>)
        %add3A_196 = arith.constant 3 : i32
        %add3A_197 = arith.addi %mul3A_139, %add3A_196 : i32
        %dma_start3A_198 = arith.constant 0 : i32
        %dma_start3A_199 = tpu.memref_slice %arg8[%add3A_197, %dma_start3A_198] : memref<32x80xi32, #tpu.memory_space<vmem>> -> memref<1x80xi32, #tpu.memory_space<vmem>>
        %dma_start3A_200 = tpu.memref_squeeze %dma_start3A_199 : memref<1x80xi32, #tpu.memory_space<vmem>> -> memref<80xi32, #tpu.memory_space<vmem>>
        %dma_start3A_201 = arith.constant 0 : i32
        %dma_start3A_202 = arith.constant 0 : i32
        %dma_start3A_203 = tpu.memref_slice %arg21[%dma_start3A_201, %dma_start3A_202] : memref<10080x128xf32, #tpu.memory_space<vmem_shared>> -> memref<10080x128xf32, #tpu.memory_space<vmem_shared>>
        tpu.enqueue_indirect_dma source(%arg12 : memref<80x128xf32, #tpu.memory_space<vmem>>) target(%dma_start3A_203 : memref<10080x128xf32, #tpu.memory_space<vmem_shared>>) offsets(%dma_start3A_200 : memref<80xi32, #tpu.memory_space<vmem>>) semaphore(%arg20 : memref<!tpu.dma_semaphore, #tpu.memory_space<semaphore_mem>>) {add = true}
        %add3A_204 = arith.constant 0 : i32
        %add3A_205 = arith.addi %mul3A_139, %add3A_204 : i32
        %dma_wait3A_206 = arith.constant 0 : i32
        %dma_wait3A_207 = tpu.memref_slice %arg8[%add3A_205, %dma_wait3A_206] : memref<32x80xi32, #tpu.memory_space<vmem>> -> memref<1x80xi32, #tpu.memory_space<vmem>>
        %dma_wait3A_208 = tpu.memref_squeeze %dma_wait3A_207 : memref<1x80xi32, #tpu.memory_space<vmem>> -> memref<80xi32, #tpu.memory_space<vmem>>
        %dma_wait3A_209 = arith.constant 0 : i32
        %dma_wait3A_210 = arith.constant 0 : i32
        %dma_wait3A_211 = tpu.memref_slice %arg21[%dma_wait3A_209, %dma_wait3A_210] : memref<10080x128xf32, #tpu.memory_space<vmem_shared>> -> memref<10080x128xf32, #tpu.memory_space<vmem_shared>>
        tpu.wait_indirect_dma semaphore(%arg17 : memref<!tpu.dma_semaphore, #tpu.memory_space<semaphore_mem>>) src(%arg9 : memref<80x128xf32, #tpu.memory_space<vmem>>) dst(%dma_wait3A_211 : memref<10080x128xf32, #tpu.memory_space<vmem_shared>>)
        %add3A_212 = arith.constant 4 : i32
        %add3A_213 = arith.addi %mul3A_139, %add3A_212 : i32
        %add3A_214 = arith.constant 0 : i32
        %add3A_215 = arith.addi %add3A_213, %add3A_214 : i32
        %dma_start3A_216 = arith.constant 0 : i32
        %dma_start3A_217 = tpu.memref_slice %arg7[%add3A_215, %dma_start3A_216] : memref<32x80xi32, #tpu.memory_space<vmem>> -> memref<1x80xi32, #tpu.memory_space<vmem>>
        %dma_start3A_218 = tpu.memref_squeeze %dma_start3A_217 : memref<1x80xi32, #tpu.memory_space<vmem>> -> memref<80xi32, #tpu.memory_space<vmem>>
        %dma_start3A_219 = arith.constant 0 : i32
        %dma_start3A_220 = arith.constant 0 : i32
        %dma_start3A_221 = tpu.memref_slice %arg2[%dma_start3A_219, %dma_start3A_220] : memref<10000x128xf32, #tpu.memory_space<hbm>> -> memref<10000x128xf32, #tpu.memory_space<hbm>>
        tpu.enqueue_indirect_dma source(%dma_start3A_221 : memref<10000x128xf32, #tpu.memory_space<hbm>>) target(%arg9 : memref<80x128xf32, #tpu.memory_space<vmem>>) offsets(%dma_start3A_218 : memref<80xi32, #tpu.memory_space<vmem>>) semaphore(%arg13 : memref<!tpu.dma_semaphore, #tpu.memory_space<semaphore_mem>>)
        %add3A_222 = arith.constant 1 : i32
        %add3A_223 = arith.addi %mul3A_139, %add3A_222 : i32
        %dma_wait3A_224 = arith.constant 0 : i32
        %dma_wait3A_225 = tpu.memref_slice %arg8[%add3A_223, %dma_wait3A_224] : memref<32x80xi32, #tpu.memory_space<vmem>> -> memref<1x80xi32, #tpu.memory_space<vmem>>
        %dma_wait3A_226 = tpu.memref_squeeze %dma_wait3A_225 : memref<1x80xi32, #tpu.memory_space<vmem>> -> memref<80xi32, #tpu.memory_space<vmem>>
        %dma_wait3A_227 = arith.constant 0 : i32
        %dma_wait3A_228 = arith.constant 0 : i32
        %dma_wait3A_229 = tpu.memref_slice %arg21[%dma_wait3A_227, %dma_wait3A_228] : memref<10080x128xf32, #tpu.memory_space<vmem_shared>> -> memref<10080x128xf32, #tpu.memory_space<vmem_shared>>
        tpu.wait_indirect_dma semaphore(%arg18 : memref<!tpu.dma_semaphore, #tpu.memory_space<semaphore_mem>>) src(%arg10 : memref<80x128xf32, #tpu.memory_space<vmem>>) dst(%dma_wait3A_229 : memref<10080x128xf32, #tpu.memory_space<vmem_shared>>)
        %add3A_230 = arith.constant 4 : i32
        %add3A_231 = arith.addi %mul3A_139, %add3A_230 : i32
        %add3A_232 = arith.constant 1 : i32
        %add3A_233 = arith.addi %add3A_231, %add3A_232 : i32
        %dma_start3A_234 = arith.constant 0 : i32
        %dma_start3A_235 = tpu.memref_slice %arg7[%add3A_233, %dma_start3A_234] : memref<32x80xi32, #tpu.memory_space<vmem>> -> memref<1x80xi32, #tpu.memory_space<vmem>>
        %dma_start3A_236 = tpu.memref_squeeze %dma_start3A_235 : memref<1x80xi32, #tpu.memory_space<vmem>> -> memref<80xi32, #tpu.memory_space<vmem>>
        %dma_start3A_237 = arith.constant 0 : i32
        %dma_start3A_238 = arith.constant 0 : i32
        %dma_start3A_239 = tpu.memref_slice %arg2[%dma_start3A_237, %dma_start3A_238] : memref<10000x128xf32, #tpu.memory_space<hbm>> -> memref<10000x128xf32, #tpu.memory_space<hbm>>
        tpu.enqueue_indirect_dma source(%dma_start3A_239 : memref<10000x128xf32, #tpu.memory_space<hbm>>) target(%arg10 : memref<80x128xf32, #tpu.memory_space<vmem>>) offsets(%dma_start3A_236 : memref<80xi32, #tpu.memory_space<vmem>>) semaphore(%arg14 : memref<!tpu.dma_semaphore, #tpu.memory_space<semaphore_mem>>)
        %add3A_240 = arith.constant 2 : i32
        %add3A_241 = arith.addi %mul3A_139, %add3A_240 : i32
        %dma_wait3A_242 = arith.constant 0 : i32
        %dma_wait3A_243 = tpu.memref_slice %arg8[%add3A_241, %dma_wait3A_242] : memref<32x80xi32, #tpu.memory_space<vmem>> -> memref<1x80xi32, #tpu.memory_space<vmem>>
        %dma_wait3A_244 = tpu.memref_squeeze %dma_wait3A_243 : memref<1x80xi32, #tpu.memory_space<vmem>> -> memref<80xi32, #tpu.memory_space<vmem>>
        %dma_wait3A_245 = arith.constant 0 : i32
        %dma_wait3A_246 = arith.constant 0 : i32
        %dma_wait3A_247 = tpu.memref_slice %arg21[%dma_wait3A_245, %dma_wait3A_246] : memref<10080x128xf32, #tpu.memory_space<vmem_shared>> -> memref<10080x128xf32, #tpu.memory_space<vmem_shared>>
        tpu.wait_indirect_dma semaphore(%arg19 : memref<!tpu.dma_semaphore, #tpu.memory_space<semaphore_mem>>) src(%arg11 : memref<80x128xf32, #tpu.memory_space<vmem>>) dst(%dma_wait3A_247 : memref<10080x128xf32, #tpu.memory_space<vmem_shared>>)
        %add3A_248 = arith.constant 4 : i32
        %add3A_249 = arith.addi %mul3A_139, %add3A_248 : i32
        %add3A_250 = arith.constant 2 : i32
        %add3A_251 = arith.addi %add3A_249, %add3A_250 : i32
        %dma_start3A_252 = arith.constant 0 : i32
        %dma_start3A_253 = tpu.memref_slice %arg7[%add3A_251, %dma_start3A_252] : memref<32x80xi32, #tpu.memory_space<vmem>> -> memref<1x80xi32, #tpu.memory_space<vmem>>
        %dma_start3A_254 = tpu.memref_squeeze %dma_start3A_253 : memref<1x80xi32, #tpu.memory_space<vmem>> -> memref<80xi32, #tpu.memory_space<vmem>>
        %dma_start3A_255 = arith.constant 0 : i32
        %dma_start3A_256 = arith.constant 0 : i32
        %dma_start3A_257 = tpu.memref_slice %arg2[%dma_start3A_255, %dma_start3A_256] : memref<10000x128xf32, #tpu.memory_space<hbm>> -> memref<10000x128xf32, #tpu.memory_space<hbm>>
        tpu.enqueue_indirect_dma source(%dma_start3A_257 : memref<10000x128xf32, #tpu.memory_space<hbm>>) target(%arg11 : memref<80x128xf32, #tpu.memory_space<vmem>>) offsets(%dma_start3A_254 : memref<80xi32, #tpu.memory_space<vmem>>) semaphore(%arg15 : memref<!tpu.dma_semaphore, #tpu.memory_space<semaphore_mem>>)
        %add3A_258 = arith.constant 3 : i32
        %add3A_259 = arith.addi %mul3A_139, %add3A_258 : i32
        %dma_wait3A_260 = arith.constant 0 : i32
        %dma_wait3A_261 = tpu.memref_slice %arg8[%add3A_259, %dma_wait3A_260] : memref<32x80xi32, #tpu.memory_space<vmem>> -> memref<1x80xi32, #tpu.memory_space<vmem>>
        %dma_wait3A_262 = tpu.memref_squeeze %dma_wait3A_261 : memref<1x80xi32, #tpu.memory_space<vmem>> -> memref<80xi32, #tpu.memory_space<vmem>>
        %dma_wait3A_263 = arith.constant 0 : i32
        %dma_wait3A_264 = arith.constant 0 : i32
        %dma_wait3A_265 = tpu.memref_slice %arg21[%dma_wait3A_263, %dma_wait3A_264] : memref<10080x128xf32, #tpu.memory_space<vmem_shared>> -> memref<10080x128xf32, #tpu.memory_space<vmem_shared>>
        tpu.wait_indirect_dma semaphore(%arg20 : memref<!tpu.dma_semaphore, #tpu.memory_space<semaphore_mem>>) src(%arg12 : memref<80x128xf32, #tpu.memory_space<vmem>>) dst(%dma_wait3A_265 : memref<10080x128xf32, #tpu.memory_space<vmem_shared>>)
        %add3A_266 = arith.constant 4 : i32
        %add3A_267 = arith.addi %mul3A_139, %add3A_266 : i32
        %add3A_268 = arith.constant 3 : i32
        %add3A_269 = arith.addi %add3A_267, %add3A_268 : i32
        %dma_start3A_270 = arith.constant 0 : i32
        %dma_start3A_271 = tpu.memref_slice %arg7[%add3A_269, %dma_start3A_270] : memref<32x80xi32, #tpu.memory_space<vmem>> -> memref<1x80xi32, #tpu.memory_space<vmem>>
        %dma_start3A_272 = tpu.memref_squeeze %dma_start3A_271 : memref<1x80xi32, #tpu.memory_space<vmem>> -> memref<80xi32, #tpu.memory_space<vmem>>
        %dma_start3A_273 = arith.constant 0 : i32
        %dma_start3A_274 = arith.constant 0 : i32
        %dma_start3A_275 = tpu.memref_slice %arg2[%dma_start3A_273, %dma_start3A_274] : memref<10000x128xf32, #tpu.memory_space<hbm>> -> memref<10000x128xf32, #tpu.memory_space<hbm>>
        tpu.enqueue_indirect_dma source(%dma_start3A_275 : memref<10000x128xf32, #tpu.memory_space<hbm>>) target(%arg12 : memref<80x128xf32, #tpu.memory_space<vmem>>) offsets(%dma_start3A_272 : memref<80xi32, #tpu.memory_space<vmem>>) semaphore(%arg16 : memref<!tpu.dma_semaphore, #tpu.memory_space<semaphore_mem>>)
      }
      %scan3A_53 = arith.constant 7 : i32
      %dma_wait3A = arith.constant 28 : i32
      %dma_wait3A_54 = arith.constant 0 : i32
      %dma_wait3A_55 = tpu.memref_slice %arg7[%dma_wait3A, %dma_wait3A_54] : memref<32x80xi32, #tpu.memory_space<vmem>> -> memref<1x80xi32, #tpu.memory_space<vmem>>
      %dma_wait3A_56 = tpu.memref_squeeze %dma_wait3A_55 : memref<1x80xi32, #tpu.memory_space<vmem>> -> memref<80xi32, #tpu.memory_space<vmem>>
      %dma_wait3A_57 = arith.constant 0 : i32
      %dma_wait3A_58 = arith.constant 0 : i32
      %dma_wait3A_59 = tpu.memref_slice %arg2[%dma_wait3A_57, %dma_wait3A_58] : memref<10000x128xf32, #tpu.memory_space<hbm>> -> memref<10000x128xf32, #tpu.memory_space<hbm>>
      tpu.wait_indirect_dma semaphore(%arg13 : memref<!tpu.dma_semaphore, #tpu.memory_space<semaphore_mem>>) src(%dma_wait3A_59 : memref<10000x128xf32, #tpu.memory_space<hbm>>) dst(%arg9 : memref<80x128xf32, #tpu.memory_space<vmem>>)
      %dma_start3A_60 = arith.constant 28 : i32
      %dma_start3A_61 = arith.constant 0 : i32
      %dma_start3A_62 = tpu.memref_slice %arg8[%dma_start3A_60, %dma_start3A_61] : memref<32x80xi32, #tpu.memory_space<vmem>> -> memref<1x80xi32, #tpu.memory_space<vmem>>
      %dma_start3A_63 = tpu.memref_squeeze %dma_start3A_62 : memref<1x80xi32, #tpu.memory_space<vmem>> -> memref<80xi32, #tpu.memory_space<vmem>>
      %dma_start3A_64 = arith.constant 0 : i32
      %dma_start3A_65 = arith.constant 0 : i32
      %dma_start3A_66 = tpu.memref_slice %arg21[%dma_start3A_64, %dma_start3A_65] : memref<10080x128xf32, #tpu.memory_space<vmem_shared>> -> memref<10080x128xf32, #tpu.memory_space<vmem_shared>>
      tpu.enqueue_indirect_dma source(%arg9 : memref<80x128xf32, #tpu.memory_space<vmem>>) target(%dma_start3A_66 : memref<10080x128xf32, #tpu.memory_space<vmem_shared>>) offsets(%dma_start3A_63 : memref<80xi32, #tpu.memory_space<vmem>>) semaphore(%arg17 : memref<!tpu.dma_semaphore, #tpu.memory_space<semaphore_mem>>) {add = true}
      %dma_wait3A_67 = arith.constant 29 : i32
      %dma_wait3A_68 = arith.constant 0 : i32
      %dma_wait3A_69 = tpu.memref_slice %arg7[%dma_wait3A_67, %dma_wait3A_68] : memref<32x80xi32, #tpu.memory_space<vmem>> -> memref<1x80xi32, #tpu.memory_space<vmem>>
      %dma_wait3A_70 = tpu.memref_squeeze %dma_wait3A_69 : memref<1x80xi32, #tpu.memory_space<vmem>> -> memref<80xi32, #tpu.memory_space<vmem>>
      %dma_wait3A_71 = arith.constant 0 : i32
      %dma_wait3A_72 = arith.constant 0 : i32
      %dma_wait3A_73 = tpu.memref_slice %arg2[%dma_wait3A_71, %dma_wait3A_72] : memref<10000x128xf32, #tpu.memory_space<hbm>> -> memref<10000x128xf32, #tpu.memory_space<hbm>>
      tpu.wait_indirect_dma semaphore(%arg14 : memref<!tpu.dma_semaphore, #tpu.memory_space<semaphore_mem>>) src(%dma_wait3A_73 : memref<10000x128xf32, #tpu.memory_space<hbm>>) dst(%arg10 : memref<80x128xf32, #tpu.memory_space<vmem>>)
      %dma_start3A_74 = arith.constant 29 : i32
      %dma_start3A_75 = arith.constant 0 : i32
      %dma_start3A_76 = tpu.memref_slice %arg8[%dma_start3A_74, %dma_start3A_75] : memref<32x80xi32, #tpu.memory_space<vmem>> -> memref<1x80xi32, #tpu.memory_space<vmem>>
      %dma_start3A_77 = tpu.memref_squeeze %dma_start3A_76 : memref<1x80xi32, #tpu.memory_space<vmem>> -> memref<80xi32, #tpu.memory_space<vmem>>
      %dma_start3A_78 = arith.constant 0 : i32
      %dma_start3A_79 = arith.constant 0 : i32
      %dma_start3A_80 = tpu.memref_slice %arg21[%dma_start3A_78, %dma_start3A_79] : memref<10080x128xf32, #tpu.memory_space<vmem_shared>> -> memref<10080x128xf32, #tpu.memory_space<vmem_shared>>
      tpu.enqueue_indirect_dma source(%arg10 : memref<80x128xf32, #tpu.memory_space<vmem>>) target(%dma_start3A_80 : memref<10080x128xf32, #tpu.memory_space<vmem_shared>>) offsets(%dma_start3A_77 : memref<80xi32, #tpu.memory_space<vmem>>) semaphore(%arg18 : memref<!tpu.dma_semaphore, #tpu.memory_space<semaphore_mem>>) {add = true}
      %dma_wait3A_81 = arith.constant 30 : i32
      %dma_wait3A_82 = arith.constant 0 : i32
      %dma_wait3A_83 = tpu.memref_slice %arg7[%dma_wait3A_81, %dma_wait3A_82] : memref<32x80xi32, #tpu.memory_space<vmem>> -> memref<1x80xi32, #tpu.memory_space<vmem>>
      %dma_wait3A_84 = tpu.memref_squeeze %dma_wait3A_83 : memref<1x80xi32, #tpu.memory_space<vmem>> -> memref<80xi32, #tpu.memory_space<vmem>>
      %dma_wait3A_85 = arith.constant 0 : i32
      %dma_wait3A_86 = arith.constant 0 : i32
      %dma_wait3A_87 = tpu.memref_slice %arg2[%dma_wait3A_85, %dma_wait3A_86] : memref<10000x128xf32, #tpu.memory_space<hbm>> -> memref<10000x128xf32, #tpu.memory_space<hbm>>
      tpu.wait_indirect_dma semaphore(%arg15 : memref<!tpu.dma_semaphore, #tpu.memory_space<semaphore_mem>>) src(%dma_wait3A_87 : memref<10000x128xf32, #tpu.memory_space<hbm>>) dst(%arg11 : memref<80x128xf32, #tpu.memory_space<vmem>>)
      %dma_start3A_88 = arith.constant 30 : i32
      %dma_start3A_89 = arith.constant 0 : i32
      %dma_start3A_90 = tpu.memref_slice %arg8[%dma_start3A_88, %dma_start3A_89] : memref<32x80xi32, #tpu.memory_space<vmem>> -> memref<1x80xi32, #tpu.memory_space<vmem>>
      %dma_start3A_91 = tpu.memref_squeeze %dma_start3A_90 : memref<1x80xi32, #tpu.memory_space<vmem>> -> memref<80xi32, #tpu.memory_space<vmem>>
      %dma_start3A_92 = arith.constant 0 : i32
      %dma_start3A_93 = arith.constant 0 : i32
      %dma_start3A_94 = tpu.memref_slice %arg21[%dma_start3A_92, %dma_start3A_93] : memref<10080x128xf32, #tpu.memory_space<vmem_shared>> -> memref<10080x128xf32, #tpu.memory_space<vmem_shared>>
      tpu.enqueue_indirect_dma source(%arg11 : memref<80x128xf32, #tpu.memory_space<vmem>>) target(%dma_start3A_94 : memref<10080x128xf32, #tpu.memory_space<vmem_shared>>) offsets(%dma_start3A_91 : memref<80xi32, #tpu.memory_space<vmem>>) semaphore(%arg19 : memref<!tpu.dma_semaphore, #tpu.memory_space<semaphore_mem>>) {add = true}
      %dma_wait3A_95 = arith.constant 31 : i32
      %dma_wait3A_96 = arith.constant 0 : i32
      %dma_wait3A_97 = tpu.memref_slice %arg7[%dma_wait3A_95, %dma_wait3A_96] : memref<32x80xi32, #tpu.memory_space<vmem>> -> memref<1x80xi32, #tpu.memory_space<vmem>>
      %dma_wait3A_98 = tpu.memref_squeeze %dma_wait3A_97 : memref<1x80xi32, #tpu.memory_space<vmem>> -> memref<80xi32, #tpu.memory_space<vmem>>
      %dma_wait3A_99 = arith.constant 0 : i32
      %dma_wait3A_100 = arith.constant 0 : i32
      %dma_wait3A_101 = tpu.memref_slice %arg2[%dma_wait3A_99, %dma_wait3A_100] : memref<10000x128xf32, #tpu.memory_space<hbm>> -> memref<10000x128xf32, #tpu.memory_space<hbm>>
      tpu.wait_indirect_dma semaphore(%arg16 : memref<!tpu.dma_semaphore, #tpu.memory_space<semaphore_mem>>) src(%dma_wait3A_101 : memref<10000x128xf32, #tpu.memory_space<hbm>>) dst(%arg12 : memref<80x128xf32, #tpu.memory_space<vmem>>)
      %dma_start3A_102 = arith.constant 31 : i32
      %dma_start3A_103 = arith.constant 0 : i32
      %dma_start3A_104 = tpu.memref_slice %arg8[%dma_start3A_102, %dma_start3A_103] : memref<32x80xi32, #tpu.memory_space<vmem>> -> memref<1x80xi32, #tpu.memory_space<vmem>>
      %dma_start3A_105 = tpu.memref_squeeze %dma_start3A_104 : memref<1x80xi32, #tpu.memory_space<vmem>> -> memref<80xi32, #tpu.memory_space<vmem>>
      %dma_start3A_106 = arith.constant 0 : i32
      %dma_start3A_107 = arith.constant 0 : i32
      %dma_start3A_108 = tpu.memref_slice %arg21[%dma_start3A_106, %dma_start3A_107] : memref<10080x128xf32, #tpu.memory_space<vmem_shared>> -> memref<10080x128xf32, #tpu.memory_space<vmem_shared>>
      tpu.enqueue_indirect_dma source(%arg12 : memref<80x128xf32, #tpu.memory_space<vmem>>) target(%dma_start3A_108 : memref<10080x128xf32, #tpu.memory_space<vmem_shared>>) offsets(%dma_start3A_105 : memref<80xi32, #tpu.memory_space<vmem>>) semaphore(%arg20 : memref<!tpu.dma_semaphore, #tpu.memory_space<semaphore_mem>>) {add = true}
      %dma_wait3A_109 = arith.constant 28 : i32
      %dma_wait3A_110 = arith.constant 0 : i32
      %dma_wait3A_111 = tpu.memref_slice %arg8[%dma_wait3A_109, %dma_wait3A_110] : memref<32x80xi32, #tpu.memory_space<vmem>> -> memref<1x80xi32, #tpu.memory_space<vmem>>
      %dma_wait3A_112 = tpu.memref_squeeze %dma_wait3A_111 : memref<1x80xi32, #tpu.memory_space<vmem>> -> memref<80xi32, #tpu.memory_space<vmem>>
      %dma_wait3A_113 = arith.constant 0 : i32
      %dma_wait3A_114 = arith.constant 0 : i32
      %dma_wait3A_115 = tpu.memref_slice %arg21[%dma_wait3A_113, %dma_wait3A_114] : memref<10080x128xf32, #tpu.memory_space<vmem_shared>> -> memref<10080x128xf32, #tpu.memory_space<vmem_shared>>
      tpu.wait_indirect_dma semaphore(%arg17 : memref<!tpu.dma_semaphore, #tpu.memory_space<semaphore_mem>>) src(%arg9 : memref<80x128xf32, #tpu.memory_space<vmem>>) dst(%dma_wait3A_115 : memref<10080x128xf32, #tpu.memory_space<vmem_shared>>)
      %dma_wait3A_116 = arith.constant 29 : i32
      %dma_wait3A_117 = arith.constant 0 : i32
      %dma_wait3A_118 = tpu.memref_slice %arg8[%dma_wait3A_116, %dma_wait3A_117] : memref<32x80xi32, #tpu.memory_space<vmem>> -> memref<1x80xi32, #tpu.memory_space<vmem>>
      %dma_wait3A_119 = tpu.memref_squeeze %dma_wait3A_118 : memref<1x80xi32, #tpu.memory_space<vmem>> -> memref<80xi32, #tpu.memory_space<vmem>>
      %dma_wait3A_120 = arith.constant 0 : i32
      %dma_wait3A_121 = arith.constant 0 : i32
      %dma_wait3A_122 = tpu.memref_slice %arg21[%dma_wait3A_120, %dma_wait3A_121] : memref<10080x128xf32, #tpu.memory_space<vmem_shared>> -> memref<10080x128xf32, #tpu.memory_space<vmem_shared>>
      tpu.wait_indirect_dma semaphore(%arg18 : memref<!tpu.dma_semaphore, #tpu.memory_space<semaphore_mem>>) src(%arg10 : memref<80x128xf32, #tpu.memory_space<vmem>>) dst(%dma_wait3A_122 : memref<10080x128xf32, #tpu.memory_space<vmem_shared>>)
      %dma_wait3A_123 = arith.constant 30 : i32
      %dma_wait3A_124 = arith.constant 0 : i32
      %dma_wait3A_125 = tpu.memref_slice %arg8[%dma_wait3A_123, %dma_wait3A_124] : memref<32x80xi32, #tpu.memory_space<vmem>> -> memref<1x80xi32, #tpu.memory_space<vmem>>
      %dma_wait3A_126 = tpu.memref_squeeze %dma_wait3A_125 : memref<1x80xi32, #tpu.memory_space<vmem>> -> memref<80xi32, #tpu.memory_space<vmem>>
      %dma_wait3A_127 = arith.constant 0 : i32
      %dma_wait3A_128 = arith.constant 0 : i32
      %dma_wait3A_129 = tpu.memref_slice %arg21[%dma_wait3A_127, %dma_wait3A_128] : memref<10080x128xf32, #tpu.memory_space<vmem_shared>> -> memref<10080x128xf32, #tpu.memory_space<vmem_shared>>
      tpu.wait_indirect_dma semaphore(%arg19 : memref<!tpu.dma_semaphore, #tpu.memory_space<semaphore_mem>>) src(%arg11 : memref<80x128xf32, #tpu.memory_space<vmem>>) dst(%dma_wait3A_129 : memref<10080x128xf32, #tpu.memory_space<vmem_shared>>)
      %dma_wait3A_130 = arith.constant 31 : i32
      %dma_wait3A_131 = arith.constant 0 : i32
      %dma_wait3A_132 = tpu.memref_slice %arg8[%dma_wait3A_130, %dma_wait3A_131] : memref<32x80xi32, #tpu.memory_space<vmem>> -> memref<1x80xi32, #tpu.memory_space<vmem>>
      %dma_wait3A_133 = tpu.memref_squeeze %dma_wait3A_132 : memref<1x80xi32, #tpu.memory_space<vmem>> -> memref<80xi32, #tpu.memory_space<vmem>>
      %dma_wait3A_134 = arith.constant 0 : i32
      %dma_wait3A_135 = arith.constant 0 : i32
      %dma_wait3A_136 = tpu.memref_slice %arg21[%dma_wait3A_134, %dma_wait3A_135] : memref<10080x128xf32, #tpu.memory_space<vmem_shared>> -> memref<10080x128xf32, #tpu.memory_space<vmem_shared>>
      tpu.wait_indirect_dma semaphore(%arg20 : memref<!tpu.dma_semaphore, #tpu.memory_space<semaphore_mem>>) src(%arg12 : memref<80x128xf32, #tpu.memory_space<vmem>>) dst(%dma_wait3A_136 : memref<10080x128xf32, #tpu.memory_space<vmem_shared>>)
    }
    %scan3A_7 = arith.constant 4 : i32
    %barrier3A_8 = arith.constant 0 : index
    tpu.barrier barrier_id(%barrier3A_8)
    %mul3A_9 = arith.constant 10000 : i32
    %mul3A_10 = arith.muli %arg0, %mul3A_9 : i32
    %mul3A_11 = arith.constant 624 : i32
    %mul3A_12 = arith.muli %arg1, %mul3A_11 : i32
    %add3A_13 = arith.addi %mul3A_10, %mul3A_12 : i32
    %mul3A_14 = arith.constant 624 : i32
    %mul3A_15 = arith.muli %arg1, %mul3A_14 : i32
    "tpu.region"() ({
      %run_scoped3A = tpu.sem_alloc : memref<!tpu.dma_semaphore, #tpu.memory_space<semaphore_mem>>
      %dma_start3A = arith.constant 0 : i32
      %dma_start3A_16 = tpu.memref_slice %arg6[%add3A_13, %dma_start3A] : memref<20000x128xf32, #tpu.memory_space<hbm>> -> memref<640x128xf32, #tpu.memory_space<hbm>>
      %dma_start3A_17 = arith.constant 0 : i32
      %dma_start3A_18 = tpu.memref_slice %arg21[%mul3A_15, %dma_start3A_17] : memref<10080x128xf32, #tpu.memory_space<vmem_shared>> -> memref<640x128xf32, #tpu.memory_space<vmem_shared>>
      tpu.enqueue_dma source(%dma_start3A_18 : memref<640x128xf32, #tpu.memory_space<vmem_shared>>) target(%dma_start3A_16 : memref<640x128xf32, #tpu.memory_space<hbm>>) target_semaphore(%run_scoped3A : memref<!tpu.dma_semaphore, #tpu.memory_space<semaphore_mem>>)
      %dma_wait3A = arith.constant 0 : i32
      %dma_wait3A_19 = tpu.memref_slice %arg6[%add3A_13, %dma_wait3A] : memref<20000x128xf32, #tpu.memory_space<hbm>> -> memref<640x128xf32, #tpu.memory_space<hbm>>
      %dma_wait3A_20 = arith.constant 0 : i32
      %dma_wait3A_21 = tpu.memref_slice %arg21[%mul3A_15, %dma_wait3A_20] : memref<10080x128xf32, #tpu.memory_space<vmem_shared>> -> memref<640x128xf32, #tpu.memory_space<vmem_shared>>
      tpu.wait_dma2 semaphore(%run_scoped3A : memref<!tpu.dma_semaphore, #tpu.memory_space<semaphore_mem>>) src(%dma_wait3A_21 : memref<640x128xf32, #tpu.memory_space<vmem_shared>>) dst(%dma_wait3A_19 : memref<640x128xf32, #tpu.memory_space<hbm>>)
      tpu.yield
    }) : () -> ()
    return
  }
}

module attributes {stable_mosaic.version = 14 : i64} {
  func.func @_layer_body(%arg0: i32, %arg1: i32, %arg2: memref<1000x128xf32, #tpu.memory_space<vmem>>, %arg3: memref<1000x128xf32, #tpu.memory_space<vmem>>, %arg4: memref<1000x128xf32, #tpu.memory_space<vmem>>, %arg5: memref<1000x128xf32, #tpu.memory_space<vmem>>, %arg6: memref<1000x128xf32, #tpu.memory_space<vmem>>, %arg7: memref<128x128xf32, #tpu.memory_space<vmem>>, %arg8: memref<128x128xf32, #tpu.memory_space<vmem>>, %arg9: memref<1x128xf32, #tpu.memory_space<vmem>>, %arg10: memref<1x128xf32, #tpu.memory_space<vmem>>, %arg11: memref<1x128xf32, #tpu.memory_space<vmem>>, %arg12: memref<1000x128xf32, #tpu.memory_space<vmem>>, %arg13: memref<10000x128xf32, #tpu.memory_space<vmem>>, %arg14: memref<8x128xf32, #tpu.memory_space<vmem>>) attributes {dimension_semantics = [#tpu.dimension_semantics<arbitrary>, #tpu.dimension_semantics<arbitrary>], iteration_bounds = array<i64: 2, 10>, scalar_prefetch = 0 : i64, scratch_operands = 2 : i64, tpu.core_type = #tpu.core_type<tc>, window_params = [{transform_indices = @transform_0, window_bounds = array<i64: 1000, 128>}, {transform_indices = @transform_1, window_bounds = array<i64: 1000, 128>}, {transform_indices = @transform_2, window_bounds = array<i64: 1000, 128>}, {transform_indices = @transform_3, window_bounds = array<i64: 1000, 128>}, {transform_indices = @transform_4, window_bounds = array<i64: 1000, 128>}, {pipeline_mode = #tpu.pipeline_mode<synchronous>, transform_indices = @transform_5, window_bounds = array<i64: 128, 128>}, {pipeline_mode = #tpu.pipeline_mode<synchronous>, transform_indices = @transform_6, window_bounds = array<i64: 128, 128>}, {pipeline_mode = #tpu.pipeline_mode<synchronous>, transform_indices = @transform_7, window_bounds = array<i64: 1, 128>}, {pipeline_mode = #tpu.pipeline_mode<synchronous>, transform_indices = @transform_8, window_bounds = array<i64: 1, 128>}, {pipeline_mode = #tpu.pipeline_mode<synchronous>, transform_indices = @transform_9, window_bounds = array<i64: 1, 128>}, {transform_indices = @transform_10, window_bounds = array<i64: 1000, 128>}]} {
    %eq3A = arith.constant 0 : i32
    %eq3A_0 = arith.cmpi eq, %arg0, %eq3A : i32
    %convert_element_type3A = arith.extui %eq3A_0 : i1 to i32
    %cond3A = arith.constant 0 : i32
    %cond3A_1 = arith.cmpi ne, %convert_element_type3A, %cond3A : i32
    scf.if %cond3A_1 {
      %get3A = arith.constant 0 : index
      %get3A_7 = arith.constant 0 : index
      %get3A_8 = vector.load %arg4[%get3A, %get3A_7] : memref<1000x128xf32, #tpu.memory_space<vmem>>, vector<1000x1xf32>
      %get3A_9 = arith.constant 0 : index
      %get3A_10 = arith.constant 0 : index
      %get3A_11 = vector.load %arg5[%get3A_9, %get3A_10] : memref<1000x128xf32, #tpu.memory_space<vmem>>, vector<1000x1xf32>
      %add3A = arith.addf %get3A_8, %get3A_11 : vector<1000x1xf32>
      %max3A = arith.constant 1.000000e+00 : f32
      %max3A_12 = vector.broadcast %max3A : f32 to vector<1000x1xf32>
      %max3A_13 = arith.maximumf %add3A, %max3A_12 : vector<1000x1xf32>
      %div3A = arith.constant 1.000000e+00 : f32
      %div3A_14 = vector.broadcast %div3A : f32 to vector<1000x1xf32>
      %div3A_15 = arith.divf %div3A_14, %max3A_13 : vector<1000x1xf32>
      %get3A_16 = arith.constant 0 : index
      %get3A_17 = arith.constant 0 : index
      %get3A_18 = vector.load %arg2[%get3A_16, %get3A_17] : memref<1000x128xf32, #tpu.memory_space<vmem>>, vector<1000x128xf32>
      %get3A_19 = arith.constant 0 : index
      %get3A_20 = arith.constant 0 : index
      %get3A_21 = vector.load %arg3[%get3A_19, %get3A_20] : memref<1000x128xf32, #tpu.memory_space<vmem>>, vector<1000x128xf32>
      %add3A_22 = arith.addf %get3A_18, %get3A_21 : vector<1000x128xf32>
      %mul3A = vector.broadcast %div3A_15 : vector<1000x1xf32> to vector<1000x128xf32>
      %mul3A_23 = arith.mulf %add3A_22, %mul3A : vector<1000x128xf32>
      %get3A_24 = arith.constant 0 : index
      %get3A_25 = arith.constant 0 : index
      %get3A_26 = vector.load %arg7[%get3A_24, %get3A_25] : memref<128x128xf32, #tpu.memory_space<vmem>>, vector<128x128xf32>
      %dot_general3A = arith.constant dense<0.000000e+00> : vector<1000x128xf32>
      %dot_general3A_27 = tpu.matmul %mul3A_23, %get3A_26, %dot_general3A {dimension_numbers = #tpu.dot_dimension_numbers<[1], [0], [0], [1], [0, 0, 1, 1], [], []>, precision = #tpu.contract_precision<fp32>, transpose_lhs_hint = false} : vector<1000x128xf32>, vector<128x128xf32>, vector<1000x128xf32> -> vector<1000x128xf32>
      %get3A_28 = arith.constant 0 : index
      %get3A_29 = arith.constant 0 : index
      %get3A_30 = vector.load %arg6[%get3A_28, %get3A_29] : memref<1000x128xf32, #tpu.memory_space<vmem>>, vector<1000x128xf32>
      %get3A_31 = arith.constant 0 : index
      %get3A_32 = arith.constant 0 : index
      %get3A_33 = vector.load %arg8[%get3A_31, %get3A_32] : memref<128x128xf32, #tpu.memory_space<vmem>>, vector<128x128xf32>
      %dot_general3A_34 = arith.constant dense<0.000000e+00> : vector<1000x128xf32>
      %dot_general3A_35 = tpu.matmul %get3A_30, %get3A_33, %dot_general3A_34 {dimension_numbers = #tpu.dot_dimension_numbers<[1], [0], [0], [1], [0, 0, 1, 1], [], []>, precision = #tpu.contract_precision<fp32>, transpose_lhs_hint = false} : vector<1000x128xf32>, vector<128x128xf32>, vector<1000x128xf32> -> vector<1000x128xf32>
      %add3A_36 = arith.addf %dot_general3A_27, %dot_general3A_35 : vector<1000x128xf32>
      %get3A_37 = arith.constant 0 : index
      %get3A_38 = arith.constant 0 : index
      %get3A_39 = vector.load %arg9[%get3A_37, %get3A_38] : memref<1x128xf32, #tpu.memory_space<vmem>>, vector<1x128xf32>
      %add3A_40 = vector.broadcast %get3A_39 : vector<1x128xf32> to vector<1000x128xf32>
      %add3A_41 = arith.addf %add3A_36, %add3A_40 : vector<1000x128xf32>
      %mul3A_42 = arith.constant 1000 : i32
      %mul3A_43 = arith.muli %arg1, %mul3A_42 : i32
      %swap3A = arith.index_cast %mul3A_43 : i32 to index
      %swap3A_44 = arith.constant 0 : index
      %swap3A_45 = vector.load %arg13[%swap3A, %swap3A_44] : memref<10000x128xf32, #tpu.memory_space<vmem>>, vector<1000x128xf32>
      tpu.vector_store %arg13[%swap3A, %swap3A_44], %add3A_41 {strides = array<i32>} : memref<10000x128xf32, #tpu.memory_space<vmem>>, vector<1000x128xf32>,
      %eq3A_46 = arith.constant 0 : i32
      %eq3A_47 = arith.cmpi eq, %arg1, %eq3A_46 : i32
      %convert_element_type3A_48 = arith.extui %eq3A_47 : i1 to i32
      %cond3A_49 = arith.constant 0 : i32
      %cond3A_50 = arith.cmpi ne, %convert_element_type3A_48, %cond3A_49 : i32
      scf.if %cond3A_50 {
        %broadcast_in_dim3A_70 = arith.constant 0.000000e+00 : f32
        %broadcast_in_dim3A_71 = vector.broadcast %broadcast_in_dim3A_70 : f32 to vector<8x128xf32>
        %swap3A_72 = arith.constant 0 : index
        %swap3A_73 = arith.constant 0 : index
        %swap3A_74 = vector.load %arg14[%swap3A_72, %swap3A_73] : memref<8x128xf32, #tpu.memory_space<vmem>>, vector<8x128xf32>
        tpu.vector_store %arg14[%swap3A_72, %swap3A_73], %broadcast_in_dim3A_71 {strides = array<i32>} : memref<8x128xf32, #tpu.memory_space<vmem>>, vector<8x128xf32>,
      } else {
      }
      %get3A_51 = arith.constant 0 : index
      %get3A_52 = arith.constant 0 : index
      %get3A_53 = vector.load %arg14[%get3A_51, %get3A_52] : memref<8x128xf32, #tpu.memory_space<vmem>>, vector<1x128xf32>
      %reduce_sum3A = arith.constant dense<0.000000e+00> : vector<128xf32>
      %reduce_sum3A_54 = vector.multi_reduction <add>, %add3A_41, %reduce_sum3A [0] : vector<1000x128xf32> to vector<128xf32>
      %broadcast_in_dim3A = vector.shape_cast %reduce_sum3A_54 : vector<128xf32> to vector<1x128xf32>
      %add3A_55 = arith.addf %get3A_53, %broadcast_in_dim3A : vector<1x128xf32>
      %swap3A_56 = arith.constant 0 : index
      %swap3A_57 = arith.constant 0 : index
      %swap3A_58 = vector.load %arg14[%swap3A_56, %swap3A_57] : memref<8x128xf32, #tpu.memory_space<vmem>>, vector<1x128xf32>
      tpu.vector_store %arg14[%swap3A_56, %swap3A_57], %add3A_55 {strides = array<i32>} : memref<8x128xf32, #tpu.memory_space<vmem>>, vector<1x128xf32>,
      %get3A_59 = arith.constant 1 : index
      %get3A_60 = arith.constant 0 : index
      %get3A_61 = vector.load %arg14[%get3A_59, %get3A_60] : memref<8x128xf32, #tpu.memory_space<vmem>>, vector<1x128xf32>
      %mul3A_62 = arith.mulf %add3A_41, %add3A_41 : vector<1000x128xf32>
      %reduce_sum3A_63 = arith.constant dense<0.000000e+00> : vector<128xf32>
      %reduce_sum3A_64 = vector.multi_reduction <add>, %mul3A_62, %reduce_sum3A_63 [0] : vector<1000x128xf32> to vector<128xf32>
      %broadcast_in_dim3A_65 = vector.shape_cast %reduce_sum3A_64 : vector<128xf32> to vector<1x128xf32>
      %add3A_66 = arith.addf %get3A_61, %broadcast_in_dim3A_65 : vector<1x128xf32>
      %swap3A_67 = arith.constant 1 : index
      %swap3A_68 = arith.constant 0 : index
      %swap3A_69 = vector.load %arg14[%swap3A_67, %swap3A_68] : memref<8x128xf32, #tpu.memory_space<vmem>>, vector<1x128xf32>
      tpu.vector_store %arg14[%swap3A_67, %swap3A_68], %add3A_66 {strides = array<i32>} : memref<8x128xf32, #tpu.memory_space<vmem>>, vector<1x128xf32>,
    } else {
    }
    %eq3A_2 = arith.constant 1 : i32
    %eq3A_3 = arith.cmpi eq, %arg0, %eq3A_2 : i32
    %convert_element_type3A_4 = arith.extui %eq3A_3 : i1 to i32
    %cond3A_5 = arith.constant 0 : i32
    %cond3A_6 = arith.cmpi ne, %convert_element_type3A_4, %cond3A_5 : i32
    scf.if %cond3A_6 {
      %get3A = arith.constant 0 : index
      %get3A_7 = arith.constant 0 : index
      %get3A_8 = vector.load %arg14[%get3A, %get3A_7] : memref<8x128xf32, #tpu.memory_space<vmem>>, vector<1x128xf32>
      %div3A = arith.constant 1.000000e+04 : f32
      %div3A_9 = vector.broadcast %div3A : f32 to vector<1x128xf32>
      %div3A_10 = arith.divf %get3A_8, %div3A_9 : vector<1x128xf32>
      %get3A_11 = arith.constant 1 : index
      %get3A_12 = arith.constant 0 : index
      %get3A_13 = vector.load %arg14[%get3A_11, %get3A_12] : memref<8x128xf32, #tpu.memory_space<vmem>>, vector<1x128xf32>
      %div3A_14 = arith.constant 1.000000e+04 : f32
      %div3A_15 = vector.broadcast %div3A_14 : f32 to vector<1x128xf32>
      %div3A_16 = arith.divf %get3A_13, %div3A_15 : vector<1x128xf32>
      %mul3A = arith.mulf %div3A_10, %div3A_10 : vector<1x128xf32>
      %sub3A = arith.subf %div3A_16, %mul3A : vector<1x128xf32>
      %mul3A_17 = arith.constant 1000 : i32
      %mul3A_18 = arith.muli %arg1, %mul3A_17 : i32
      %get3A_19 = arith.index_cast %mul3A_18 : i32 to index
      %get3A_20 = arith.constant 0 : index
      %get3A_21 = vector.load %arg13[%get3A_19, %get3A_20] : memref<10000x128xf32, #tpu.memory_space<vmem>>, vector<1000x128xf32>
      %sub3A_22 = vector.broadcast %div3A_10 : vector<1x128xf32> to vector<1000x128xf32>
      %sub3A_23 = arith.subf %get3A_21, %sub3A_22 : vector<1000x128xf32>
      %add3A = arith.constant 9.99999974E-6 : f32
      %add3A_24 = vector.broadcast %add3A : f32 to vector<1x128xf32>
      %add3A_25 = arith.addf %sub3A, %add3A_24 : vector<1x128xf32>
      %rsqrt3A = math.rsqrt %add3A_25 : vector<1x128xf32>
      %mul3A_26 = vector.broadcast %rsqrt3A : vector<1x128xf32> to vector<1000x128xf32>
      %mul3A_27 = arith.mulf %sub3A_23, %mul3A_26 : vector<1000x128xf32>
      %get3A_28 = arith.constant 0 : index
      %get3A_29 = arith.constant 0 : index
      %get3A_30 = vector.load %arg10[%get3A_28, %get3A_29] : memref<1x128xf32, #tpu.memory_space<vmem>>, vector<1x128xf32>
      %mul3A_31 = vector.broadcast %get3A_30 : vector<1x128xf32> to vector<1000x128xf32>
      %mul3A_32 = arith.mulf %mul3A_27, %mul3A_31 : vector<1000x128xf32>
      %get3A_33 = arith.constant 0 : index
      %get3A_34 = arith.constant 0 : index
      %get3A_35 = vector.load %arg11[%get3A_33, %get3A_34] : memref<1x128xf32, #tpu.memory_space<vmem>>, vector<1x128xf32>
      %add3A_36 = vector.broadcast %get3A_35 : vector<1x128xf32> to vector<1000x128xf32>
      %add3A_37 = arith.addf %mul3A_32, %add3A_36 : vector<1000x128xf32>
      %max3A = arith.constant 0.000000e+00 : f32
      %max3A_38 = vector.broadcast %max3A : f32 to vector<1000x128xf32>
      %max3A_39 = arith.maximumf %add3A_37, %max3A_38 : vector<1000x128xf32>
      %swap3A = arith.constant 0 : index
      %swap3A_40 = arith.constant 0 : index
      %swap3A_41 = vector.load %arg12[%swap3A, %swap3A_40] : memref<1000x128xf32, #tpu.memory_space<vmem>>, vector<1000x128xf32>
      tpu.vector_store %arg12[%swap3A, %swap3A_40], %max3A_39 {strides = array<i32>} : memref<1000x128xf32, #tpu.memory_space<vmem>>, vector<1000x128xf32>,
    } else {
    }
    return
  }
  func.func @transform_0(%arg0: i32, %arg1: i32) -> (i32, i32) {
    %sub3A = arith.constant 1 : i32
    %sub3A_0 = arith.subi %sub3A, %arg0 : i32
    %mul3A = arith.muli %arg1, %sub3A_0 : i32
    %c0_i32 = arith.constant 0 : i32
    %c0_i32_1 = arith.constant 0 : i32
    return %mul3A, %c0_i32 : i32, i32
  }
  func.func @transform_1(%arg0: i32, %arg1: i32) -> (i32, i32) {
    %sub3A = arith.constant 1 : i32
    %sub3A_0 = arith.subi %sub3A, %arg0 : i32
    %mul3A = arith.muli %arg1, %sub3A_0 : i32
    %add3A = arith.constant 10 : i32
    %add3A_1 = arith.addi %mul3A, %add3A : i32
    %c0_i32 = arith.constant 0 : i32
    %c0_i32_2 = arith.constant 0 : i32
    return %add3A_1, %c0_i32 : i32, i32
  }
  func.func @transform_2(%arg0: i32, %arg1: i32) -> (i32, i32) {
    %sub3A = arith.constant 1 : i32
    %sub3A_0 = arith.subi %sub3A, %arg0 : i32
    %mul3A = arith.muli %arg1, %sub3A_0 : i32
    %c0_i32 = arith.constant 0 : i32
    %c0_i32_1 = arith.constant 0 : i32
    return %mul3A, %c0_i32 : i32, i32
  }
  func.func @transform_3(%arg0: i32, %arg1: i32) -> (i32, i32) {
    %sub3A = arith.constant 1 : i32
    %sub3A_0 = arith.subi %sub3A, %arg0 : i32
    %mul3A = arith.muli %arg1, %sub3A_0 : i32
    %add3A = arith.constant 10 : i32
    %add3A_1 = arith.addi %mul3A, %add3A : i32
    %c0_i32 = arith.constant 0 : i32
    %c0_i32_2 = arith.constant 0 : i32
    return %add3A_1, %c0_i32 : i32, i32
  }
  func.func @transform_4(%arg0: i32, %arg1: i32) -> (i32, i32) {
    %sub3A = arith.constant 1 : i32
    %sub3A_0 = arith.subi %sub3A, %arg0 : i32
    %mul3A = arith.muli %arg1, %sub3A_0 : i32
    %c0_i32 = arith.constant 0 : i32
    %c0_i32_1 = arith.constant 0 : i32
    return %mul3A, %c0_i32 : i32, i32
  }
  func.func @transform_5(%arg0: i32, %arg1: i32) -> (i32, i32) {
    %c0_i32 = arith.constant 0 : i32
    %c0_i32_0 = arith.constant 0 : i32
    %c0_i32_1 = arith.constant 0 : i32
    return %c0_i32, %c0_i32_0 : i32, i32
  }
  func.func @transform_6(%arg0: i32, %arg1: i32) -> (i32, i32) {
    %c0_i32 = arith.constant 0 : i32
    %c0_i32_0 = arith.constant 0 : i32
    %c0_i32_1 = arith.constant 0 : i32
    return %c0_i32, %c0_i32_0 : i32, i32
  }
  func.func @transform_7(%arg0: i32, %arg1: i32) -> (i32, i32) {
    %c0_i32 = arith.constant 0 : i32
    %c0_i32_0 = arith.constant 0 : i32
    %c0_i32_1 = arith.constant 0 : i32
    return %c0_i32, %c0_i32_0 : i32, i32
  }
  func.func @transform_8(%arg0: i32, %arg1: i32) -> (i32, i32) {
    %c0_i32 = arith.constant 0 : i32
    %c0_i32_0 = arith.constant 0 : i32
    %c0_i32_1 = arith.constant 0 : i32
    return %c0_i32, %c0_i32_0 : i32, i32
  }
  func.func @transform_9(%arg0: i32, %arg1: i32) -> (i32, i32) {
    %c0_i32 = arith.constant 0 : i32
    %c0_i32_0 = arith.constant 0 : i32
    %c0_i32_1 = arith.constant 0 : i32
    return %c0_i32, %c0_i32_0 : i32, i32
  }
  func.func @transform_10(%arg0: i32, %arg1: i32) -> (i32, i32) {
    %mul3A = arith.muli %arg1, %arg0 : i32
    %c0_i32 = arith.constant 0 : i32
    %c0_i32_0 = arith.constant 0 : i32
    return %mul3A, %c0_i32 : i32, i32
  }
}

module attributes {stable_mosaic.version = 14 : i64} {
  func.func @_final_body(%arg0: i32, %arg1: memref<1000x128xf32, #tpu.memory_space<vmem>>, %arg2: memref<1000x128xf32, #tpu.memory_space<vmem>>, %arg3: memref<1000x128xf32, #tpu.memory_space<vmem>>, %arg4: memref<1000x128xf32, #tpu.memory_space<vmem>>, %arg5: memref<1000x128xf32, #tpu.memory_space<vmem>>, %arg6: memref<128x64xf32, #tpu.memory_space<vmem>>, %arg7: memref<128x64xf32, #tpu.memory_space<vmem>>, %arg8: memref<1x64xf32, #tpu.memory_space<vmem>>, %arg9: memref<1000x64xf32, #tpu.memory_space<vmem>>) attributes {dimension_semantics = [#tpu.dimension_semantics<arbitrary>], iteration_bounds = array<i64: 10>, scalar_prefetch = 0 : i64, scratch_operands = 0 : i64, tpu.core_type = #tpu.core_type<tc>, window_params = [{transform_indices = @transform_0, window_bounds = array<i64: 1000, 128>}, {transform_indices = @transform_1, window_bounds = array<i64: 1000, 128>}, {transform_indices = @transform_2, window_bounds = array<i64: 1000, 128>}, {transform_indices = @transform_3, window_bounds = array<i64: 1000, 128>}, {transform_indices = @transform_4, window_bounds = array<i64: 1000, 128>}, {pipeline_mode = #tpu.pipeline_mode<synchronous>, transform_indices = @transform_5, window_bounds = array<i64: 128, 64>}, {pipeline_mode = #tpu.pipeline_mode<synchronous>, transform_indices = @transform_6, window_bounds = array<i64: 128, 64>}, {pipeline_mode = #tpu.pipeline_mode<synchronous>, transform_indices = @transform_7, window_bounds = array<i64: 1, 64>}, {transform_indices = @transform_8, window_bounds = array<i64: 1000, 64>}]} {
    %get3A = arith.constant 0 : index
    %get3A_0 = arith.constant 0 : index
    %get3A_1 = vector.load %arg3[%get3A, %get3A_0] : memref<1000x128xf32, #tpu.memory_space<vmem>>, vector<1000x1xf32>
    %get3A_2 = arith.constant 0 : index
    %get3A_3 = arith.constant 0 : index
    %get3A_4 = vector.load %arg4[%get3A_2, %get3A_3] : memref<1000x128xf32, #tpu.memory_space<vmem>>, vector<1000x1xf32>
    %add3A = arith.addf %get3A_1, %get3A_4 : vector<1000x1xf32>
    %max3A = arith.constant 1.000000e+00 : f32
    %max3A_5 = vector.broadcast %max3A : f32 to vector<1000x1xf32>
    %max3A_6 = arith.maximumf %add3A, %max3A_5 : vector<1000x1xf32>
    %div3A = arith.constant 1.000000e+00 : f32
    %div3A_7 = vector.broadcast %div3A : f32 to vector<1000x1xf32>
    %div3A_8 = arith.divf %div3A_7, %max3A_6 : vector<1000x1xf32>
    %get3A_9 = arith.constant 0 : index
    %get3A_10 = arith.constant 0 : index
    %get3A_11 = vector.load %arg1[%get3A_9, %get3A_10] : memref<1000x128xf32, #tpu.memory_space<vmem>>, vector<1000x128xf32>
    %get3A_12 = arith.constant 0 : index
    %get3A_13 = arith.constant 0 : index
    %get3A_14 = vector.load %arg2[%get3A_12, %get3A_13] : memref<1000x128xf32, #tpu.memory_space<vmem>>, vector<1000x128xf32>
    %add3A_15 = arith.addf %get3A_11, %get3A_14 : vector<1000x128xf32>
    %mul3A = vector.broadcast %div3A_8 : vector<1000x1xf32> to vector<1000x128xf32>
    %mul3A_16 = arith.mulf %add3A_15, %mul3A : vector<1000x128xf32>
    %get3A_17 = arith.constant 0 : index
    %get3A_18 = arith.constant 0 : index
    %get3A_19 = vector.load %arg6[%get3A_17, %get3A_18] : memref<128x64xf32, #tpu.memory_space<vmem>>, vector<128x64xf32>
    %dot_general3A = arith.constant dense<0.000000e+00> : vector<1000x64xf32>
    %dot_general3A_20 = tpu.matmul %mul3A_16, %get3A_19, %dot_general3A {dimension_numbers = #tpu.dot_dimension_numbers<[1], [0], [0], [1], [0, 0, 1, 1], [], []>, precision = #tpu.contract_precision<fp32>, transpose_lhs_hint = false} : vector<1000x128xf32>, vector<128x64xf32>, vector<1000x64xf32> -> vector<1000x64xf32>
    %get3A_21 = arith.constant 0 : index
    %get3A_22 = arith.constant 0 : index
    %get3A_23 = vector.load %arg5[%get3A_21, %get3A_22] : memref<1000x128xf32, #tpu.memory_space<vmem>>, vector<1000x128xf32>
    %get3A_24 = arith.constant 0 : index
    %get3A_25 = arith.constant 0 : index
    %get3A_26 = vector.load %arg7[%get3A_24, %get3A_25] : memref<128x64xf32, #tpu.memory_space<vmem>>, vector<128x64xf32>
    %dot_general3A_27 = arith.constant dense<0.000000e+00> : vector<1000x64xf32>
    %dot_general3A_28 = tpu.matmul %get3A_23, %get3A_26, %dot_general3A_27 {dimension_numbers = #tpu.dot_dimension_numbers<[1], [0], [0], [1], [0, 0, 1, 1], [], []>, precision = #tpu.contract_precision<fp32>, transpose_lhs_hint = false} : vector<1000x128xf32>, vector<128x64xf32>, vector<1000x64xf32> -> vector<1000x64xf32>
    %add3A_29 = arith.addf %dot_general3A_20, %dot_general3A_28 : vector<1000x64xf32>
    %get3A_30 = arith.constant 0 : index
    %get3A_31 = arith.constant 0 : index
    %get3A_32 = vector.load %arg8[%get3A_30, %get3A_31] : memref<1x64xf32, #tpu.memory_space<vmem>>, vector<1x64xf32>
    %add3A_33 = vector.broadcast %get3A_32 : vector<1x64xf32> to vector<1000x64xf32>
    %add3A_34 = arith.addf %add3A_29, %add3A_33 : vector<1000x64xf32>
    %reduce_max3A = arith.constant dense<0xFF800000> : vector<1000xf32>
    %reduce_max3A_35 = vector.multi_reduction <maximumf>, %add3A_34, %reduce_max3A [1] : vector<1000x64xf32> to vector<1000xf32>
    %broadcast_in_dim3A = vector.shape_cast %reduce_max3A_35 : vector<1000xf32> to vector<1000x1xf32>
    %sub3A = vector.broadcast %broadcast_in_dim3A : vector<1000x1xf32> to vector<1000x64xf32>
    %sub3A_36 = arith.subf %add3A_34, %sub3A : vector<1000x64xf32>
    %exp3A = math.exp %sub3A_36 : vector<1000x64xf32>
    %reduce_sum3A = arith.constant dense<0.000000e+00> : vector<1000xf32>
    %reduce_sum3A_37 = vector.multi_reduction <add>, %exp3A, %reduce_sum3A [1] : vector<1000x64xf32> to vector<1000xf32>
    %broadcast_in_dim3A_38 = vector.shape_cast %reduce_sum3A_37 : vector<1000xf32> to vector<1000x1xf32>
    %log3A = math.log %broadcast_in_dim3A_38 : vector<1000x1xf32>
    %add3A_39 = arith.addf %log3A, %broadcast_in_dim3A : vector<1000x1xf32>
    %sub3A_40 = vector.broadcast %add3A_39 : vector<1000x1xf32> to vector<1000x64xf32>
    %sub3A_41 = arith.subf %add3A_34, %sub3A_40 : vector<1000x64xf32>
    %swap3A = arith.constant 0 : index
    %swap3A_42 = arith.constant 0 : index
    %swap3A_43 = vector.load %arg9[%swap3A, %swap3A_42] : memref<1000x64xf32, #tpu.memory_space<vmem>>, vector<1000x64xf32>
    tpu.vector_store %arg9[%swap3A, %swap3A_42], %sub3A_41 {strides = array<i32>} : memref<1000x64xf32, #tpu.memory_space<vmem>>, vector<1000x64xf32>,
    return
  }
  func.func @transform_0(%arg0: i32) -> (i32, i32) {
    %c0_i32 = arith.constant 0 : i32
    %c0_i32_0 = arith.constant 0 : i32
    return %arg0, %c0_i32 : i32, i32
  }
  func.func @transform_1(%arg0: i32) -> (i32, i32) {
    %add3A = arith.constant 10 : i32
    %add3A_0 = arith.addi %arg0, %add3A : i32
    %c0_i32 = arith.constant 0 : i32
    %c0_i32_1 = arith.constant 0 : i32
    return %add3A_0, %c0_i32 : i32, i32
  }
  func.func @transform_2(%arg0: i32) -> (i32, i32) {
    %c0_i32 = arith.constant 0 : i32
    %c0_i32_0 = arith.constant 0 : i32
    return %arg0, %c0_i32 : i32, i32
  }
  func.func @transform_3(%arg0: i32) -> (i32, i32) {
    %add3A = arith.constant 10 : i32
    %add3A_0 = arith.addi %arg0, %add3A : i32
    %c0_i32 = arith.constant 0 : i32
    %c0_i32_1 = arith.constant 0 : i32
    return %add3A_0, %c0_i32 : i32, i32
  }
  func.func @transform_4(%arg0: i32) -> (i32, i32) {
    %c0_i32 = arith.constant 0 : i32
    %c0_i32_0 = arith.constant 0 : i32
    return %arg0, %c0_i32 : i32, i32
  }
  func.func @transform_5(%arg0: i32) -> (i32, i32) {
    %c0_i32 = arith.constant 0 : i32
    %c0_i32_0 = arith.constant 0 : i32
    %c0_i32_1 = arith.constant 0 : i32
    return %c0_i32, %c0_i32_0 : i32, i32
  }
  func.func @transform_6(%arg0: i32) -> (i32, i32) {
    %c0_i32 = arith.constant 0 : i32
    %c0_i32_0 = arith.constant 0 : i32
    %c0_i32_1 = arith.constant 0 : i32
    return %c0_i32, %c0_i32_0 : i32, i32
  }
  func.func @transform_7(%arg0: i32) -> (i32, i32) {
    %c0_i32 = arith.constant 0 : i32
    %c0_i32_0 = arith.constant 0 : i32
    %c0_i32_1 = arith.constant 0 : i32
    return %c0_i32, %c0_i32_0 : i32, i32
  }
  func.func @transform_8(%arg0: i32) -> (i32, i32) {
    %c0_i32 = arith.constant 0 : i32
    %c0_i32_0 = arith.constant 0 : i32
    return %arg0, %c0_i32 : i32, i32
  }
}

</mosaic_0001>

<sc_bundles>
// kernel: kernel.12.cloned.1.call-start
scs
__scs_entry_jumppad:
0x0: {  	(pc) =	sbr.rel $0x88, $3  }
0x1: {  	(tag) =	ssettag $0x0;
	lr =	simm.s32 $0x1  }
0x2: {  	[smem:$0x3F92] =	sst lr;
	_ =	strace $0xD0000000  }
0x3: {  	_ = 	snop  }
0x4: {  	_ = 	snop  }
0x5: {  	_ = 	snop  }
0x6: {  	_ = 	snop  }
0x7: {  	_ = 	snop  }
__scs_overlays_trampoline_lowered:
0x8: {  	[smem:$0x3FA1] =	sst s0  }
0x9: {  	[smem:$0x3FA2] =	sst s1  }
0xa: {  	[smem:$0x3FA3] =	sst s2  }
0xb: {  	[smem:$0x3FA4] =	sst s3  }
0xc: {  	[smem:$0x3FA5] =	sst s4  }
0xd: {  	[smem:$0x3FA6] =	sst s5  }
0xe: {  	[smem:$0x3FA7] =	sst s6  }
0xf: {  	[smem:$0x3FA8] =	sst s7  }
0x10: {  	[smem:$0x3FA9] =	sst s8  }
0x11: {  	[smem:$0x3FAA] =	sst s9;
	s0 =	simm.s32 @!p0 $0x0  }
0x12: {  	s1 =	sld [smem:$0x3F90];
	s0 =	simm.s32 @p0 $0x1  }
0x13: {  	[smem:$0x3FAB] =	sst s0;
	s0 =	simm.s32 @!p1 $0x0  }
0x14: {  	s2 =	sld [smem:$0x3F8F];
	s0 =	simm.s32 @p1 $0x1  }
0x15: {  	[smem:$0x3FAC] =	sst s0;
	s0 =	simm.s32 @!p2 $0x0  }
0x16: {  	s3 =	sld [smem:$0x3FDB];
	s0 =	simm.s32 @p2 $0x1  }
0x17: {  	s4 =	simm.s32 $0x1BF5;
	[smem:$0x3FAE] =	sst s0  }
0x18: {  	s0 =	sld [smem:$0x3F91];
	_ =	swait.ge [sflag:s4], $0x0  }
0x19: {  	s7 =	sld [smem:$0x3F92]  }
0x1a: {  	s8 =	sadd.s32 $0xFFFFE003, lr  }
0x1b: {  	s9 =	sadd.s32 $0xFFFFFEF7, lr;
	s5 =	simm.s32 $0xFFFFFFFF;
	p2 =	slt.u32 s8, $0xFFFFF086  }
0x1c: {  	p1 =	slt.u32 s9, $0xF7A;
	s5 =	simm.s32 @!p2 $0x0  }
0x1d: {  	s5 =	simm.s32 @p1 $0x1;
	p0 =	seq.s32 s7, s2  }
0x1e: {  	s7 =	smul.u32 @!p0 $0xF7A, s2;
	p2 =	seq.s32 @!p0 s5, $0x0  }
0x1f: {  	s9 =	smul.u32 $0xF7A, s1;
	s8 =	simm.s32 @!p0 $0x1BF5;
	p2 =	por !p2, p0  }
0x20: {  	[sflag:s8] =	ssyncset.s32 @!p0 $0xFFFFF086;
	s6 =	sadd.s32 @!p0 s3, s7;
	s7 =	simm.s32 @!p0 $0x108  }
0x21: {  	s3 =	sadd.s32 s3, s9;
	s6 =	sadd.s32 @!p0 $0x88, s6;
	s7 =	simm.s32 @p2 $0x1082  }
0x22: {  	[simem:s7], [sflag:s8] =	dma.local @!p0 [hbm:s6], $0xF7A  }
0x23: {  	s9 =	sor.u32 $0xD0000000, s2;
	s6 =	simm.s32 $0x108;
	_ =	swait.ge @!p0 [sflag:s8], $0x0  }
0x24: {  	s3 =	sadd.s32 $0x88, s3;
	s6 =	simm.s32 @!p1 $0x1082;
	[sflag:s4] =	ssyncset.s32 $0xFFFFF086  }
0x25: {  	[simem:s6], [sflag:s4] =	dma.local [hbm:s3], $0xF7A  }
0x26: {  	[smem:$0x3F92] =	sst s1;
	(tag) =	ssettag s2;
	_ =	strace s9  }
0x27: {  	s1 =	sld [smem:$0x3FA2]  }
0x28: {  	s2 =	sld [smem:$0x3FA3]  }
0x29: {  	s4 =	sld [smem:$0x3FA5]  }
0x2a: {  	p0 =	seq.s32 s5, $0x0;
	s5 =	sld [smem:$0x3FA6]  }
0x2b: {  	s6 =	sld [smem:$0x3FA7]  }
0x2c: {  	s7 =	sld [smem:$0x3FA8]  }
0x2d: {  	s3 =	simm.s32 $0x108;
	s8 =	sld [smem:$0x3FA9]  }
0x2e: {  	s3 =	simm.s32 @!p0 $0x1082;
	s9 =	sld [smem:$0x3FAA]  }
0x2f: {  	lr =	sadd.s32 s0, s3;
	s0 =	sld [smem:$0x3FA1]  }
0x30: {  	s3 =	sld [smem:$0x3FA4]  }
0x31: {  	[smem:$0x3FAD] =	sst s10  }
0x32: {  	s10 =	sld [smem:$0x3FAB];
	_ =	sdelay $0x3  }
0x33: {  	p0 =	seq.s32 s10, $0x1;
	s10 =	sld [smem:$0x3FAD];
	_ =	sdelay $0x3  }
0x34: {  	[smem:$0x3FAD] =	sst s10  }
0x35: {  	s10 =	sld [smem:$0x3FAC];
	_ =	sdelay $0x3  }
0x36: {  	p1 =	seq.s32 s10, $0x1;
	s10 =	sld [smem:$0x3FAD];
	_ =	sdelay $0x3  }
0x37: {  	[smem:$0x3FAD] =	sst s10  }
0x38: {  	s10 =	sld [smem:$0x3FAE]  }
0x39: {  	_ = 	snop;
	(pc) =	sbr.ind lr, $3  }
0x3a: {  	_ = 	snop  }
0x3b: {  	_ = 	snop  }
0x3c: {  	p2 =	seq.s32 s10, $0x1;
	s10 =	sld [smem:$0x3FAD]  }
0x3d: {  	_ =	shalt  }
0x3e: {  	_ =	shalt  }
0x3f: {  	_ =	shalt  }
0x40: {  	_ =	shalt  }
0x41: {  	_ =	shalt  }
0x42: {  	_ =	shalt  }
0x43: {  	_ =	shalt  }
0x44: {  	_ =	shalt  }
0x45: {  	_ =	shalt  }
0x46: {  	_ =	shalt  }
0x47: {  	_ =	shalt  }
0x48: {  	_ =	shalt  }
0x49: {  	_ =	shalt  }
0x4a: {  	_ =	shalt  }
0x4b: {  	_ =	shalt  }
0x4c: {  	_ =	shalt  }
0x4d: {  	_ =	shalt  }
0x4e: {  	_ =	shalt  }
0x4f: {  	_ =	shalt  }
0x50: {  	_ =	shalt  }
0x51: {  	_ =	shalt  }
0x52: {  	_ =	shalt  }
0x53: {  	_ =	shalt  }
0x54: {  	_ =	shalt  }
0x55: {  	_ =	shalt  }
0x56: {  	_ =	shalt  }
0x57: {  	_ =	shalt  }
0x58: {  	_ =	shalt  }
0x59: {  	_ =	shalt  }
0x5a: {  	_ =	shalt  }
0x5b: {  	_ =	shalt  }
0x5c: {  	_ =	shalt  }
0x5d: {  	_ =	shalt  }
0x5e: {  	_ =	shalt  }
0x5f: {  	_ =	shalt  }
0x60: {  	_ =	shalt  }
0x61: {  	_ =	shalt  }
0x62: {  	_ =	shalt  }
0x63: {  	_ =	shalt  }
0x64: {  	_ =	shalt  }
0x65: {  	_ =	shalt  }
0x66: {  	_ =	shalt  }
0x67: {  	_ =	shalt  }
0x68: {  	_ =	shalt  }
0x69: {  	_ =	shalt  }
0x6a: {  	_ =	shalt  }
0x6b: {  	_ =	shalt  }
0x6c: {  	_ =	shalt  }
0x6d: {  	_ =	shalt  }
0x6e: {  	_ =	shalt  }
0x6f: {  	_ =	shalt  }
0x70: {  	_ =	shalt  }
0x71: {  	_ =	shalt  }
0x72: {  	_ =	shalt  }
0x73: {  	_ =	shalt  }
0x74: {  	_ =	shalt  }
0x75: {  	_ =	shalt  }
0x76: {  	_ =	shalt  }
0x77: {  	_ =	shalt  }
0x78: {  	_ =	shalt  }
0x79: {  	_ =	shalt  }
0x7a: {  	_ =	shalt  }
0x7b: {  	_ =	shalt  }
0x7c: {  	_ =	shalt  }
0x7d: {  	_ =	shalt  }
0x7e: {  	_ =	shalt  }
0x7f: {  	_ =	shalt  }
0x80: {  	_ =	shalt  }
0x81: {  	_ =	shalt  }
0x82: {  	_ =	shalt  }
0x83: {  	_ =	shalt  }
0x84: {  	_ =	shalt  }
0x85: {  	_ =	shalt  }
0x86: {  	_ =	shalt  }
0x87: {  	_ =	shalt  }
.Lfunc_end0:
.L_simem_size_0:
called_computation.1_lowered:
.L_overlay_start_0:
0x88: {  	s2 =	sld [smem:$0x3FD9]  }
0x89: {  	s3 =	sld [smem:$0x3FFE];
	_ =	sdelay $0x1  }
0x8a: {  	s1 =	srdreg.scid  }
0x8b: {  	s0 =	sand.u32 $0x1, s1  }
0x8c: {  	s17 =	sshll.u32 s0, $0xA;
	s2 =	sadd.s32 s3, s2  }
0x8d: {  	s2 =	sadd.s32 s2, s17  }
0x8e: {  	[smem:$0x3FB9] =	sst s2  }
0x8f: {  	_ = 	snop  }
0x90: {  	s2 =	sld [smem:$0x3FC9]  }
0x91: {  	s18 =	sld [smem:$0x3FD0];
	(tm) =	ssettm $0x1  }
0x92: {  	s4 =	sld [smem:$0x3FFB];
	_ =	sdelay $0x3  }
0x93: {  	_ =	strace s4  }
0x94: {  	s4 =	sld [smem:$0x3FFC];
	_ =	sdelay $0x3  }
0x95: {  	_ =	strace s4  }
0x96: {  	s4 =	sld [smem:$0x3FFD];
	_ =	sdelay $0x3  }
0x97: {  	_ =	strace s4  }
0x98: {  	_ =	strace $0x8FFFFFFF  }
0x99: {  	s19 =	sld [smem:$0x3FDB];
	_ =	sdelay $0x1  }
0x9a: {  	s5 =	simm.s32 $_scs_section_size  }
0x9b: {  	s6 =	simm.s32 $_size__tile_overlayer_lowered;
	s7 =	simm.s32 $_tile_overlayer_lowered  }
0x9c: {  	s22 =	simm.s32 $0x1BFF;
	s21 =	sshll.u32 s7, $0x1;
	s4 =	sadd.s32 s5, s19  }
0x9d: {  	s8 =	simm.s32 $0x0;
	s20 =	sshll.u32 s6, $0x1;
	s6 =	sadd.s32 s21, s4  }
0x9e: {  	[timem:s8], [sflag:s22] =	dma.local [hbm:s6], s20  }
0x9f: {  	_ =	swait.ge [sflag:s22], s20  }
0xa0: {  	s5 =	ssub.s32 $0x0, s20;
	[sflag:s22] =	ssyncset.done $0x0  }
0xa1: {  	[sflag:s22] =	ssyncadd.s32 s5;
	_ =	sdelay $0x1  }
0xa2: {  	s23 =	simm.s32 $0x1B8B  }
0xa3: {  	_ =	swait.ge [sflag:s23], $0x1  }
0xa4: {  	[sflag:s23] =	ssyncset.done $0x0  }
0xa5: {  	s25 =	simm.s32 $0x1B8E;
	s24 =	sld [smem:$0x3FFE];
	[sflag:s23] =	ssyncadd.s32 $0xFFFFFFFF  }
0xa6: {  	s26 =	simm.s32 $execute0_lowered;
	[smem:$0x3FD2] =	sst s25  }
0xa7: {  	s6 =	sshll.u32 s26, $0x1;
	_ =	strace $0x80000046;
	[dreg:$0x1] =	wrdreg $0xFFFFFFFF  }
0xa8: {  	s28 =	simm.s32 $_size_execute0_lowered;
	s4 =	sadd.s32 s4, s6;
	[dreg:$0x0] =	wrdreg $0x0  }
0xa9: {  	s6 =	sshll.u32 s28, $0x1;
	[dreg:$0x2] =	wrdreg s4  }
0xaa: {  	[dreg:$0x3] =	wrdreg s6  }
0xab: {  	[dreg:$0x4] =	wrdreg $0xC0  }
0xac: {  	_ =	task [dreg:s8], $0x5FFFF  }
0xad: {  	[dreg:$0x1] =	wrdreg $0xFFFFFFFF  }
0xae: {  	[dreg:$0x0] =	wrdreg $0x60  }
0xaf: {  	[dreg:$0x2] =	wrdreg s2  }
0xb0: {  	[dreg:$0x3] =	wrdreg s18  }
0xb1: {  	[dreg:$0x4] =	wrdreg s24  }
0xb2: {  	[dreg:$0x5] =	wrdreg $0xC0000  }
0xb3: {  	[dreg:$0x6] =	wrdreg $0xA  }
0xb4: {  	_ =	task.clear_ibuf [dreg:s8], $0x7FFFF;
	_ =	strace $0x90000046  }
0xb5: {  	s29 =	simm.s32 $0xA;
	_ =	strace $0x80000048  }
0xb6: {  	_ =	swait.ge [sflag:s29], $0x1  }
0xb7: {  	[sflag:s29] =	ssyncadd.s32 $0xFFFFFFFF  }
0xb8: {  	_ =	strace $0x90000048  }
0xb9: {  	_ =	sfence  }
0xba: {  	s30 =	sld [smem:$0x0];
	_ =	sdelay $0x2  }
0xbb: {  	s31 =	sshll.u32 s1, $0xD;
	s1 =	sshrl.u32 s1, $0x2  }
0xbc: {  	s3 =	sand.u32 $0x4000, s31;
	s1 =	sadd.s32 s1, s30  }
0xbd: {  	s0 =	sor.u32 s3, s0;
	s1 =	sshll.u32 s1, $0x11  }
0xbe: {  	s0 =	sor.u32 s1, s0  }
0xbf: {  	s0 =	sadd.s32 $0x8F2B, s0  }
0xc0: {  	[sflag:s0] =	ssyncadd.remote.s32 $0x1  }
0xc1: {  	_ =	sfence.sel $0xFFFF  }
0xc2: {  	[dreg:$0x0] =	wrdreg $0xFFFFFFFF;
	(pc) =	sbr.abs _section_cstart, $3  }
0xc3: {  	[dreg:$0x1] =	wrdreg $0xFFFFFFFF  }
0xc4: {  	_ =	task.clear_ibuf [dreg:s8], $0x2FFFF;
	_ =	strace $0x9FFFFFFF  }
0xc5: {  	(tm) =	ssettm $0x7FFFFFFF  }
tec
execute0_lowered:
.L_overlay_start_1:
0x0: {  	(tag) =	ssettag $0x1  }
0x1: {  	s1 =	rddreg [dreg:$0x0]  }
0x2: {  	s2 =	rddreg [dreg:$0x1]  }
0x3: {  	s0 =	rddreg [dreg:$0x2]  }
0x4: {  	s4 =	rddreg [dreg:$0x3]  }
0x5: {  	s3 =	srdreg.scid;
	s5 =	stileid.u32  }
0x6: {  	s11 =	simm.s32 $0x0;
	s13 =	simm.s32 $0x9;
	s14 =	simm.s32 $0x1000  }
0x7: {  	s15 =	simm.s32 $0x50;
	s16 =	simm.s32 $0x2000;
	s17 =	simm.s32 $0x80  }
0x8: {  	s18 =	simm.s32 $0x4800;
	s19 =	simm.s32 $0x100;
	s28 =	simm.s32 $0x5  }
0x9: {  	s29 =	simm.s32 $0x6;
	s30 =	simm.s32 $0x7;
	s31 =	simm.s32 $0x8  }
0xa: {  	s3 =	sand.u32 $0x1, s3;
	s7 =	smul.u32 $0x2700, s5;
	[smem:$0x7FF] =	sst s11  }
0xb: {  	s9 =	smul.u32 $0x4E000, s5;
	s6 =	sadd.s32 $0x3A00, s0;
	s10 =	sadd.s32 $0x13A00, s0  }
0xc: {  	s24 =	sshll.u32 s5, $0x6;
	s25 =	sshll.u32 s5, $0xC;
	s8 =	smul.u32 $0x27100, s3  }
0xd: {  	_ =	strace $0x80000047;
	[dreg:$0x6] =	wrdreg s10;
	s20 =	ssub.s32 $0x2, s3  }
0xe: {  	s3 =	sshll.u32 s3, $0xB;
	s12 =	sor.u32 $0x1C09, s24;
	s24 =	simm.s32 $0x2  }
0xf: {  	s10 =	simm.s32 $0x1F80;
	s21 =	sshrl.u32 s20, $0x1;
	s9 =	sshrl.u32 s9, $0x2  }
0x10: {  	[dreg:$0x7] =	wrdreg s12;
	s7 =	sadd.s32 s7, s8;
	s22 =	ssub.s32 s20, s21  }
0x11: {  	s23 =	sadd.s32 s9, s4;
	s9 =	sor.u32 s3, s25;
	s20 =	simm.s32 $0x7000  }
0x12: {  	s21 =	simm.s32 $0x180;
	s25 =	simm.s32 $0x3;
	s3 =	simm.s32 $0x1E80  }
0x13: {  	s0 =	sadd.s32 s7, s0;
	s26 =	smax.u32 s22, $0x1;
	s8 =	sshrl.u32 s23, $0x3  }
0x14: {  	s22 =	simm.s32 $0x9800;
	s23 =	simm.s32 $0x1;
	[dreg:$0x9] =	wrdreg s26  }
0x15: {  	s7 =	simm.s32 $0x1F00;
	s0 =	sadd.s32 $0x16200, s0;
	[dreg:$0xa] =	wrdreg s8  }
0x16: {  	s26 =	simm.s32 $0x4;
	[dreg:$0x8] =	wrdreg s0;
	s0 =	simm.s32 $0x1E00  }
.LBB2_1:
0x17: {  	[dreg:$0x5] =	wrdreg s11  }
0x18: {  	s5 =	rddreg [dreg:$0x6]  }
0x19: {  	[spmem:s8], [sflag:s12] =	dma.local [hbm:s5], $0x2800  }
0x1a: {  	_ =	swait.ge [sflag:s13], $0x2800  }
0x1b: {  	[sflag:s13] =	ssyncset.done $0x0  }
0x1c: {  	[sflag:s13] =	ssyncadd.s32 $0xFFFFD800  }
0x1d: {  	s11 =	simm.s32 $0x0;
	[bflag:$0x0] =	sbarrier.arrive $0xFFFF  }
.LBB2_2:
0x1e: {  	s8 =	sshll.u32 s11, $0x9  }
0x1f: {  	s8 =	sadd.s32 s9, s8  }
0x20: {  	s5 =	simm.s32 $0x0;
	s12 =	sadd.s32 s2, s8  }
0x21: {  	[tilespmem:s5], [sflag:$0x9] =	stream.linear.gather [hbm4b:s12+s5], $0x1000, $0x38;
	[tilespmem:$0x1FB00] =	vst v63  }
0x22: {  	_ =	swait.ge [sflag:s13], $0x1000  }
0x23: {  	[sflag:s13] =	ssyncset.done $0x0  }
0x24: {  	s8 =	sadd.s32 s6, s8;
	[sflag:s13] =	ssyncadd.s32 $0xFFFFF000  }
0x25: {  	[tilespmem:s14], [sflag:$0x9] =	stream.linear.gather [hbm4b:s8+s5], $0x1000, $0x38;
	[tilespmem:$0x1FB00] =	vst v63  }
0x26: {  	_ =	swait.ge [sflag:s13], $0x1000  }
0x27: {  	[sflag:s13] =	ssyncset.done $0x0  }
0x28: {  	[sflag:s13] =	ssyncadd.s32 $0xFFFFF000  }
0x29: {  	[tilespmem:s16], [sflag:$0x1] =	stream.indirect.gather [hbm4b:s1+s15], $0x80, s5, s15, $0xb8;
	[tilespmem:$0x1FB00] =	vst v63  }
0x2a: {  	_ = 	snop  }
0x2b: {  	[tilespmem:s18], [sflag:$0x2] =	stream.indirect.gather [hbm4b:s1+s15], $0x80, s17, s15, $0xb8;
	[tilespmem:$0x1FB00] =	vst v63  }
0x2c: {  	_ = 	snop  }
0x2d: {  	[tilespmem:s20], [sflag:$0x3] =	stream.indirect.gather [hbm4b:s1+s15], $0x80, s19, s15, $0xb8;
	[tilespmem:$0x1FB00] =	vst v63  }
0x2e: {  	_ = 	snop  }
0x2f: {  	[tilespmem:s22], [sflag:$0x4] =	stream.indirect.gather [hbm4b:s1+s15], $0x80, s21, s15, $0xb8;
	[tilespmem:$0x1FB00] =	vst v63  }
0x30: {  	_ =	swait.ge [sflag:s23], $0x2800  }
0x31: {  	[sflag:s23] =	ssyncset.done $0x0  }
0x32: {  	s12 =	simm.s32 $0x1000;
	[sflag:s23] =	ssyncadd.s32 $0xFFFFD800  }
0x33: {  	[spmem:s4] =	stream.indirect.scatter.add.f32 [tilespmem:s16], [sflag:$0x5], $0x80, s12, s15, $0xb8;
	[tilespmem:$0x1FB00] =	vst v63  }
0x34: {  	_ =	swait.ge [sflag:s24], $0x2800  }
0x35: {  	[sflag:s24] =	ssyncset.done $0x0  }
0x36: {  	s8 =	simm.s32 $0x1080;
	[sflag:s24] =	ssyncadd.s32 $0xFFFFD800  }
0x37: {  	[spmem:s4] =	stream.indirect.scatter.add.f32 [tilespmem:s18], [sflag:$0x6], $0x80, s8, s15, $0xb8;
	[tilespmem:$0x1FB00] =	vst v63  }
0x38: {  	_ =	swait.ge [sflag:s25], $0x2800  }
0x39: {  	[sflag:s25] =	ssyncset.done $0x0  }
0x3a: {  	s12 =	simm.s32 $0x1100;
	[sflag:s25] =	ssyncadd.s32 $0xFFFFD800  }
0x3b: {  	[spmem:s4] =	stream.indirect.scatter.add.f32 [tilespmem:s20], [sflag:$0x7], $0x80, s12, s15, $0xb8;
	[tilespmem:$0x1FB00] =	vst v63  }
0x3c: {  	_ =	swait.ge [sflag:s26], $0x2800  }
0x3d: {  	[sflag:s26] =	ssyncset.done $0x0  }
0x3e: {  	s8 =	simm.s32 $0x1180;
	[sflag:s26] =	ssyncadd.s32 $0xFFFFD800  }
0x3f: {  	[spmem:s4] =	stream.indirect.scatter.add.f32 [tilespmem:s22], [sflag:$0x8], $0x80, s8, s15, $0xb8;
	[tilespmem:$0x1FB00] =	vst v63  }
0x40: {  	_ =	swait.ge [sflag:s28], $0x2800  }
0x41: {  	[sflag:s28] =	ssyncset.done $0x0  }
0x42: {  	s12 =	simm.s32 $0x200;
	[sflag:s28] =	ssyncadd.s32 $0xFFFFD800  }
0x43: {  	[tilespmem:s16], [sflag:$0x1] =	stream.indirect.gather [hbm4b:s1+s15], $0x80, s12, s15, $0xb8;
	[tilespmem:$0x1FB00] =	vst v63  }
0x44: {  	_ =	swait.ge [sflag:s29], $0x2800  }
0x45: {  	[sflag:s29] =	ssyncset.done $0x0  }
0x46: {  	s8 =	simm.s32 $0x280;
	[sflag:s29] =	ssyncadd.s32 $0xFFFFD800  }
0x47: {  	[tilespmem:s18], [sflag:$0x2] =	stream.indirect.gather [hbm4b:s1+s15], $0x80, s8, s15, $0xb8;
	[tilespmem:$0x1FB00] =	vst v63  }
0x48: {  	_ =	swait.ge [sflag:s30], $0x2800  }
0x49: {  	[sflag:s30] =	ssyncset.done $0x0  }
0x4a: {  	s12 =	simm.s32 $0x300;
	[sflag:s30] =	ssyncadd.s32 $0xFFFFD800  }
0x4b: {  	[tilespmem:s20], [sflag:$0x3] =	stream.indirect.gather [hbm4b:s1+s15], $0x80, s12, s15, $0xb8;
	[tilespmem:$0x1FB00] =	vst v63  }
0x4c: {  	_ =	swait.ge [sflag:s31], $0x2800  }
0x4d: {  	[sflag:s31] =	ssyncset.done $0x0  }
0x4e: {  	s8 =	simm.s32 $0x800;
	s12 =	simm.s32 $0x380;
	[sflag:s31] =	ssyncadd.s32 $0xFFFFD800  }
.LBB2_3:
0x4f: {  	[tilespmem:s22], [sflag:$0x4] =	stream.indirect.gather [hbm4b:s1+s15], $0x80, s12, s15, $0xb8;
	[tilespmem:$0x1FB00] =	vst v63  }
0x50: {  	s5 =	smov.u32 s8  }
0x51: {  	p0 =	sne.s32 s8, $0x3000;
	s8 =	sadd.s32 $0x800, s8;
	_ =	swait.ge [sflag:s23], $0x2800  }
0x52: {  	s12 =	sshra.s32 s5, $0x2;
	[sflag:s23] =	ssyncset.done $0x0  }
0x53: {  	s5 =	sadd.s32 $0x1000, s12;
	[sflag:s23] =	ssyncadd.s32 $0xFFFFD800  }
0x54: {  	[spmem:s4] =	stream.indirect.scatter.add.f32 [tilespmem:s16], [sflag:$0x5], $0x80, s5, s15, $0xb8;
	[tilespmem:$0x1FB00] =	vst v63  }
0x55: {  	_ =	swait.ge [sflag:s24], $0x2800  }
0x56: {  	[sflag:s24] =	ssyncset.done $0x0  }
0x57: {  	s5 =	sadd.s32 $0x1080, s12;
	[sflag:s24] =	ssyncadd.s32 $0xFFFFD800  }
0x58: {  	[spmem:s4] =	stream.indirect.scatter.add.f32 [tilespmem:s18], [sflag:$0x6], $0x80, s5, s15, $0xb8;
	[tilespmem:$0x1FB00] =	vst v63  }
0x59: {  	_ =	swait.ge [sflag:s25], $0x2800  }
0x5a: {  	[sflag:s25] =	ssyncset.done $0x0  }
0x5b: {  	s5 =	sadd.s32 $0x1100, s12;
	[sflag:s25] =	ssyncadd.s32 $0xFFFFD800  }
0x5c: {  	[spmem:s4] =	stream.indirect.scatter.add.f32 [tilespmem:s20], [sflag:$0x7], $0x80, s5, s15, $0xb8;
	[tilespmem:$0x1FB00] =	vst v63  }
0x5d: {  	_ =	swait.ge [sflag:s26], $0x2800  }
0x5e: {  	[sflag:s26] =	ssyncset.done $0x0  }
0x5f: {  	s5 =	sadd.s32 $0x1180, s12;
	[sflag:s26] =	ssyncadd.s32 $0xFFFFD800  }
0x60: {  	[spmem:s4] =	stream.indirect.scatter.add.f32 [tilespmem:s22], [sflag:$0x8], $0x80, s5, s15, $0xb8;
	[tilespmem:$0x1FB00] =	vst v63  }
0x61: {  	_ =	swait.ge [sflag:s28], $0x2800  }
0x62: {  	[sflag:s28] =	ssyncset.done $0x0  }
0x63: {  	s5 =	sadd.s32 $0x200, s12;
	[sflag:s28] =	ssyncadd.s32 $0xFFFFD800  }
0x64: {  	[tilespmem:s16], [sflag:$0x1] =	stream.indirect.gather [hbm4b:s1+s15], $0x80, s5, s15, $0xb8;
	[tilespmem:$0x1FB00] =	vst v63  }
0x65: {  	_ =	swait.ge [sflag:s29], $0x2800  }
0x66: {  	[sflag:s29] =	ssyncset.done $0x0  }
0x67: {  	s5 =	sadd.s32 $0x280, s12;
	[sflag:s29] =	ssyncadd.s32 $0xFFFFD800  }
0x68: {  	[tilespmem:s18], [sflag:$0x2] =	stream.indirect.gather [hbm4b:s1+s15], $0x80, s5, s15, $0xb8;
	[tilespmem:$0x1FB00] =	vst v63  }
0x69: {  	_ =	swait.ge [sflag:s30], $0x2800  }
0x6a: {  	[sflag:s30] =	ssyncset.done $0x0  }
.Ltmp0:
0x6b: {  	s5 =	sadd.s32 $0x300, s12;
	[sflag:s30] =	ssyncadd.s32 $0xFFFFD800;
	(pc) =	sbr.rel @p0 .LBB2_3-.Ltmp0, $4  }
0x6c: {  	[tilespmem:s20], [sflag:$0x3] =	stream.indirect.gather [hbm4b:s1+s15], $0x80, s5, s15, $0xb8;
	[tilespmem:$0x1FB00] =	vst v63  }
0x6d: {  	_ =	swait.ge [sflag:s31], $0x2800  }
0x6e: {  	[sflag:s31] =	ssyncset.done $0x0  }
0x6f: {  	s12 =	sadd.s32 $0x380, s12;
	[sflag:s31] =	ssyncadd.s32 $0xFFFFD800  }
0x70: {  	[tilespmem:s22], [sflag:$0x4] =	stream.indirect.gather [hbm4b:s1+s15], $0x80, s12, s15, $0xb8;
	[tilespmem:$0x1FB00] =	vst v63  }
0x71: {  	_ =	swait.ge [sflag:s23], $0x2800  }
0x72: {  	[sflag:s23] =	ssyncset.done $0x0  }
0x73: {  	[sflag:s23] =	ssyncadd.s32 $0xFFFFD800  }
0x74: {  	[spmem:s4] =	stream.indirect.scatter.add.f32 [tilespmem:s16], [sflag:$0x5], $0x80, s0, s15, $0xb8;
	[tilespmem:$0x1FB00] =	vst v63  }
0x75: {  	_ =	swait.ge [sflag:s24], $0x2800  }
0x76: {  	[sflag:s24] =	ssyncset.done $0x0  }
0x77: {  	[sflag:s24] =	ssyncadd.s32 $0xFFFFD800  }
0x78: {  	[spmem:s4] =	stream.indirect.scatter.add.f32 [tilespmem:s18], [sflag:$0x6], $0x80, s3, s15, $0xb8;
	[tilespmem:$0x1FB00] =	vst v63  }
0x79: {  	_ =	swait.ge [sflag:s25], $0x2800  }
0x7a: {  	[sflag:s25] =	ssyncset.done $0x0  }
0x7b: {  	[sflag:s25] =	ssyncadd.s32 $0xFFFFD800  }
0x7c: {  	[spmem:s4] =	stream.indirect.scatter.add.f32 [tilespmem:s20], [sflag:$0x7], $0x80, s7, s15, $0xb8;
	[tilespmem:$0x1FB00] =	vst v63  }
0x7d: {  	_ =	swait.ge [sflag:s26], $0x2800  }
0x7e: {  	[sflag:s26] =	ssyncset.done $0x0  }
0x7f: {  	[sflag:s26] =	ssyncadd.s32 $0xFFFFD800  }
0x80: {  	[spmem:s4] =	stream.indirect.scatter.add.f32 [tilespmem:s22], [sflag:$0x8], $0x80, s10, s15, $0xb8;
	[tilespmem:$0x1FB00] =	vst v63  }
0x81: {  	_ =	swait.ge [sflag:s28], $0x2800  }
0x82: {  	[sflag:s28] =	ssyncset.done $0x0  }
0x83: {  	[sflag:s28] =	ssyncadd.s32 $0xFFFFD800  }
0x84: {  	_ =	swait.ge [sflag:s29], $0x2800  }
0x85: {  	[sflag:s29] =	ssyncset.done $0x0  }
0x86: {  	s11 =	sadd.s32 $0x1, s11;
	[sflag:s29] =	ssyncadd.s32 $0xFFFFD800  }
0x87: {  	p0 =	sne.s32 s11, $0x4;
	_ =	swait.ge [sflag:s30], $0x2800  }
.Ltmp1:
0x88: {  	[sflag:s30] =	ssyncset.done $0x0;
	(pc) =	sbr.rel @p0 .LBB2_2-.Ltmp1, $4  }
0x89: {  	[sflag:s30] =	ssyncadd.s32 $0xFFFFD800  }
0x8a: {  	_ =	swait.ge [sflag:s31], $0x2800  }
0x8b: {  	[sflag:s31] =	ssyncset.done $0x0  }
0x8c: {  	[sflag:s31] =	ssyncadd.s32 $0xFFFFD800  }
0x8d: {  	[bflag:$0x0] =	sbarrier.arrive $0xFFFF  }
0x8e: {  	s12 =	rddreg [dreg:$0x7]  }
0x8f: {  	s5 =	rddreg [dreg:$0x8]  }
0x90: {  	s8 =	rddreg [dreg:$0xa]  }
0x91: {  	[hbm:s5], [sflag:s12] =	dma.local [spmem:s8], $0x2800  }
0x92: {  	_ =	swait.ge [sflag:s13], $0x2800  }
0x93: {  	s11 =	rddreg [dreg:$0x5]  }
0x94: {  	s5 =	rddreg [dreg:$0x9];
	s11 =	sadd.s32 $0x1, s11  }
0x95: {  	p0 =	sne.s32 s11, s5  }
.Ltmp2:
0x96: {  	_ = 	snop;
	(pc) =	sbr.rel @p0 .LBB2_1-.Ltmp2, $3  }
0x97: {  	_ =	sdelay $0x1  }
0x98: {  	[sflag:s13] =	ssyncset.done $0x0  }
0x99: {  	[sflag:s13] =	ssyncadd.s32 $0xFFFFD800  }
0x9a: {  	_ =	sfence.sel $0x180000  }
0x9b: {  	[bflag:$0x0] =	sbarrier.arrive $0xFFFF  }
0x9c: {  	_ =	strace $0x90000047  }
0x9d: {  	s0 =	stileid.u32;
	[bflag:$0x2] =	sbarrier.arrive $0xFFFF  }
0x9e: {  	p0 =	sne.s32 s0, $0x0;
	s0 =	rddreg [dreg:$0x4]  }
0x9f: {  	s0 =	sadd.s32 @!p0 $0x100000, s0  }
0xa0: {  	[sflag:s0] =	ssyncadd.tile.s32 @!p0 $0x1;
	_ =	shalt  }
.Lfunc_end2:
_tile_overlayer_lowered:
.L_overlay_start_2:
0xa1: {  	(tag) =	ssettag $0x2  }
0xa2: {  	s0 =	rddreg [dreg:$0x0];
	s2 =	stileid.u32  }
0xa3: {  	s1 =	rddreg [dreg:$0x1];
	p0 =	sne.s32 s2, $0x0  }
0xa4: {  	s3 =	rddreg [dreg:$0x2];
	[bflag:$0x3] =	sbarrier.arrive $0xFFFF;
	s2 =	simm.s32 @!p0 $0x1C09  }
0xa5: {  	[timem:s3], [sflag:s2] =	dma.local @!p0 [hbm:s0], s1  }
0xa6: {  	s0 =	simm.s32 @!p0 $0x9  }
0xa7: {  	_ =	swait.ge @!p0 [sflag:s0], s1  }
0xa8: {  	s1 =	ssub.s32 @!p0 $0x0, s1;
	[sflag:s0] =	ssyncset.done @!p0 $0x0  }
0xa9: {  	[sflag:s0] =	ssyncadd.s32 @!p0 s1  }
0xaa: {  	[bflag:$0x3] =	sbarrier.arrive $0xFFFF  }
0xab: {  	_ =	shalt  }

// kernel: kernel.15.cloned.1.call-start
scs
__scs_entry_jumppad:
0x0: {  	(pc) =	sbr.rel $0x88, $3  }
0x1: {  	(tag) =	ssettag $0x0;
	lr =	simm.s32 $0x1  }
0x2: {  	[smem:$0x3F92] =	sst lr;
	_ =	strace $0xD0000000  }
0x3: {  	_ = 	snop  }
0x4: {  	_ = 	snop  }
0x5: {  	_ = 	snop  }
0x6: {  	_ = 	snop  }
0x7: {  	_ = 	snop  }
__scs_overlays_trampoline_lowered:
0x8: {  	[smem:$0x3FA1] =	sst s0  }
0x9: {  	[smem:$0x3FA2] =	sst s1  }
0xa: {  	[smem:$0x3FA3] =	sst s2  }
0xb: {  	[smem:$0x3FA4] =	sst s3  }
0xc: {  	[smem:$0x3FA5] =	sst s4  }
0xd: {  	[smem:$0x3FA6] =	sst s5  }
0xe: {  	[smem:$0x3FA7] =	sst s6  }
0xf: {  	[smem:$0x3FA8] =	sst s7  }
0x10: {  	[smem:$0x3FA9] =	sst s8  }
0x11: {  	[smem:$0x3FAA] =	sst s9;
	s0 =	simm.s32 @!p0 $0x0  }
0x12: {  	s1 =	sld [smem:$0x3F90];
	s0 =	simm.s32 @p0 $0x1  }
0x13: {  	[smem:$0x3FAB] =	sst s0;
	s0 =	simm.s32 @!p1 $0x0  }
0x14: {  	s2 =	sld [smem:$0x3F8F];
	s0 =	simm.s32 @p1 $0x1  }
0x15: {  	[smem:$0x3FAC] =	sst s0;
	s0 =	simm.s32 @!p2 $0x0  }
0x16: {  	s3 =	sld [smem:$0x3FDB];
	s0 =	simm.s32 @p2 $0x1  }
0x17: {  	s4 =	simm.s32 $0x1BF5;
	[smem:$0x3FAE] =	sst s0  }
0x18: {  	s0 =	sld [smem:$0x3F91];
	_ =	swait.ge [sflag:s4], $0x0  }
0x19: {  	s7 =	sld [smem:$0x3F92]  }
0x1a: {  	s8 =	sadd.s32 $0xFFFFE003, lr  }
0x1b: {  	s9 =	sadd.s32 $0xFFFFFEF7, lr;
	s5 =	simm.s32 $0xFFFFFFFF;
	p2 =	slt.u32 s8, $0xFFFFF086  }
0x1c: {  	p1 =	slt.u32 s9, $0xF7A;
	s5 =	simm.s32 @!p2 $0x0  }
0x1d: {  	s5 =	simm.s32 @p1 $0x1;
	p0 =	seq.s32 s7, s2  }
0x1e: {  	s7 =	smul.u32 @!p0 $0xF7A, s2;
	p2 =	seq.s32 @!p0 s5, $0x0  }
0x1f: {  	s9 =	smul.u32 $0xF7A, s1;
	s8 =	simm.s32 @!p0 $0x1BF5;
	p2 =	por !p2, p0  }
0x20: {  	[sflag:s8] =	ssyncset.s32 @!p0 $0xFFFFF086;
	s6 =	sadd.s32 @!p0 s3, s7;
	s7 =	simm.s32 @!p0 $0x108  }
0x21: {  	s3 =	sadd.s32 s3, s9;
	s6 =	sadd.s32 @!p0 $0x88, s6;
	s7 =	simm.s32 @p2 $0x1082  }
0x22: {  	[simem:s7], [sflag:s8] =	dma.local @!p0 [hbm:s6], $0xF7A  }
0x23: {  	s9 =	sor.u32 $0xD0000000, s2;
	s6 =	simm.s32 $0x108;
	_ =	swait.ge @!p0 [sflag:s8], $0x0  }
0x24: {  	s3 =	sadd.s32 $0x88, s3;
	s6 =	simm.s32 @!p1 $0x1082;
	[sflag:s4] =	ssyncset.s32 $0xFFFFF086  }
0x25: {  	[simem:s6], [sflag:s4] =	dma.local [hbm:s3], $0xF7A  }
0x26: {  	[smem:$0x3F92] =	sst s1;
	(tag) =	ssettag s2;
	_ =	strace s9  }
0x27: {  	s1 =	sld [smem:$0x3FA2]  }
0x28: {  	s2 =	sld [smem:$0x3FA3]  }
0x29: {  	s4 =	sld [smem:$0x3FA5]  }
0x2a: {  	p0 =	seq.s32 s5, $0x0;
	s5 =	sld [smem:$0x3FA6]  }
0x2b: {  	s6 =	sld [smem:$0x3FA7]  }
0x2c: {  	s7 =	sld [smem:$0x3FA8]  }
0x2d: {  	s3 =	simm.s32 $0x108;
	s8 =	sld [smem:$0x3FA9]  }
0x2e: {  	s3 =	simm.s32 @!p0 $0x1082;
	s9 =	sld [smem:$0x3FAA]  }
0x2f: {  	lr =	sadd.s32 s0, s3;
	s0 =	sld [smem:$0x3FA1]  }
0x30: {  	s3 =	sld [smem:$0x3FA4]  }
0x31: {  	[smem:$0x3FAD] =	sst s10  }
0x32: {  	s10 =	sld [smem:$0x3FAB];
	_ =	sdelay $0x3  }
0x33: {  	p0 =	seq.s32 s10, $0x1;
	s10 =	sld [smem:$0x3FAD];
	_ =	sdelay $0x3  }
0x34: {  	[smem:$0x3FAD] =	sst s10  }
0x35: {  	s10 =	sld [smem:$0x3FAC];
	_ =	sdelay $0x3  }
0x36: {  	p1 =	seq.s32 s10, $0x1;
	s10 =	sld [smem:$0x3FAD];
	_ =	sdelay $0x3  }
0x37: {  	[smem:$0x3FAD] =	sst s10  }
0x38: {  	s10 =	sld [smem:$0x3FAE]  }
0x39: {  	_ = 	snop;
	(pc) =	sbr.ind lr, $3  }
0x3a: {  	_ = 	snop  }
0x3b: {  	_ = 	snop  }
0x3c: {  	p2 =	seq.s32 s10, $0x1;
	s10 =	sld [smem:$0x3FAD]  }
0x3d: {  	_ =	shalt  }
0x3e: {  	_ =	shalt  }
0x3f: {  	_ =	shalt  }
0x40: {  	_ =	shalt  }
0x41: {  	_ =	shalt  }
0x42: {  	_ =	shalt  }
0x43: {  	_ =	shalt  }
0x44: {  	_ =	shalt  }
0x45: {  	_ =	shalt  }
0x46: {  	_ =	shalt  }
0x47: {  	_ =	shalt  }
0x48: {  	_ =	shalt  }
0x49: {  	_ =	shalt  }
0x4a: {  	_ =	shalt  }
0x4b: {  	_ =	shalt  }
0x4c: {  	_ =	shalt  }
0x4d: {  	_ =	shalt  }
0x4e: {  	_ =	shalt  }
0x4f: {  	_ =	shalt  }
0x50: {  	_ =	shalt  }
0x51: {  	_ =	shalt  }
0x52: {  	_ =	shalt  }
0x53: {  	_ =	shalt  }
0x54: {  	_ =	shalt  }
0x55: {  	_ =	shalt  }
0x56: {  	_ =	shalt  }
0x57: {  	_ =	shalt  }
0x58: {  	_ =	shalt  }
0x59: {  	_ =	shalt  }
0x5a: {  	_ =	shalt  }
0x5b: {  	_ =	shalt  }
0x5c: {  	_ =	shalt  }
0x5d: {  	_ =	shalt  }
0x5e: {  	_ =	shalt  }
0x5f: {  	_ =	shalt  }
0x60: {  	_ =	shalt  }
0x61: {  	_ =	shalt  }
0x62: {  	_ =	shalt  }
0x63: {  	_ =	shalt  }
0x64: {  	_ =	shalt  }
0x65: {  	_ =	shalt  }
0x66: {  	_ =	shalt  }
0x67: {  	_ =	shalt  }
0x68: {  	_ =	shalt  }
0x69: {  	_ =	shalt  }
0x6a: {  	_ =	shalt  }
0x6b: {  	_ =	shalt  }
0x6c: {  	_ =	shalt  }
0x6d: {  	_ =	shalt  }
0x6e: {  	_ =	shalt  }
0x6f: {  	_ =	shalt  }
0x70: {  	_ =	shalt  }
0x71: {  	_ =	shalt  }
0x72: {  	_ =	shalt  }
0x73: {  	_ =	shalt  }
0x74: {  	_ =	shalt  }
0x75: {  	_ =	shalt  }
0x76: {  	_ =	shalt  }
0x77: {  	_ =	shalt  }
0x78: {  	_ =	shalt  }
0x79: {  	_ =	shalt  }
0x7a: {  	_ =	shalt  }
0x7b: {  	_ =	shalt  }
0x7c: {  	_ =	shalt  }
0x7d: {  	_ =	shalt  }
0x7e: {  	_ =	shalt  }
0x7f: {  	_ =	shalt  }
0x80: {  	_ =	shalt  }
0x81: {  	_ =	shalt  }
0x82: {  	_ =	shalt  }
0x83: {  	_ =	shalt  }
0x84: {  	_ =	shalt  }
0x85: {  	_ =	shalt  }
0x86: {  	_ =	shalt  }
0x87: {  	_ =	shalt  }
.Lfunc_end0:
.L_simem_size_0:
called_computation.2_lowered:
.L_overlay_start_0:
0x88: {  	s2 =	sld [smem:$0x3FD9]  }
0x89: {  	s3 =	sld [smem:$0x3FFE];
	_ =	sdelay $0x1  }
0x8a: {  	s1 =	srdreg.scid  }
0x8b: {  	s0 =	sand.u32 $0x1, s1  }
0x8c: {  	s17 =	sshll.u32 s0, $0xA;
	s2 =	sadd.s32 s3, s2  }
0x8d: {  	s2 =	sadd.s32 s2, s17  }
0x8e: {  	[smem:$0x3FB9] =	sst s2  }
0x8f: {  	_ = 	snop  }
0x90: {  	s2 =	sld [smem:$0x3FD0];
	(tm) =	ssettm $0x1  }
0x91: {  	s18 =	sld [smem:$0x3FFB];
	_ =	sdelay $0x3  }
0x92: {  	_ =	strace s18  }
0x93: {  	s3 =	sld [smem:$0x3FFC];
	_ =	sdelay $0x3  }
0x94: {  	_ =	strace s3  }
0x95: {  	s3 =	sld [smem:$0x3FFD];
	_ =	sdelay $0x3  }
0x96: {  	_ =	strace s3  }
0x97: {  	_ =	strace $0x8FFFFFFF  }
0x98: {  	s19 =	sld [smem:$0x3FDB];
	_ =	sdelay $0x1  }
0x99: {  	s4 =	simm.s32 $_scs_section_size  }
0x9a: {  	s5 =	simm.s32 $_size__tile_overlayer_lowered;
	s6 =	simm.s32 $_tile_overlayer_lowered  }
0x9b: {  	s22 =	simm.s32 $0x1BFF;
	s21 =	sshll.u32 s6, $0x1;
	s3 =	sadd.s32 s4, s19  }
0x9c: {  	s7 =	simm.s32 $0x0;
	s20 =	sshll.u32 s5, $0x1;
	s5 =	sadd.s32 s21, s3  }
0x9d: {  	[timem:s7], [sflag:s22] =	dma.local [hbm:s5], s20  }
0x9e: {  	_ =	swait.ge [sflag:s22], s20  }
0x9f: {  	s4 =	ssub.s32 $0x0, s20;
	[sflag:s22] =	ssyncset.done $0x0  }
0xa0: {  	[sflag:s22] =	ssyncadd.s32 s4;
	_ =	sdelay $0x1  }
0xa1: {  	s23 =	simm.s32 $0x1B8B  }
0xa2: {  	_ =	swait.ge [sflag:s23], $0x1  }
0xa3: {  	[sflag:s23] =	ssyncset.done $0x0  }
0xa4: {  	s25 =	simm.s32 $0x1B8E;
	s24 =	sld [smem:$0x3FFE];
	[sflag:s23] =	ssyncadd.s32 $0xFFFFFFFF  }
0xa5: {  	s26 =	simm.s32 $execute0_lowered;
	[smem:$0x3FD2] =	sst s25  }
0xa6: {  	s5 =	sshll.u32 s26, $0x1;
	_ =	strace $0x8000004C;
	[dreg:$0x1] =	wrdreg $0xFFFFFFFF  }
0xa7: {  	s28 =	simm.s32 $_size_execute0_lowered;
	s3 =	sadd.s32 s3, s5;
	[dreg:$0x0] =	wrdreg $0x0  }
0xa8: {  	s5 =	sshll.u32 s28, $0x1;
	[dreg:$0x2] =	wrdreg s3  }
0xa9: {  	[dreg:$0x3] =	wrdreg s5  }
0xaa: {  	[dreg:$0x4] =	wrdreg $0xC0  }
0xab: {  	_ =	task [dreg:s7], $0x5FFFF  }
0xac: {  	[dreg:$0x1] =	wrdreg $0xFFFFFFFF  }
0xad: {  	[dreg:$0x0] =	wrdreg $0x60  }
0xae: {  	[dreg:$0x2] =	wrdreg s24  }
0xaf: {  	[dreg:$0x3] =	wrdreg s2  }
0xb0: {  	[dreg:$0x4] =	wrdreg $0xC0000  }
0xb1: {  	[dreg:$0x5] =	wrdreg $0x9  }
0xb2: {  	_ =	task.clear_ibuf [dreg:s7], $0x6FFFF;
	_ =	strace $0x9000004C  }
0xb3: {  	s29 =	simm.s32 $0x9;
	_ =	strace $0x8000004E  }
0xb4: {  	_ =	swait.ge [sflag:s29], $0x1  }
0xb5: {  	[sflag:s29] =	ssyncadd.s32 $0xFFFFFFFF  }
0xb6: {  	_ =	strace $0x9000004E  }
0xb7: {  	_ =	sfence  }
0xb8: {  	s30 =	sld [smem:$0x0];
	_ =	sdelay $0x2  }
0xb9: {  	s31 =	sshll.u32 s1, $0xD;
	s1 =	sshrl.u32 s1, $0x2  }
0xba: {  	s3 =	sand.u32 $0x4000, s31;
	s1 =	sadd.s32 s1, s30  }
0xbb: {  	s0 =	sor.u32 s3, s0;
	s1 =	sshll.u32 s1, $0x11  }
0xbc: {  	s0 =	sor.u32 s1, s0  }
0xbd: {  	s0 =	sadd.s32 $0x8F2B, s0  }
0xbe: {  	[sflag:s0] =	ssyncadd.remote.s32 $0x1  }
0xbf: {  	_ =	sfence.sel $0xFFFF  }
0xc0: {  	[dreg:$0x0] =	wrdreg $0xFFFFFFFF;
	(pc) =	sbr.abs _section_cstart, $3  }
0xc1: {  	[dreg:$0x1] =	wrdreg $0xFFFFFFFF  }
0xc2: {  	_ =	task.clear_ibuf [dreg:s7], $0x2FFFF;
	_ =	strace $0x9FFFFFFF  }
0xc3: {  	(tm) =	ssettm $0x7FFFFFFF  }
tec
execute0_lowered:
.L_overlay_start_1:
0x0: {  	(tag) =	ssettag $0x1  }
0x1: {  	s0 =	rddreg [dreg:$0x0]  }
0x2: {  	s2 =	rddreg [dreg:$0x1]  }
0x3: {  	s3 =	rddreg [dreg:$0x2]  }
0x4: {  	s1 =	srdreg.scid;
	s4 =	stileid.u32;
	s11 =	simm.s32 $0x0  }
0x5: {  	s13 =	simm.s32 $0x9;
	s14 =	simm.s32 $0x1000;
	s15 =	simm.s32 $0x50  }
0x6: {  	s16 =	simm.s32 $0x2000;
	s17 =	simm.s32 $0x80;
	s18 =	simm.s32 $0x4800  }
0x7: {  	s19 =	simm.s32 $0x100;
	s28 =	simm.s32 $0x5;
	s29 =	simm.s32 $0x6  }
0x8: {  	s30 =	simm.s32 $0x7;
	s31 =	simm.s32 $0x8;
	s1 =	sand.u32 $0x1, s1  }
0x9: {  	s7 =	smul.u32 $0x2700, s4;
	[smem:$0x7FF] =	sst s11;
	s5 =	sadd.s32 $0x16200, s0  }
0xa: {  	s9 =	smul.u32 $0x4E000, s4;
	s6 =	sadd.s32 $0x3A00, s0;
	s10 =	sadd.s32 $0x13A00, s0  }
0xb: {  	s24 =	sshll.u32 s4, $0x6;
	s25 =	sshll.u32 s4, $0xC;
	s8 =	smul.u32 $0x27100, s1  }
0xc: {  	_ =	strace $0x8000004D;
	[dreg:$0x5] =	wrdreg s10;
	s20 =	ssub.s32 $0x2, s1  }
0xd: {  	s1 =	sshll.u32 s1, $0xB;
	s12 =	sor.u32 $0x1C09, s24;
	s24 =	simm.s32 $0x2  }
0xe: {  	s10 =	simm.s32 $0x1F80;
	s21 =	sshrl.u32 s20, $0x1;
	s9 =	sshrl.u32 s9, $0x2  }
0xf: {  	[dreg:$0x6] =	wrdreg s12;
	s7 =	sadd.s32 s7, s8;
	s22 =	ssub.s32 s20, s21  }
0x10: {  	s23 =	sadd.s32 s9, s3;
	s9 =	sor.u32 s1, s25;
	s20 =	simm.s32 $0x7000  }
0x11: {  	s21 =	simm.s32 $0x180;
	s25 =	simm.s32 $0x3;
	s1 =	simm.s32 $0x1E80  }
0x12: {  	s0 =	sadd.s32 s7, s0;
	s26 =	smax.u32 s22, $0x1;
	s8 =	sshrl.u32 s23, $0x3  }
0x13: {  	s22 =	simm.s32 $0x9800;
	s23 =	simm.s32 $0x1;
	[dreg:$0x8] =	wrdreg s26  }
0x14: {  	s7 =	simm.s32 $0x1F00;
	s0 =	sadd.s32 $0xB2C00, s0;
	[dreg:$0x9] =	wrdreg s8  }
0x15: {  	s26 =	simm.s32 $0x4;
	[dreg:$0x7] =	wrdreg s0;
	s0 =	simm.s32 $0x1E00  }
.LBB2_1:
0x16: {  	[dreg:$0x4] =	wrdreg s11  }
0x17: {  	s4 =	rddreg [dreg:$0x5]  }
0x18: {  	[spmem:s8], [sflag:s12] =	dma.local [hbm:s4], $0x2800  }
0x19: {  	_ =	swait.ge [sflag:s13], $0x2800  }
0x1a: {  	[sflag:s13] =	ssyncset.done $0x0  }
0x1b: {  	[sflag:s13] =	ssyncadd.s32 $0xFFFFD800  }
0x1c: {  	s11 =	simm.s32 $0x0;
	[bflag:$0x0] =	sbarrier.arrive $0xFFFF  }
.LBB2_2:
0x1d: {  	s8 =	sshll.u32 s11, $0x9  }
0x1e: {  	s8 =	sadd.s32 s9, s8  }
0x1f: {  	s4 =	simm.s32 $0x0;
	s12 =	sadd.s32 s2, s8  }
0x20: {  	[tilespmem:s4], [sflag:$0x9] =	stream.linear.gather [hbm4b:s12+s4], $0x1000, $0x38;
	[tilespmem:$0x1FB00] =	vst v63  }
0x21: {  	_ =	swait.ge [sflag:s13], $0x1000  }
0x22: {  	[sflag:s13] =	ssyncset.done $0x0  }
0x23: {  	s8 =	sadd.s32 s6, s8;
	[sflag:s13] =	ssyncadd.s32 $0xFFFFF000  }
0x24: {  	[tilespmem:s14], [sflag:$0x9] =	stream.linear.gather [hbm4b:s8+s4], $0x1000, $0x38;
	[tilespmem:$0x1FB00] =	vst v63  }
0x25: {  	_ =	swait.ge [sflag:s13], $0x1000  }
0x26: {  	[sflag:s13] =	ssyncset.done $0x0  }
0x27: {  	[sflag:s13] =	ssyncadd.s32 $0xFFFFF000  }
0x28: {  	[tilespmem:s16], [sflag:$0x1] =	stream.indirect.gather [hbm4b:s5+s15], $0x80, s4, s15, $0xb8;
	[tilespmem:$0x1FB00] =	vst v63  }
0x29: {  	_ = 	snop  }
0x2a: {  	[tilespmem:s18], [sflag:$0x2] =	stream.indirect.gather [hbm4b:s5+s15], $0x80, s17, s15, $0xb8;
	[tilespmem:$0x1FB00] =	vst v63  }
0x2b: {  	_ = 	snop  }
0x2c: {  	[tilespmem:s20], [sflag:$0x3] =	stream.indirect.gather [hbm4b:s5+s15], $0x80, s19, s15, $0xb8;
	[tilespmem:$0x1FB00] =	vst v63  }
0x2d: {  	_ = 	snop  }
0x2e: {  	[tilespmem:s22], [sflag:$0x4] =	stream.indirect.gather [hbm4b:s5+s15], $0x80, s21, s15, $0xb8;
	[tilespmem:$0x1FB00] =	vst v63  }
0x2f: {  	_ =	swait.ge [sflag:s23], $0x2800  }
0x30: {  	[sflag:s23] =	ssyncset.done $0x0  }
0x31: {  	s12 =	simm.s32 $0x1000;
	[sflag:s23] =	ssyncadd.s32 $0xFFFFD800  }
0x32: {  	[spmem:s3] =	stream.indirect.scatter.add.f32 [tilespmem:s16], [sflag:$0x5], $0x80, s12, s15, $0xb8;
	[tilespmem:$0x1FB00] =	vst v63  }
0x33: {  	_ =	swait.ge [sflag:s24], $0x2800  }
0x34: {  	[sflag:s24] =	ssyncset.done $0x0  }
0x35: {  	s8 =	simm.s32 $0x1080;
	[sflag:s24] =	ssyncadd.s32 $0xFFFFD800  }
0x36: {  	[spmem:s3] =	stream.indirect.scatter.add.f32 [tilespmem:s18], [sflag:$0x6], $0x80, s8, s15, $0xb8;
	[tilespmem:$0x1FB00] =	vst v63  }
0x37: {  	_ =	swait.ge [sflag:s25], $0x2800  }
0x38: {  	[sflag:s25] =	ssyncset.done $0x0  }
0x39: {  	s12 =	simm.s32 $0x1100;
	[sflag:s25] =	ssyncadd.s32 $0xFFFFD800  }
0x3a: {  	[spmem:s3] =	stream.indirect.scatter.add.f32 [tilespmem:s20], [sflag:$0x7], $0x80, s12, s15, $0xb8;
	[tilespmem:$0x1FB00] =	vst v63  }
0x3b: {  	_ =	swait.ge [sflag:s26], $0x2800  }
0x3c: {  	[sflag:s26] =	ssyncset.done $0x0  }
0x3d: {  	s8 =	simm.s32 $0x1180;
	[sflag:s26] =	ssyncadd.s32 $0xFFFFD800  }
0x3e: {  	[spmem:s3] =	stream.indirect.scatter.add.f32 [tilespmem:s22], [sflag:$0x8], $0x80, s8, s15, $0xb8;
	[tilespmem:$0x1FB00] =	vst v63  }
0x3f: {  	_ =	swait.ge [sflag:s28], $0x2800  }
0x40: {  	[sflag:s28] =	ssyncset.done $0x0  }
0x41: {  	s12 =	simm.s32 $0x200;
	[sflag:s28] =	ssyncadd.s32 $0xFFFFD800  }
0x42: {  	[tilespmem:s16], [sflag:$0x1] =	stream.indirect.gather [hbm4b:s5+s15], $0x80, s12, s15, $0xb8;
	[tilespmem:$0x1FB00] =	vst v63  }
0x43: {  	_ =	swait.ge [sflag:s29], $0x2800  }
0x44: {  	[sflag:s29] =	ssyncset.done $0x0  }
0x45: {  	s8 =	simm.s32 $0x280;
	[sflag:s29] =	ssyncadd.s32 $0xFFFFD800  }
0x46: {  	[tilespmem:s18], [sflag:$0x2] =	stream.indirect.gather [hbm4b:s5+s15], $0x80, s8, s15, $0xb8;
	[tilespmem:$0x1FB00] =	vst v63  }
0x47: {  	_ =	swait.ge [sflag:s30], $0x2800  }
0x48: {  	[sflag:s30] =	ssyncset.done $0x0  }
0x49: {  	s12 =	simm.s32 $0x300;
	[sflag:s30] =	ssyncadd.s32 $0xFFFFD800  }
0x4a: {  	[tilespmem:s20], [sflag:$0x3] =	stream.indirect.gather [hbm4b:s5+s15], $0x80, s12, s15, $0xb8;
	[tilespmem:$0x1FB00] =	vst v63  }
0x4b: {  	_ =	swait.ge [sflag:s31], $0x2800  }
0x4c: {  	[sflag:s31] =	ssyncset.done $0x0  }
0x4d: {  	s8 =	simm.s32 $0x800;
	s12 =	simm.s32 $0x380;
	[sflag:s31] =	ssyncadd.s32 $0xFFFFD800  }
.LBB2_3:
0x4e: {  	[tilespmem:s22], [sflag:$0x4] =	stream.indirect.gather [hbm4b:s5+s15], $0x80, s12, s15, $0xb8;
	[tilespmem:$0x1FB00] =	vst v63  }
0x4f: {  	s4 =	smov.u32 s8  }
0x50: {  	p0 =	sne.s32 s8, $0x3000;
	s8 =	sadd.s32 $0x800, s8;
	_ =	swait.ge [sflag:s23], $0x2800  }
0x51: {  	s12 =	sshra.s32 s4, $0x2;
	[sflag:s23] =	ssyncset.done $0x0  }
0x52: {  	s4 =	sadd.s32 $0x1000, s12;
	[sflag:s23] =	ssyncadd.s32 $0xFFFFD800  }
0x53: {  	[spmem:s3] =	stream.indirect.scatter.add.f32 [tilespmem:s16], [sflag:$0x5], $0x80, s4, s15, $0xb8;
	[tilespmem:$0x1FB00] =	vst v63  }
0x54: {  	_ =	swait.ge [sflag:s24], $0x2800  }
0x55: {  	[sflag:s24] =	ssyncset.done $0x0  }
0x56: {  	s4 =	sadd.s32 $0x1080, s12;
	[sflag:s24] =	ssyncadd.s32 $0xFFFFD800  }
0x57: {  	[spmem:s3] =	stream.indirect.scatter.add.f32 [tilespmem:s18], [sflag:$0x6], $0x80, s4, s15, $0xb8;
	[tilespmem:$0x1FB00] =	vst v63  }
0x58: {  	_ =	swait.ge [sflag:s25], $0x2800  }
0x59: {  	[sflag:s25] =	ssyncset.done $0x0  }
0x5a: {  	s4 =	sadd.s32 $0x1100, s12;
	[sflag:s25] =	ssyncadd.s32 $0xFFFFD800  }
0x5b: {  	[spmem:s3] =	stream.indirect.scatter.add.f32 [tilespmem:s20], [sflag:$0x7], $0x80, s4, s15, $0xb8;
	[tilespmem:$0x1FB00] =	vst v63  }
0x5c: {  	_ =	swait.ge [sflag:s26], $0x2800  }
0x5d: {  	[sflag:s26] =	ssyncset.done $0x0  }
0x5e: {  	s4 =	sadd.s32 $0x1180, s12;
	[sflag:s26] =	ssyncadd.s32 $0xFFFFD800  }
0x5f: {  	[spmem:s3] =	stream.indirect.scatter.add.f32 [tilespmem:s22], [sflag:$0x8], $0x80, s4, s15, $0xb8;
	[tilespmem:$0x1FB00] =	vst v63  }
0x60: {  	_ =	swait.ge [sflag:s28], $0x2800  }
0x61: {  	[sflag:s28] =	ssyncset.done $0x0  }
0x62: {  	s4 =	sadd.s32 $0x200, s12;
	[sflag:s28] =	ssyncadd.s32 $0xFFFFD800  }
0x63: {  	[tilespmem:s16], [sflag:$0x1] =	stream.indirect.gather [hbm4b:s5+s15], $0x80, s4, s15, $0xb8;
	[tilespmem:$0x1FB00] =	vst v63  }
0x64: {  	_ =	swait.ge [sflag:s29], $0x2800  }
0x65: {  	[sflag:s29] =	ssyncset.done $0x0  }
0x66: {  	s4 =	sadd.s32 $0x280, s12;
	[sflag:s29] =	ssyncadd.s32 $0xFFFFD800  }
0x67: {  	[tilespmem:s18], [sflag:$0x2] =	stream.indirect.gather [hbm4b:s5+s15], $0x80, s4, s15, $0xb8;
	[tilespmem:$0x1FB00] =	vst v63  }
0x68: {  	_ =	swait.ge [sflag:s30], $0x2800  }
0x69: {  	[sflag:s30] =	ssyncset.done $0x0  }
.Ltmp0:
0x6a: {  	s4 =	sadd.s32 $0x300, s12;
	[sflag:s30] =	ssyncadd.s32 $0xFFFFD800;
	(pc) =	sbr.rel @p0 .LBB2_3-.Ltmp0, $4  }
0x6b: {  	[tilespmem:s20], [sflag:$0x3] =	stream.indirect.gather [hbm4b:s5+s15], $0x80, s4, s15, $0xb8;
	[tilespmem:$0x1FB00] =	vst v63  }
0x6c: {  	_ =	swait.ge [sflag:s31], $0x2800  }
0x6d: {  	[sflag:s31] =	ssyncset.done $0x0  }
0x6e: {  	s12 =	sadd.s32 $0x380, s12;
	[sflag:s31] =	ssyncadd.s32 $0xFFFFD800  }
0x6f: {  	[tilespmem:s22], [sflag:$0x4] =	stream.indirect.gather [hbm4b:s5+s15], $0x80, s12, s15, $0xb8;
	[tilespmem:$0x1FB00] =	vst v63  }
0x70: {  	_ =	swait.ge [sflag:s23], $0x2800  }
0x71: {  	[sflag:s23] =	ssyncset.done $0x0  }
0x72: {  	[sflag:s23] =	ssyncadd.s32 $0xFFFFD800  }
0x73: {  	[spmem:s3] =	stream.indirect.scatter.add.f32 [tilespmem:s16], [sflag:$0x5], $0x80, s0, s15, $0xb8;
	[tilespmem:$0x1FB00] =	vst v63  }
0x74: {  	_ =	swait.ge [sflag:s24], $0x2800  }
0x75: {  	[sflag:s24] =	ssyncset.done $0x0  }
0x76: {  	[sflag:s24] =	ssyncadd.s32 $0xFFFFD800  }
0x77: {  	[spmem:s3] =	stream.indirect.scatter.add.f32 [tilespmem:s18], [sflag:$0x6], $0x80, s1, s15, $0xb8;
	[tilespmem:$0x1FB00] =	vst v63  }
0x78: {  	_ =	swait.ge [sflag:s25], $0x2800  }
0x79: {  	[sflag:s25] =	ssyncset.done $0x0  }
0x7a: {  	[sflag:s25] =	ssyncadd.s32 $0xFFFFD800  }
0x7b: {  	[spmem:s3] =	stream.indirect.scatter.add.f32 [tilespmem:s20], [sflag:$0x7], $0x80, s7, s15, $0xb8;
	[tilespmem:$0x1FB00] =	vst v63  }
0x7c: {  	_ =	swait.ge [sflag:s26], $0x2800  }
0x7d: {  	[sflag:s26] =	ssyncset.done $0x0  }
0x7e: {  	[sflag:s26] =	ssyncadd.s32 $0xFFFFD800  }
0x7f: {  	[spmem:s3] =	stream.indirect.scatter.add.f32 [tilespmem:s22], [sflag:$0x8], $0x80, s10, s15, $0xb8;
	[tilespmem:$0x1FB00] =	vst v63  }
0x80: {  	_ =	swait.ge [sflag:s28], $0x2800  }
0x81: {  	[sflag:s28] =	ssyncset.done $0x0  }
0x82: {  	[sflag:s28] =	ssyncadd.s32 $0xFFFFD800  }
0x83: {  	_ =	swait.ge [sflag:s29], $0x2800  }
0x84: {  	[sflag:s29] =	ssyncset.done $0x0  }
0x85: {  	s11 =	sadd.s32 $0x1, s11;
	[sflag:s29] =	ssyncadd.s32 $0xFFFFD800  }
0x86: {  	p0 =	sne.s32 s11, $0x4;
	_ =	swait.ge [sflag:s30], $0x2800  }
.Ltmp1:
0x87: {  	[sflag:s30] =	ssyncset.done $0x0;
	(pc) =	sbr.rel @p0 .LBB2_2-.Ltmp1, $4  }
0x88: {  	[sflag:s30] =	ssyncadd.s32 $0xFFFFD800  }
0x89: {  	_ =	swait.ge [sflag:s31], $0x2800  }
0x8a: {  	[sflag:s31] =	ssyncset.done $0x0  }
0x8b: {  	[sflag:s31] =	ssyncadd.s32 $0xFFFFD800  }
0x8c: {  	[bflag:$0x0] =	sbarrier.arrive $0xFFFF  }
0x8d: {  	s12 =	rddreg [dreg:$0x6]  }
0x8e: {  	s4 =	rddreg [dreg:$0x7]  }
0x8f: {  	s8 =	rddreg [dreg:$0x9]  }
0x90: {  	[hbm:s4], [sflag:s12] =	dma.local [spmem:s8], $0x2800  }
0x91: {  	_ =	swait.ge [sflag:s13], $0x2800  }
0x92: {  	s11 =	rddreg [dreg:$0x4]  }
0x93: {  	s4 =	rddreg [dreg:$0x8];
	s11 =	sadd.s32 $0x1, s11  }
0x94: {  	p0 =	sne.s32 s11, s4  }
.Ltmp2:
0x95: {  	_ = 	snop;
	(pc) =	sbr.rel @p0 .LBB2_1-.Ltmp2, $3  }
0x96: {  	_ =	sdelay $0x1  }
0x97: {  	[sflag:s13] =	ssyncset.done $0x0  }
0x98: {  	[sflag:s13] =	ssyncadd.s32 $0xFFFFD800  }
0x99: {  	_ =	sfence.sel $0x180000  }
0x9a: {  	[bflag:$0x0] =	sbarrier.arrive $0xFFFF  }
0x9b: {  	_ =	strace $0x9000004D  }
0x9c: {  	s0 =	stileid.u32;
	[bflag:$0x2] =	sbarrier.arrive $0xFFFF  }
0x9d: {  	p0 =	sne.s32 s0, $0x0;
	s0 =	rddreg [dreg:$0x3]  }
0x9e: {  	s0 =	sadd.s32 @!p0 $0x100000, s0  }
0x9f: {  	[sflag:s0] =	ssyncadd.tile.s32 @!p0 $0x1;
	_ =	shalt  }
.Lfunc_end2:
_tile_overlayer_lowered:
.L_overlay_start_2:
0xa0: {  	(tag) =	ssettag $0x2  }
0xa1: {  	s0 =	rddreg [dreg:$0x0];
	s2 =	stileid.u32  }
0xa2: {  	s1 =	rddreg [dreg:$0x1];
	p0 =	sne.s32 s2, $0x0  }
0xa3: {  	s3 =	rddreg [dreg:$0x2];
	[bflag:$0x3] =	sbarrier.arrive $0xFFFF;
	s2 =	simm.s32 @!p0 $0x1C09  }
0xa4: {  	[timem:s3], [sflag:s2] =	dma.local @!p0 [hbm:s0], s1  }
0xa5: {  	s0 =	simm.s32 @!p0 $0x9  }
0xa6: {  	_ =	swait.ge @!p0 [sflag:s0], s1  }
0xa7: {  	s1 =	ssub.s32 @!p0 $0x0, s1;
	[sflag:s0] =	ssyncset.done @!p0 $0x0  }
0xa8: {  	[sflag:s0] =	ssyncadd.s32 @!p0 s1  }
0xa9: {  	[bflag:$0x3] =	sbarrier.arrive $0xFFFF  }
0xaa: {  	_ =	shalt  }

// kernel: kernel.18.cloned.1.call-start
scs
__scs_entry_jumppad:
0x0: {  	(pc) =	sbr.rel $0x88, $3  }
0x1: {  	(tag) =	ssettag $0x0;
	lr =	simm.s32 $0x1  }
0x2: {  	[smem:$0x3F92] =	sst lr;
	_ =	strace $0xD0000000  }
0x3: {  	_ = 	snop  }
0x4: {  	_ = 	snop  }
0x5: {  	_ = 	snop  }
0x6: {  	_ = 	snop  }
0x7: {  	_ = 	snop  }
__scs_overlays_trampoline_lowered:
0x8: {  	[smem:$0x3FA1] =	sst s0  }
0x9: {  	[smem:$0x3FA2] =	sst s1  }
0xa: {  	[smem:$0x3FA3] =	sst s2  }
0xb: {  	[smem:$0x3FA4] =	sst s3  }
0xc: {  	[smem:$0x3FA5] =	sst s4  }
0xd: {  	[smem:$0x3FA6] =	sst s5  }
0xe: {  	[smem:$0x3FA7] =	sst s6  }
0xf: {  	[smem:$0x3FA8] =	sst s7  }
0x10: {  	[smem:$0x3FA9] =	sst s8  }
0x11: {  	[smem:$0x3FAA] =	sst s9;
	s0 =	simm.s32 @!p0 $0x0  }
0x12: {  	s1 =	sld [smem:$0x3F90];
	s0 =	simm.s32 @p0 $0x1  }
0x13: {  	[smem:$0x3FAB] =	sst s0;
	s0 =	simm.s32 @!p1 $0x0  }
0x14: {  	s2 =	sld [smem:$0x3F8F];
	s0 =	simm.s32 @p1 $0x1  }
0x15: {  	[smem:$0x3FAC] =	sst s0;
	s0 =	simm.s32 @!p2 $0x0  }
0x16: {  	s3 =	sld [smem:$0x3FDB];
	s0 =	simm.s32 @p2 $0x1  }
0x17: {  	s4 =	simm.s32 $0x1BF5;
	[smem:$0x3FAE] =	sst s0  }
0x18: {  	s0 =	sld [smem:$0x3F91];
	_ =	swait.ge [sflag:s4], $0x0  }
0x19: {  	s7 =	sld [smem:$0x3F92]  }
0x1a: {  	s8 =	sadd.s32 $0xFFFFE003, lr  }
0x1b: {  	s9 =	sadd.s32 $0xFFFFFEF7, lr;
	s5 =	simm.s32 $0xFFFFFFFF;
	p2 =	slt.u32 s8, $0xFFFFF086  }
0x1c: {  	p1 =	slt.u32 s9, $0xF7A;
	s5 =	simm.s32 @!p2 $0x0  }
0x1d: {  	s5 =	simm.s32 @p1 $0x1;
	p0 =	seq.s32 s7, s2  }
0x1e: {  	s7 =	smul.u32 @!p0 $0xF7A, s2;
	p2 =	seq.s32 @!p0 s5, $0x0  }
0x1f: {  	s9 =	smul.u32 $0xF7A, s1;
	s8 =	simm.s32 @!p0 $0x1BF5;
	p2 =	por !p2, p0  }
0x20: {  	[sflag:s8] =	ssyncset.s32 @!p0 $0xFFFFF086;
	s6 =	sadd.s32 @!p0 s3, s7;
	s7 =	simm.s32 @!p0 $0x108  }
0x21: {  	s3 =	sadd.s32 s3, s9;
	s6 =	sadd.s32 @!p0 $0x88, s6;
	s7 =	simm.s32 @p2 $0x1082  }
0x22: {  	[simem:s7], [sflag:s8] =	dma.local @!p0 [hbm:s6], $0xF7A  }
0x23: {  	s9 =	sor.u32 $0xD0000000, s2;
	s6 =	simm.s32 $0x108;
	_ =	swait.ge @!p0 [sflag:s8], $0x0  }
0x24: {  	s3 =	sadd.s32 $0x88, s3;
	s6 =	simm.s32 @!p1 $0x1082;
	[sflag:s4] =	ssyncset.s32 $0xFFFFF086  }
0x25: {  	[simem:s6], [sflag:s4] =	dma.local [hbm:s3], $0xF7A  }
0x26: {  	[smem:$0x3F92] =	sst s1;
	(tag) =	ssettag s2;
	_ =	strace s9  }
0x27: {  	s1 =	sld [smem:$0x3FA2]  }
0x28: {  	s2 =	sld [smem:$0x3FA3]  }
0x29: {  	s4 =	sld [smem:$0x3FA5]  }
0x2a: {  	p0 =	seq.s32 s5, $0x0;
	s5 =	sld [smem:$0x3FA6]  }
0x2b: {  	s6 =	sld [smem:$0x3FA7]  }
0x2c: {  	s7 =	sld [smem:$0x3FA8]  }
0x2d: {  	s3 =	simm.s32 $0x108;
	s8 =	sld [smem:$0x3FA9]  }
0x2e: {  	s3 =	simm.s32 @!p0 $0x1082;
	s9 =	sld [smem:$0x3FAA]  }
0x2f: {  	lr =	sadd.s32 s0, s3;
	s0 =	sld [smem:$0x3FA1]  }
0x30: {  	s3 =	sld [smem:$0x3FA4]  }
0x31: {  	[smem:$0x3FAD] =	sst s10  }
0x32: {  	s10 =	sld [smem:$0x3FAB];
	_ =	sdelay $0x3  }
0x33: {  	p0 =	seq.s32 s10, $0x1;
	s10 =	sld [smem:$0x3FAD];
	_ =	sdelay $0x3  }
0x34: {  	[smem:$0x3FAD] =	sst s10  }
0x35: {  	s10 =	sld [smem:$0x3FAC];
	_ =	sdelay $0x3  }
0x36: {  	p1 =	seq.s32 s10, $0x1;
	s10 =	sld [smem:$0x3FAD];
	_ =	sdelay $0x3  }
0x37: {  	[smem:$0x3FAD] =	sst s10  }
0x38: {  	s10 =	sld [smem:$0x3FAE]  }
0x39: {  	_ = 	snop;
	(pc) =	sbr.ind lr, $3  }
0x3a: {  	_ = 	snop  }
0x3b: {  	_ = 	snop  }
0x3c: {  	p2 =	seq.s32 s10, $0x1;
	s10 =	sld [smem:$0x3FAD]  }
0x3d: {  	_ =	shalt  }
0x3e: {  	_ =	shalt  }
0x3f: {  	_ =	shalt  }
0x40: {  	_ =	shalt  }
0x41: {  	_ =	shalt  }
0x42: {  	_ =	shalt  }
0x43: {  	_ =	shalt  }
0x44: {  	_ =	shalt  }
0x45: {  	_ =	shalt  }
0x46: {  	_ =	shalt  }
0x47: {  	_ =	shalt  }
0x48: {  	_ =	shalt  }
0x49: {  	_ =	shalt  }
0x4a: {  	_ =	shalt  }
0x4b: {  	_ =	shalt  }
0x4c: {  	_ =	shalt  }
0x4d: {  	_ =	shalt  }
0x4e: {  	_ =	shalt  }
0x4f: {  	_ =	shalt  }
0x50: {  	_ =	shalt  }
0x51: {  	_ =	shalt  }
0x52: {  	_ =	shalt  }
0x53: {  	_ =	shalt  }
0x54: {  	_ =	shalt  }
0x55: {  	_ =	shalt  }
0x56: {  	_ =	shalt  }
0x57: {  	_ =	shalt  }
0x58: {  	_ =	shalt  }
0x59: {  	_ =	shalt  }
0x5a: {  	_ =	shalt  }
0x5b: {  	_ =	shalt  }
0x5c: {  	_ =	shalt  }
0x5d: {  	_ =	shalt  }
0x5e: {  	_ =	shalt  }
0x5f: {  	_ =	shalt  }
0x60: {  	_ =	shalt  }
0x61: {  	_ =	shalt  }
0x62: {  	_ =	shalt  }
0x63: {  	_ =	shalt  }
0x64: {  	_ =	shalt  }
0x65: {  	_ =	shalt  }
0x66: {  	_ =	shalt  }
0x67: {  	_ =	shalt  }
0x68: {  	_ =	shalt  }
0x69: {  	_ =	shalt  }
0x6a: {  	_ =	shalt  }
0x6b: {  	_ =	shalt  }
0x6c: {  	_ =	shalt  }
0x6d: {  	_ =	shalt  }
0x6e: {  	_ =	shalt  }
0x6f: {  	_ =	shalt  }
0x70: {  	_ =	shalt  }
0x71: {  	_ =	shalt  }
0x72: {  	_ =	shalt  }
0x73: {  	_ =	shalt  }
0x74: {  	_ =	shalt  }
0x75: {  	_ =	shalt  }
0x76: {  	_ =	shalt  }
0x77: {  	_ =	shalt  }
0x78: {  	_ =	shalt  }
0x79: {  	_ =	shalt  }
0x7a: {  	_ =	shalt  }
0x7b: {  	_ =	shalt  }
0x7c: {  	_ =	shalt  }
0x7d: {  	_ =	shalt  }
0x7e: {  	_ =	shalt  }
0x7f: {  	_ =	shalt  }
0x80: {  	_ =	shalt  }
0x81: {  	_ =	shalt  }
0x82: {  	_ =	shalt  }
0x83: {  	_ =	shalt  }
0x84: {  	_ =	shalt  }
0x85: {  	_ =	shalt  }
0x86: {  	_ =	shalt  }
0x87: {  	_ =	shalt  }
.Lfunc_end0:
.L_simem_size_0:
called_computation.3_lowered:
.L_overlay_start_0:
0x88: {  	s2 =	sld [smem:$0x3FD9]  }
0x89: {  	s3 =	sld [smem:$0x3FFE];
	_ =	sdelay $0x1  }
0x8a: {  	s1 =	srdreg.scid  }
0x8b: {  	s0 =	sand.u32 $0x1, s1  }
0x8c: {  	s17 =	sshll.u32 s0, $0xA;
	s2 =	sadd.s32 s3, s2  }
0x8d: {  	s2 =	sadd.s32 s2, s17  }
0x8e: {  	[smem:$0x3FB9] =	sst s2  }
0x8f: {  	_ = 	snop  }
0x90: {  	s2 =	sld [smem:$0x3FD0];
	(tm) =	ssettm $0x1  }
0x91: {  	s18 =	sld [smem:$0x3FFB];
	_ =	sdelay $0x3  }
0x92: {  	_ =	strace s18  }
0x93: {  	s3 =	sld [smem:$0x3FFC];
	_ =	sdelay $0x3  }
0x94: {  	_ =	strace s3  }
0x95: {  	s3 =	sld [smem:$0x3FFD];
	_ =	sdelay $0x3  }
0x96: {  	_ =	strace s3  }
0x97: {  	_ =	strace $0x8FFFFFFF  }
0x98: {  	s19 =	sld [smem:$0x3FDB];
	_ =	sdelay $0x1  }
0x99: {  	s4 =	simm.s32 $_scs_section_size  }
0x9a: {  	s5 =	simm.s32 $_size__tile_overlayer_lowered;
	s6 =	simm.s32 $_tile_overlayer_lowered  }
0x9b: {  	s22 =	simm.s32 $0x1BFF;
	s21 =	sshll.u32 s6, $0x1;
	s3 =	sadd.s32 s4, s19  }
0x9c: {  	s7 =	simm.s32 $0x0;
	s20 =	sshll.u32 s5, $0x1;
	s5 =	sadd.s32 s21, s3  }
0x9d: {  	[timem:s7], [sflag:s22] =	dma.local [hbm:s5], s20  }
0x9e: {  	_ =	swait.ge [sflag:s22], s20  }
0x9f: {  	s4 =	ssub.s32 $0x0, s20;
	[sflag:s22] =	ssyncset.done $0x0  }
0xa0: {  	[sflag:s22] =	ssyncadd.s32 s4;
	_ =	sdelay $0x1  }
0xa1: {  	s23 =	simm.s32 $0x1B8B  }
0xa2: {  	_ =	swait.ge [sflag:s23], $0x1  }
0xa3: {  	[sflag:s23] =	ssyncset.done $0x0  }
0xa4: {  	s25 =	simm.s32 $0x1B8E;
	s24 =	sld [smem:$0x3FFE];
	[sflag:s23] =	ssyncadd.s32 $0xFFFFFFFF  }
0xa5: {  	s26 =	simm.s32 $execute0_lowered;
	[smem:$0x3FD2] =	sst s25  }
0xa6: {  	s5 =	sshll.u32 s26, $0x1;
	_ =	strace $0x8000004F;
	[dreg:$0x1] =	wrdreg $0xFFFFFFFF  }
0xa7: {  	s28 =	simm.s32 $_size_execute0_lowered;
	s3 =	sadd.s32 s3, s5;
	[dreg:$0x0] =	wrdreg $0x0  }
0xa8: {  	s5 =	sshll.u32 s28, $0x1;
	[dreg:$0x2] =	wrdreg s3  }
0xa9: {  	[dreg:$0x3] =	wrdreg s5  }
0xaa: {  	[dreg:$0x4] =	wrdreg $0xC0  }
0xab: {  	_ =	task [dreg:s7], $0x5FFFF  }
0xac: {  	[dreg:$0x1] =	wrdreg $0xFFFFFFFF  }
0xad: {  	[dreg:$0x0] =	wrdreg $0x60  }
0xae: {  	[dreg:$0x2] =	wrdreg s24  }
0xaf: {  	[dreg:$0x3] =	wrdreg s2  }
0xb0: {  	[dreg:$0x4] =	wrdreg $0xC0000  }
0xb1: {  	[dreg:$0x5] =	wrdreg $0x9  }
0xb2: {  	_ =	task.clear_ibuf [dreg:s7], $0x6FFFF;
	_ =	strace $0x9000004F  }
0xb3: {  	s29 =	simm.s32 $0x9;
	_ =	strace $0x80000051  }
0xb4: {  	_ =	swait.ge [sflag:s29], $0x1  }
0xb5: {  	[sflag:s29] =	ssyncadd.s32 $0xFFFFFFFF  }
0xb6: {  	_ =	strace $0x90000051  }
0xb7: {  	_ =	sfence  }
0xb8: {  	s30 =	sld [smem:$0x0];
	_ =	sdelay $0x2  }
0xb9: {  	s31 =	sshll.u32 s1, $0xD;
	s1 =	sshrl.u32 s1, $0x2  }
0xba: {  	s3 =	sand.u32 $0x4000, s31;
	s1 =	sadd.s32 s1, s30  }
0xbb: {  	s0 =	sor.u32 s3, s0;
	s1 =	sshll.u32 s1, $0x11  }
0xbc: {  	s0 =	sor.u32 s1, s0  }
0xbd: {  	s0 =	sadd.s32 $0x8F2B, s0  }
0xbe: {  	[sflag:s0] =	ssyncadd.remote.s32 $0x1  }
0xbf: {  	_ =	sfence.sel $0xFFFF  }
0xc0: {  	[dreg:$0x0] =	wrdreg $0xFFFFFFFF;
	(pc) =	sbr.abs _section_cstart, $3  }
0xc1: {  	[dreg:$0x1] =	wrdreg $0xFFFFFFFF  }
0xc2: {  	_ =	task.clear_ibuf [dreg:s7], $0x2FFFF;
	_ =	strace $0x9FFFFFFF  }
0xc3: {  	(tm) =	ssettm $0x7FFFFFFF  }
tec
execute0_lowered:
.L_overlay_start_1:
0x0: {  	(tag) =	ssettag $0x1  }
0x1: {  	s0 =	rddreg [dreg:$0x0]  }
0x2: {  	s2 =	rddreg [dreg:$0x1]  }
0x3: {  	s3 =	rddreg [dreg:$0x2]  }
0x4: {  	s1 =	srdreg.scid;
	s4 =	stileid.u32;
	s11 =	simm.s32 $0x0  }
0x5: {  	s13 =	simm.s32 $0x9;
	s14 =	simm.s32 $0x1000;
	s15 =	simm.s32 $0x50  }
0x6: {  	s16 =	simm.s32 $0x2000;
	s17 =	simm.s32 $0x80;
	s18 =	simm.s32 $0x4800  }
0x7: {  	s19 =	simm.s32 $0x100;
	s28 =	simm.s32 $0x5;
	s29 =	simm.s32 $0x6  }
0x8: {  	s30 =	simm.s32 $0x7;
	s31 =	simm.s32 $0x8;
	s1 =	sand.u32 $0x1, s1  }
0x9: {  	s7 =	smul.u32 $0x2700, s4;
	[smem:$0x7FF] =	sst s11;
	s5 =	sadd.s32 $0x16200, s0  }
0xa: {  	s9 =	smul.u32 $0x4E000, s4;
	s6 =	sadd.s32 $0x3A00, s0;
	s10 =	sadd.s32 $0x13A00, s0  }
0xb: {  	s24 =	sshll.u32 s4, $0x6;
	s25 =	sshll.u32 s4, $0xC;
	s8 =	smul.u32 $0x27100, s1  }
0xc: {  	_ =	strace $0x80000050;
	[dreg:$0x5] =	wrdreg s10;
	s20 =	ssub.s32 $0x2, s1  }
0xd: {  	s1 =	sshll.u32 s1, $0xB;
	s12 =	sor.u32 $0x1C09, s24;
	s24 =	simm.s32 $0x2  }
0xe: {  	s10 =	simm.s32 $0x1F80;
	s21 =	sshrl.u32 s20, $0x1;
	s9 =	sshrl.u32 s9, $0x2  }
0xf: {  	[dreg:$0x6] =	wrdreg s12;
	s7 =	sadd.s32 s7, s8;
	s22 =	ssub.s32 s20, s21  }
0x10: {  	s23 =	sadd.s32 s9, s3;
	s9 =	sor.u32 s1, s25;
	s20 =	simm.s32 $0x7000  }
0x11: {  	s21 =	simm.s32 $0x180;
	s25 =	simm.s32 $0x3;
	s1 =	simm.s32 $0x1E80  }
0x12: {  	s0 =	sadd.s32 s7, s0;
	s26 =	smax.u32 s22, $0x1;
	s8 =	sshrl.u32 s23, $0x3  }
0x13: {  	s22 =	simm.s32 $0x9800;
	s23 =	simm.s32 $0x1;
	[dreg:$0x8] =	wrdreg s26  }
0x14: {  	s7 =	simm.s32 $0x1F00;
	s0 =	sadd.s32 $0xB2C00, s0;
	[dreg:$0x9] =	wrdreg s8  }
0x15: {  	s26 =	simm.s32 $0x4;
	[dreg:$0x7] =	wrdreg s0;
	s0 =	simm.s32 $0x1E00  }
.LBB2_1:
0x16: {  	[dreg:$0x4] =	wrdreg s11  }
0x17: {  	s4 =	rddreg [dreg:$0x5]  }
0x18: {  	[spmem:s8], [sflag:s12] =	dma.local [hbm:s4], $0x2800  }
0x19: {  	_ =	swait.ge [sflag:s13], $0x2800  }
0x1a: {  	[sflag:s13] =	ssyncset.done $0x0  }
0x1b: {  	[sflag:s13] =	ssyncadd.s32 $0xFFFFD800  }
0x1c: {  	s11 =	simm.s32 $0x0;
	[bflag:$0x0] =	sbarrier.arrive $0xFFFF  }
.LBB2_2:
0x1d: {  	s8 =	sshll.u32 s11, $0x9  }
0x1e: {  	s8 =	sadd.s32 s9, s8  }
0x1f: {  	s4 =	simm.s32 $0x0;
	s12 =	sadd.s32 s2, s8  }
0x20: {  	[tilespmem:s4], [sflag:$0x9] =	stream.linear.gather [hbm4b:s12+s4], $0x1000, $0x38;
	[tilespmem:$0x1FB00] =	vst v63  }
0x21: {  	_ =	swait.ge [sflag:s13], $0x1000  }
0x22: {  	[sflag:s13] =	ssyncset.done $0x0  }
0x23: {  	s8 =	sadd.s32 s6, s8;
	[sflag:s13] =	ssyncadd.s32 $0xFFFFF000  }
0x24: {  	[tilespmem:s14], [sflag:$0x9] =	stream.linear.gather [hbm4b:s8+s4], $0x1000, $0x38;
	[tilespmem:$0x1FB00] =	vst v63  }
0x25: {  	_ =	swait.ge [sflag:s13], $0x1000  }
0x26: {  	[sflag:s13] =	ssyncset.done $0x0  }
0x27: {  	[sflag:s13] =	ssyncadd.s32 $0xFFFFF000  }
0x28: {  	[tilespmem:s16], [sflag:$0x1] =	stream.indirect.gather [hbm4b:s5+s15], $0x80, s4, s15, $0xb8;
	[tilespmem:$0x1FB00] =	vst v63  }
0x29: {  	_ = 	snop  }
0x2a: {  	[tilespmem:s18], [sflag:$0x2] =	stream.indirect.gather [hbm4b:s5+s15], $0x80, s17, s15, $0xb8;
	[tilespmem:$0x1FB00] =	vst v63  }
0x2b: {  	_ = 	snop  }
0x2c: {  	[tilespmem:s20], [sflag:$0x3] =	stream.indirect.gather [hbm4b:s5+s15], $0x80, s19, s15, $0xb8;
	[tilespmem:$0x1FB00] =	vst v63  }
0x2d: {  	_ = 	snop  }
0x2e: {  	[tilespmem:s22], [sflag:$0x4] =	stream.indirect.gather [hbm4b:s5+s15], $0x80, s21, s15, $0xb8;
	[tilespmem:$0x1FB00] =	vst v63  }
0x2f: {  	_ =	swait.ge [sflag:s23], $0x2800  }
0x30: {  	[sflag:s23] =	ssyncset.done $0x0  }
0x31: {  	s12 =	simm.s32 $0x1000;
	[sflag:s23] =	ssyncadd.s32 $0xFFFFD800  }
0x32: {  	[spmem:s3] =	stream.indirect.scatter.add.f32 [tilespmem:s16], [sflag:$0x5], $0x80, s12, s15, $0xb8;
	[tilespmem:$0x1FB00] =	vst v63  }
0x33: {  	_ =	swait.ge [sflag:s24], $0x2800  }
0x34: {  	[sflag:s24] =	ssyncset.done $0x0  }
0x35: {  	s8 =	simm.s32 $0x1080;
	[sflag:s24] =	ssyncadd.s32 $0xFFFFD800  }
0x36: {  	[spmem:s3] =	stream.indirect.scatter.add.f32 [tilespmem:s18], [sflag:$0x6], $0x80, s8, s15, $0xb8;
	[tilespmem:$0x1FB00] =	vst v63  }
0x37: {  	_ =	swait.ge [sflag:s25], $0x2800  }
0x38: {  	[sflag:s25] =	ssyncset.done $0x0  }
0x39: {  	s12 =	simm.s32 $0x1100;
	[sflag:s25] =	ssyncadd.s32 $0xFFFFD800  }
0x3a: {  	[spmem:s3] =	stream.indirect.scatter.add.f32 [tilespmem:s20], [sflag:$0x7], $0x80, s12, s15, $0xb8;
	[tilespmem:$0x1FB00] =	vst v63  }
0x3b: {  	_ =	swait.ge [sflag:s26], $0x2800  }
0x3c: {  	[sflag:s26] =	ssyncset.done $0x0  }
0x3d: {  	s8 =	simm.s32 $0x1180;
	[sflag:s26] =	ssyncadd.s32 $0xFFFFD800  }
0x3e: {  	[spmem:s3] =	stream.indirect.scatter.add.f32 [tilespmem:s22], [sflag:$0x8], $0x80, s8, s15, $0xb8;
	[tilespmem:$0x1FB00] =	vst v63  }
0x3f: {  	_ =	swait.ge [sflag:s28], $0x2800  }
0x40: {  	[sflag:s28] =	ssyncset.done $0x0  }
0x41: {  	s12 =	simm.s32 $0x200;
	[sflag:s28] =	ssyncadd.s32 $0xFFFFD800  }
0x42: {  	[tilespmem:s16], [sflag:$0x1] =	stream.indirect.gather [hbm4b:s5+s15], $0x80, s12, s15, $0xb8;
	[tilespmem:$0x1FB00] =	vst v63  }
0x43: {  	_ =	swait.ge [sflag:s29], $0x2800  }
0x44: {  	[sflag:s29] =	ssyncset.done $0x0  }
0x45: {  	s8 =	simm.s32 $0x280;
	[sflag:s29] =	ssyncadd.s32 $0xFFFFD800  }
0x46: {  	[tilespmem:s18], [sflag:$0x2] =	stream.indirect.gather [hbm4b:s5+s15], $0x80, s8, s15, $0xb8;
	[tilespmem:$0x1FB00] =	vst v63  }
0x47: {  	_ =	swait.ge [sflag:s30], $0x2800  }
0x48: {  	[sflag:s30] =	ssyncset.done $0x0  }
0x49: {  	s12 =	simm.s32 $0x300;
	[sflag:s30] =	ssyncadd.s32 $0xFFFFD800  }
0x4a: {  	[tilespmem:s20], [sflag:$0x3] =	stream.indirect.gather [hbm4b:s5+s15], $0x80, s12, s15, $0xb8;
	[tilespmem:$0x1FB00] =	vst v63  }
0x4b: {  	_ =	swait.ge [sflag:s31], $0x2800  }
0x4c: {  	[sflag:s31] =	ssyncset.done $0x0  }
0x4d: {  	s8 =	simm.s32 $0x800;
	s12 =	simm.s32 $0x380;
	[sflag:s31] =	ssyncadd.s32 $0xFFFFD800  }
.LBB2_3:
0x4e: {  	[tilespmem:s22], [sflag:$0x4] =	stream.indirect.gather [hbm4b:s5+s15], $0x80, s12, s15, $0xb8;
	[tilespmem:$0x1FB00] =	vst v63  }
0x4f: {  	s4 =	smov.u32 s8  }
0x50: {  	p0 =	sne.s32 s8, $0x3000;
	s8 =	sadd.s32 $0x800, s8;
	_ =	swait.ge [sflag:s23], $0x2800  }
0x51: {  	s12 =	sshra.s32 s4, $0x2;
	[sflag:s23] =	ssyncset.done $0x0  }
0x52: {  	s4 =	sadd.s32 $0x1000, s12;
	[sflag:s23] =	ssyncadd.s32 $0xFFFFD800  }
0x53: {  	[spmem:s3] =	stream.indirect.scatter.add.f32 [tilespmem:s16], [sflag:$0x5], $0x80, s4, s15, $0xb8;
	[tilespmem:$0x1FB00] =	vst v63  }
0x54: {  	_ =	swait.ge [sflag:s24], $0x2800  }
0x55: {  	[sflag:s24] =	ssyncset.done $0x0  }
0x56: {  	s4 =	sadd.s32 $0x1080, s12;
	[sflag:s24] =	ssyncadd.s32 $0xFFFFD800  }
0x57: {  	[spmem:s3] =	stream.indirect.scatter.add.f32 [tilespmem:s18], [sflag:$0x6], $0x80, s4, s15, $0xb8;
	[tilespmem:$0x1FB00] =	vst v63  }
0x58: {  	_ =	swait.ge [sflag:s25], $0x2800  }
0x59: {  	[sflag:s25] =	ssyncset.done $0x0  }
0x5a: {  	s4 =	sadd.s32 $0x1100, s12;
	[sflag:s25] =	ssyncadd.s32 $0xFFFFD800  }
0x5b: {  	[spmem:s3] =	stream.indirect.scatter.add.f32 [tilespmem:s20], [sflag:$0x7], $0x80, s4, s15, $0xb8;
	[tilespmem:$0x1FB00] =	vst v63  }
0x5c: {  	_ =	swait.ge [sflag:s26], $0x2800  }
0x5d: {  	[sflag:s26] =	ssyncset.done $0x0  }
0x5e: {  	s4 =	sadd.s32 $0x1180, s12;
	[sflag:s26] =	ssyncadd.s32 $0xFFFFD800  }
0x5f: {  	[spmem:s3] =	stream.indirect.scatter.add.f32 [tilespmem:s22], [sflag:$0x8], $0x80, s4, s15, $0xb8;
	[tilespmem:$0x1FB00] =	vst v63  }
0x60: {  	_ =	swait.ge [sflag:s28], $0x2800  }
0x61: {  	[sflag:s28] =	ssyncset.done $0x0  }
0x62: {  	s4 =	sadd.s32 $0x200, s12;
	[sflag:s28] =	ssyncadd.s32 $0xFFFFD800  }
0x63: {  	[tilespmem:s16], [sflag:$0x1] =	stream.indirect.gather [hbm4b:s5+s15], $0x80, s4, s15, $0xb8;
	[tilespmem:$0x1FB00] =	vst v63  }
0x64: {  	_ =	swait.ge [sflag:s29], $0x2800  }
0x65: {  	[sflag:s29] =	ssyncset.done $0x0  }
0x66: {  	s4 =	sadd.s32 $0x280, s12;
	[sflag:s29] =	ssyncadd.s32 $0xFFFFD800  }
0x67: {  	[tilespmem:s18], [sflag:$0x2] =	stream.indirect.gather [hbm4b:s5+s15], $0x80, s4, s15, $0xb8;
	[tilespmem:$0x1FB00] =	vst v63  }
0x68: {  	_ =	swait.ge [sflag:s30], $0x2800  }
0x69: {  	[sflag:s30] =	ssyncset.done $0x0  }
.Ltmp0:
0x6a: {  	s4 =	sadd.s32 $0x300, s12;
	[sflag:s30] =	ssyncadd.s32 $0xFFFFD800;
	(pc) =	sbr.rel @p0 .LBB2_3-.Ltmp0, $4  }
0x6b: {  	[tilespmem:s20], [sflag:$0x3] =	stream.indirect.gather [hbm4b:s5+s15], $0x80, s4, s15, $0xb8;
	[tilespmem:$0x1FB00] =	vst v63  }
0x6c: {  	_ =	swait.ge [sflag:s31], $0x2800  }
0x6d: {  	[sflag:s31] =	ssyncset.done $0x0  }
0x6e: {  	s12 =	sadd.s32 $0x380, s12;
	[sflag:s31] =	ssyncadd.s32 $0xFFFFD800  }
0x6f: {  	[tilespmem:s22], [sflag:$0x4] =	stream.indirect.gather [hbm4b:s5+s15], $0x80, s12, s15, $0xb8;
	[tilespmem:$0x1FB00] =	vst v63  }
0x70: {  	_ =	swait.ge [sflag:s23], $0x2800  }
0x71: {  	[sflag:s23] =	ssyncset.done $0x0  }
0x72: {  	[sflag:s23] =	ssyncadd.s32 $0xFFFFD800  }
0x73: {  	[spmem:s3] =	stream.indirect.scatter.add.f32 [tilespmem:s16], [sflag:$0x5], $0x80, s0, s15, $0xb8;
	[tilespmem:$0x1FB00] =	vst v63  }
0x74: {  	_ =	swait.ge [sflag:s24], $0x2800  }
0x75: {  	[sflag:s24] =	ssyncset.done $0x0  }
0x76: {  	[sflag:s24] =	ssyncadd.s32 $0xFFFFD800  }
0x77: {  	[spmem:s3] =	stream.indirect.scatter.add.f32 [tilespmem:s18], [sflag:$0x6], $0x80, s1, s15, $0xb8;
	[tilespmem:$0x1FB00] =	vst v63  }
0x78: {  	_ =	swait.ge [sflag:s25], $0x2800  }
0x79: {  	[sflag:s25] =	ssyncset.done $0x0  }
0x7a: {  	[sflag:s25] =	ssyncadd.s32 $0xFFFFD800  }
0x7b: {  	[spmem:s3] =	stream.indirect.scatter.add.f32 [tilespmem:s20], [sflag:$0x7], $0x80, s7, s15, $0xb8;
	[tilespmem:$0x1FB00] =	vst v63  }
0x7c: {  	_ =	swait.ge [sflag:s26], $0x2800  }
0x7d: {  	[sflag:s26] =	ssyncset.done $0x0  }
0x7e: {  	[sflag:s26] =	ssyncadd.s32 $0xFFFFD800  }
0x7f: {  	[spmem:s3] =	stream.indirect.scatter.add.f32 [tilespmem:s22], [sflag:$0x8], $0x80, s10, s15, $0xb8;
	[tilespmem:$0x1FB00] =	vst v63  }
0x80: {  	_ =	swait.ge [sflag:s28], $0x2800  }
0x81: {  	[sflag:s28] =	ssyncset.done $0x0  }
0x82: {  	[sflag:s28] =	ssyncadd.s32 $0xFFFFD800  }
0x83: {  	_ =	swait.ge [sflag:s29], $0x2800  }
0x84: {  	[sflag:s29] =	ssyncset.done $0x0  }
0x85: {  	s11 =	sadd.s32 $0x1, s11;
	[sflag:s29] =	ssyncadd.s32 $0xFFFFD800  }
0x86: {  	p0 =	sne.s32 s11, $0x4;
	_ =	swait.ge [sflag:s30], $0x2800  }
.Ltmp1:
0x87: {  	[sflag:s30] =	ssyncset.done $0x0;
	(pc) =	sbr.rel @p0 .LBB2_2-.Ltmp1, $4  }
0x88: {  	[sflag:s30] =	ssyncadd.s32 $0xFFFFD800  }
0x89: {  	_ =	swait.ge [sflag:s31], $0x2800  }
0x8a: {  	[sflag:s31] =	ssyncset.done $0x0  }
0x8b: {  	[sflag:s31] =	ssyncadd.s32 $0xFFFFD800  }
0x8c: {  	[bflag:$0x0] =	sbarrier.arrive $0xFFFF  }
0x8d: {  	s12 =	rddreg [dreg:$0x6]  }
0x8e: {  	s4 =	rddreg [dreg:$0x7]  }
0x8f: {  	s8 =	rddreg [dreg:$0x9]  }
0x90: {  	[hbm:s4], [sflag:s12] =	dma.local [spmem:s8], $0x2800  }
0x91: {  	_ =	swait.ge [sflag:s13], $0x2800  }
0x92: {  	s11 =	rddreg [dreg:$0x4]  }
0x93: {  	s4 =	rddreg [dreg:$0x8];
	s11 =	sadd.s32 $0x1, s11  }
0x94: {  	p0 =	sne.s32 s11, s4  }
.Ltmp2:
0x95: {  	_ = 	snop;
	(pc) =	sbr.rel @p0 .LBB2_1-.Ltmp2, $3  }
0x96: {  	_ =	sdelay $0x1  }
0x97: {  	[sflag:s13] =	ssyncset.done $0x0  }
0x98: {  	[sflag:s13] =	ssyncadd.s32 $0xFFFFD800  }
0x99: {  	_ =	sfence.sel $0x180000  }
0x9a: {  	[bflag:$0x0] =	sbarrier.arrive $0xFFFF  }
0x9b: {  	_ =	strace $0x90000050  }
0x9c: {  	s0 =	stileid.u32;
	[bflag:$0x2] =	sbarrier.arrive $0xFFFF  }
0x9d: {  	p0 =	sne.s32 s0, $0x0;
	s0 =	rddreg [dreg:$0x3]  }
0x9e: {  	s0 =	sadd.s32 @!p0 $0x100000, s0  }
0x9f: {  	[sflag:s0] =	ssyncadd.tile.s32 @!p0 $0x1;
	_ =	shalt  }
.Lfunc_end2:
_tile_overlayer_lowered:
.L_overlay_start_2:
0xa0: {  	(tag) =	ssettag $0x2  }
0xa1: {  	s0 =	rddreg [dreg:$0x0];
	s2 =	stileid.u32  }
0xa2: {  	s1 =	rddreg [dreg:$0x1];
	p0 =	sne.s32 s2, $0x0  }
0xa3: {  	s3 =	rddreg [dreg:$0x2];
	[bflag:$0x3] =	sbarrier.arrive $0xFFFF;
	s2 =	simm.s32 @!p0 $0x1C09  }
0xa4: {  	[timem:s3], [sflag:s2] =	dma.local @!p0 [hbm:s0], s1  }
0xa5: {  	s0 =	simm.s32 @!p0 $0x9  }
0xa6: {  	_ =	swait.ge @!p0 [sflag:s0], s1  }
0xa7: {  	s1 =	ssub.s32 @!p0 $0x0, s1;
	[sflag:s0] =	ssyncset.done @!p0 $0x0  }
0xa8: {  	[sflag:s0] =	ssyncadd.s32 @!p0 s1  }
0xa9: {  	[bflag:$0x3] =	sbarrier.arrive $0xFFFF  }
0xaa: {  	_ =	shalt  }

// kernel: kernel.9.cloned.1.call-start
scs
__scs_entry_jumppad:
0x0: {  	(pc) =	sbr.rel $0x88, $3  }
0x1: {  	(tag) =	ssettag $0x0;
	lr =	simm.s32 $0x1  }
0x2: {  	[smem:$0x3F92] =	sst lr;
	_ =	strace $0xD0000000  }
0x3: {  	_ = 	snop  }
0x4: {  	_ = 	snop  }
0x5: {  	_ = 	snop  }
0x6: {  	_ = 	snop  }
0x7: {  	_ = 	snop  }
__scs_overlays_trampoline_lowered:
0x8: {  	[smem:$0x3FA1] =	sst s0  }
0x9: {  	[smem:$0x3FA2] =	sst s1  }
0xa: {  	[smem:$0x3FA3] =	sst s2  }
0xb: {  	[smem:$0x3FA4] =	sst s3  }
0xc: {  	[smem:$0x3FA5] =	sst s4  }
0xd: {  	[smem:$0x3FA6] =	sst s5  }
0xe: {  	[smem:$0x3FA7] =	sst s6  }
0xf: {  	[smem:$0x3FA8] =	sst s7  }
0x10: {  	[smem:$0x3FA9] =	sst s8  }
0x11: {  	[smem:$0x3FAA] =	sst s9;
	s0 =	simm.s32 @!p0 $0x0  }
0x12: {  	s1 =	sld [smem:$0x3F90];
	s0 =	simm.s32 @p0 $0x1  }
0x13: {  	[smem:$0x3FAB] =	sst s0;
	s0 =	simm.s32 @!p1 $0x0  }
0x14: {  	s2 =	sld [smem:$0x3F8F];
	s0 =	simm.s32 @p1 $0x1  }
0x15: {  	[smem:$0x3FAC] =	sst s0;
	s0 =	simm.s32 @!p2 $0x0  }
0x16: {  	s3 =	sld [smem:$0x3FDB];
	s0 =	simm.s32 @p2 $0x1  }
0x17: {  	s4 =	simm.s32 $0x1BF5;
	[smem:$0x3FAE] =	sst s0  }
0x18: {  	s0 =	sld [smem:$0x3F91];
	_ =	swait.ge [sflag:s4], $0x0  }
0x19: {  	s7 =	sld [smem:$0x3F92]  }
0x1a: {  	s8 =	sadd.s32 $0xFFFFE003, lr  }
0x1b: {  	s9 =	sadd.s32 $0xFFFFFEF7, lr;
	s5 =	simm.s32 $0xFFFFFFFF;
	p2 =	slt.u32 s8, $0xFFFFF086  }
0x1c: {  	p1 =	slt.u32 s9, $0xF7A;
	s5 =	simm.s32 @!p2 $0x0  }
0x1d: {  	s5 =	simm.s32 @p1 $0x1;
	p0 =	seq.s32 s7, s2  }
0x1e: {  	s7 =	smul.u32 @!p0 $0xF7A, s2;
	p2 =	seq.s32 @!p0 s5, $0x0  }
0x1f: {  	s9 =	smul.u32 $0xF7A, s1;
	s8 =	simm.s32 @!p0 $0x1BF5;
	p2 =	por !p2, p0  }
0x20: {  	[sflag:s8] =	ssyncset.s32 @!p0 $0xFFFFF086;
	s6 =	sadd.s32 @!p0 s3, s7;
	s7 =	simm.s32 @!p0 $0x108  }
0x21: {  	s3 =	sadd.s32 s3, s9;
	s6 =	sadd.s32 @!p0 $0x88, s6;
	s7 =	simm.s32 @p2 $0x1082  }
0x22: {  	[simem:s7], [sflag:s8] =	dma.local @!p0 [hbm:s6], $0xF7A  }
0x23: {  	s9 =	sor.u32 $0xD0000000, s2;
	s6 =	simm.s32 $0x108;
	_ =	swait.ge @!p0 [sflag:s8], $0x0  }
0x24: {  	s3 =	sadd.s32 $0x88, s3;
	s6 =	simm.s32 @!p1 $0x1082;
	[sflag:s4] =	ssyncset.s32 $0xFFFFF086  }
0x25: {  	[simem:s6], [sflag:s4] =	dma.local [hbm:s3], $0xF7A  }
0x26: {  	[smem:$0x3F92] =	sst s1;
	(tag) =	ssettag s2;
	_ =	strace s9  }
0x27: {  	s1 =	sld [smem:$0x3FA2]  }
0x28: {  	s2 =	sld [smem:$0x3FA3]  }
0x29: {  	s4 =	sld [smem:$0x3FA5]  }
0x2a: {  	p0 =	seq.s32 s5, $0x0;
	s5 =	sld [smem:$0x3FA6]  }
0x2b: {  	s6 =	sld [smem:$0x3FA7]  }
0x2c: {  	s7 =	sld [smem:$0x3FA8]  }
0x2d: {  	s3 =	simm.s32 $0x108;
	s8 =	sld [smem:$0x3FA9]  }
0x2e: {  	s3 =	simm.s32 @!p0 $0x1082;
	s9 =	sld [smem:$0x3FAA]  }
0x2f: {  	lr =	sadd.s32 s0, s3;
	s0 =	sld [smem:$0x3FA1]  }
0x30: {  	s3 =	sld [smem:$0x3FA4]  }
0x31: {  	[smem:$0x3FAD] =	sst s10  }
0x32: {  	s10 =	sld [smem:$0x3FAB];
	_ =	sdelay $0x3  }
0x33: {  	p0 =	seq.s32 s10, $0x1;
	s10 =	sld [smem:$0x3FAD];
	_ =	sdelay $0x3  }
0x34: {  	[smem:$0x3FAD] =	sst s10  }
0x35: {  	s10 =	sld [smem:$0x3FAC];
	_ =	sdelay $0x3  }
0x36: {  	p1 =	seq.s32 s10, $0x1;
	s10 =	sld [smem:$0x3FAD];
	_ =	sdelay $0x3  }
0x37: {  	[smem:$0x3FAD] =	sst s10  }
0x38: {  	s10 =	sld [smem:$0x3FAE]  }
0x39: {  	_ = 	snop;
	(pc) =	sbr.ind lr, $3  }
0x3a: {  	_ = 	snop  }
0x3b: {  	_ = 	snop  }
0x3c: {  	p2 =	seq.s32 s10, $0x1;
	s10 =	sld [smem:$0x3FAD]  }
0x3d: {  	_ =	shalt  }
0x3e: {  	_ =	shalt  }
0x3f: {  	_ =	shalt  }
0x40: {  	_ =	shalt  }
0x41: {  	_ =	shalt  }
0x42: {  	_ =	shalt  }
0x43: {  	_ =	shalt  }
0x44: {  	_ =	shalt  }
0x45: {  	_ =	shalt  }
0x46: {  	_ =	shalt  }
0x47: {  	_ =	shalt  }
0x48: {  	_ =	shalt  }
0x49: {  	_ =	shalt  }
0x4a: {  	_ =	shalt  }
0x4b: {  	_ =	shalt  }
0x4c: {  	_ =	shalt  }
0x4d: {  	_ =	shalt  }
0x4e: {  	_ =	shalt  }
0x4f: {  	_ =	shalt  }
0x50: {  	_ =	shalt  }
0x51: {  	_ =	shalt  }
0x52: {  	_ =	shalt  }
0x53: {  	_ =	shalt  }
0x54: {  	_ =	shalt  }
0x55: {  	_ =	shalt  }
0x56: {  	_ =	shalt  }
0x57: {  	_ =	shalt  }
0x58: {  	_ =	shalt  }
0x59: {  	_ =	shalt  }
0x5a: {  	_ =	shalt  }
0x5b: {  	_ =	shalt  }
0x5c: {  	_ =	shalt  }
0x5d: {  	_ =	shalt  }
0x5e: {  	_ =	shalt  }
0x5f: {  	_ =	shalt  }
0x60: {  	_ =	shalt  }
0x61: {  	_ =	shalt  }
0x62: {  	_ =	shalt  }
0x63: {  	_ =	shalt  }
0x64: {  	_ =	shalt  }
0x65: {  	_ =	shalt  }
0x66: {  	_ =	shalt  }
0x67: {  	_ =	shalt  }
0x68: {  	_ =	shalt  }
0x69: {  	_ =	shalt  }
0x6a: {  	_ =	shalt  }
0x6b: {  	_ =	shalt  }
0x6c: {  	_ =	shalt  }
0x6d: {  	_ =	shalt  }
0x6e: {  	_ =	shalt  }
0x6f: {  	_ =	shalt  }
0x70: {  	_ =	shalt  }
0x71: {  	_ =	shalt  }
0x72: {  	_ =	shalt  }
0x73: {  	_ =	shalt  }
0x74: {  	_ =	shalt  }
0x75: {  	_ =	shalt  }
0x76: {  	_ =	shalt  }
0x77: {  	_ =	shalt  }
0x78: {  	_ =	shalt  }
0x79: {  	_ =	shalt  }
0x7a: {  	_ =	shalt  }
0x7b: {  	_ =	shalt  }
0x7c: {  	_ =	shalt  }
0x7d: {  	_ =	shalt  }
0x7e: {  	_ =	shalt  }
0x7f: {  	_ =	shalt  }
0x80: {  	_ =	shalt  }
0x81: {  	_ =	shalt  }
0x82: {  	_ =	shalt  }
0x83: {  	_ =	shalt  }
0x84: {  	_ =	shalt  }
0x85: {  	_ =	shalt  }
0x86: {  	_ =	shalt  }
0x87: {  	_ =	shalt  }
.Lfunc_end0:
.L_simem_size_0:
called_computation_lowered:
.L_overlay_start_0:
0x88: {  	s2 =	sld [smem:$0x3FD9]  }
0x89: {  	s3 =	sld [smem:$0x3FFE];
	_ =	sdelay $0x1  }
0x8a: {  	s1 =	srdreg.scid  }
0x8b: {  	s0 =	sand.u32 $0x1, s1  }
0x8c: {  	s17 =	sshll.u32 s0, $0xA;
	s2 =	sadd.s32 s3, s2  }
0x8d: {  	s2 =	sadd.s32 s2, s17  }
0x8e: {  	[smem:$0x3FB9] =	sst s2  }
0x8f: {  	_ = 	snop  }
0x90: {  	(tm) =	ssettm $0x1  }
0x91: {  	s18 =	sld [smem:$0x3FFB];
	_ =	sdelay $0x3  }
0x92: {  	_ =	strace s18  }
0x93: {  	s2 =	sld [smem:$0x3FFC];
	_ =	sdelay $0x3  }
0x94: {  	_ =	strace s2  }
0x95: {  	s2 =	sld [smem:$0x3FFD];
	_ =	sdelay $0x3  }
0x96: {  	_ =	strace s2  }
0x97: {  	_ =	strace $0x8FFFFFFF  }
0x98: {  	s19 =	sld [smem:$0x3FDB];
	_ =	sdelay $0x1  }
0x99: {  	s20 =	simm.s32 $_scs_section_size  }
0x9a: {  	s4 =	simm.s32 $_size__tile_overlayer_lowered;
	s5 =	simm.s32 $_tile_overlayer_lowered  }
0x9b: {  	s6 =	simm.s32 $0x1BFF;
	s21 =	sshll.u32 s5, $0x1;
	s3 =	sadd.s32 s20, s19  }
0x9c: {  	s22 =	simm.s32 $0x0;
	s4 =	sshll.u32 s4, $0x1;
	s5 =	sadd.s32 s21, s3  }
0x9d: {  	[timem:s22], [sflag:s6] =	dma.local [hbm:s5], s4  }
0x9e: {  	_ =	swait.ge [sflag:s6], s4  }
0x9f: {  	s4 =	ssub.s32 $0x0, s4;
	[sflag:s6] =	ssyncset.done $0x0  }
0xa0: {  	[sflag:s6] =	ssyncadd.s32 s4;
	_ =	sdelay $0x1  }
0xa1: {  	s23 =	simm.s32 $0x1B8B  }
0xa2: {  	_ =	swait.ge [sflag:s23], $0x1  }
0xa3: {  	[sflag:s23] =	ssyncset.done $0x0  }
0xa4: {  	[sflag:s23] =	ssyncadd.s32 $0xFFFFFFFF  }
0xa5: {  	s4 =	sld [smem:$0x0]  }
0xa6: {  	s5 =	sand.u32 $0xFFFFFFFE, s1  }
0xa7: {  	p0 =	sne.s32 s1, s5  }
0xa8: {  	s5 =	sshll.u32 @p0 s5, $0xE  }
0xa9: {  	s5 =	sadd.s32 @p0 $0x11B8D, s5;
	s6 =	sshll.u32 @p0 s4, $0x11  }
0xaa: {  	s5 =	sor.u32 @p0 s6, s5  }
0xab: {  	[sflag:s5] =	ssyncadd.remote.s32 @p0 $0x1;
	_ =	sdelay $0x1  }
0xac: {  	s5 =	simm.s32 @p0 $0x1B8D  }
0xad: {  	_ =	swait.eq @p0 [sflag:s5], $0x1  }
0xae: {  	[sflag:s5] =	ssyncadd.s32 @p0 $0xFFFFFFFF  }
0xaf: {  	s6 =	sshll.u32 @!p0 s1, $0xE  }
0xb0: {  	s6 =	sor.u32 @!p0 $0x4000, s6;
	s5 =	simm.s32 @!p0 $0x1B8D  }
0xb1: {  	s4 =	sshll.u32 @!p0 s4, $0x11;
	s6 =	sadd.s32 @!p0 $0x11B8D, s6;
	_ =	swait.eq @!p0 [sflag:s5], $0x1  }
0xb2: {  	s4 =	sor.u32 @!p0 s4, s6;
	[sflag:s5] =	ssyncadd.s32 @!p0 $0xFFFFFFFF  }
0xb3: {  	s25 =	simm.s32 $0x1B8E;
	s24 =	sld [smem:$0x3FFE];
	[sflag:s4] =	ssyncadd.remote.s32 @!p0 $0x1  }
0xb4: {  	s26 =	simm.s32 $execute0_lowered;
	[smem:$0x3FD2] =	sst s25  }
0xb5: {  	s5 =	sshll.u32 s26, $0x1;
	_ =	strace $0x80000049;
	[dreg:$0x1] =	wrdreg $0xFFFFFFFF  }
0xb6: {  	s28 =	simm.s32 $_size_execute0_lowered;
	s3 =	sadd.s32 s3, s5;
	[dreg:$0x0] =	wrdreg $0x0  }
0xb7: {  	s5 =	sshll.u32 s28, $0x1;
	[dreg:$0x2] =	wrdreg s3  }
0xb8: {  	[dreg:$0x3] =	wrdreg s5  }
0xb9: {  	[dreg:$0x4] =	wrdreg $0xC0  }
0xba: {  	_ =	task [dreg:s22], $0x5FFFF  }
0xbb: {  	[dreg:$0x1] =	wrdreg $0xFFFFFFFF  }
0xbc: {  	[dreg:$0x0] =	wrdreg $0x60  }
0xbd: {  	[dreg:$0x2] =	wrdreg s24  }
0xbe: {  	[dreg:$0x3] =	wrdreg $0x68000  }
0xbf: {  	[dreg:$0x4] =	wrdreg $0x9  }
0xc0: {  	_ =	task.clear_ibuf [dreg:s22], $0x5FFFF;
	_ =	strace $0x90000049  }
0xc1: {  	s29 =	simm.s32 $0x9;
	_ =	strace $0x8000004B  }
0xc2: {  	_ =	swait.ge [sflag:s29], $0x1  }
0xc3: {  	[sflag:s29] =	ssyncadd.s32 $0xFFFFFFFF  }
0xc4: {  	_ =	strace $0x9000004B  }
0xc5: {  	_ =	sfence  }
0xc6: {  	s30 =	sld [smem:$0x0];
	_ =	sdelay $0x2  }
0xc7: {  	s31 =	sshll.u32 s1, $0xD;
	s1 =	sshrl.u32 s1, $0x2  }
0xc8: {  	s4 =	sand.u32 $0x4000, s31;
	s1 =	sadd.s32 s1, s30  }
0xc9: {  	s0 =	sor.u32 s4, s0;
	s1 =	sshll.u32 s1, $0x11  }
0xca: {  	s0 =	sor.u32 s1, s0  }
0xcb: {  	s0 =	sadd.s32 $0x8F2B, s0  }
0xcc: {  	[sflag:s0] =	ssyncadd.remote.s32 $0x1  }
0xcd: {  	_ =	sfence.sel $0xFFFF  }
0xce: {  	[dreg:$0x0] =	wrdreg $0xFFFFFFFF;
	(pc) =	sbr.abs _section_cstart, $3  }
0xcf: {  	[dreg:$0x1] =	wrdreg $0xFFFFFFFF  }
0xd0: {  	_ =	task.clear_ibuf [dreg:s22], $0x2FFFF;
	_ =	strace $0x9FFFFFFF  }
0xd1: {  	(tm) =	ssettm $0x7FFFFFFF  }
tec
execute0_lowered:
.L_overlay_start_1:
0x0: {  	(tag) =	ssettag $0x1  }
0x1: {  	s0 =	rddreg [dreg:$0x0]  }
0x2: {  	s2 =	rddreg [dreg:$0x1]  }
0x3: {  	s4 =	srdreg.scid;
	s1 =	stileid.u32  }
0x4: {  	s3 =	simm.s32 $0x0;
	s12 =	simm.s32 $0x4000;
	s13 =	simm.s32 $0x50  }
0x5: {  	s14 =	simm.s32 $0x80;
	s15 =	simm.s32 $0x100;
	s16 =	simm.s32 $0x180  }
0x6: {  	s17 =	simm.s32 $0x200;
	s18 =	simm.s32 $0x280;
	s19 =	simm.s32 $0x300  }
0x7: {  	s20 =	simm.s32 $0x380;
	s21 =	simm.s32 $0x1;
	s22 =	simm.s32 $0x2  }
0x8: {  	s28 =	simm.s32 $0x7;
	s29 =	simm.s32 $0x8;
	s30 =	simm.s32 $0x0  }
0x9: {  	s5 =	sand.u32 $0x1, s4;
	s6 =	smul.u32 $0x2700, s1;
	[smem:$0x7FF] =	sst s3  }
0xa: {  	s9 =	smul.u32 $0x4E000, s1;
	s26 =	sshll.u32 s1, $0xC;
	s31 =	sshll.u32 s1, $0x6  }
0xb: {  	s4 =	sshll.u32 s5, $0xB;
	s7 =	smul.u32 $0x27100, s5;
	_ =	strace $0x8000004A  }
0xc: {  	s23 =	ssub.s32 $0x2, s5;
	s5 =	sadd.s32 $0x64400, s0;
	s8 =	sadd.s32 s4, s0  }
0xd: {  	s4 =	sadd.s32 $0x13A00, s0;
	s24 =	sshrl.u32 s23, $0x1;
	s25 =	sshrl.u32 s9, $0x2  }
0xe: {  	s6 =	sadd.s32 s6, s7;
	s10 =	ssub.s32 s23, s24;
	s11 =	sadd.s32 s25, s2  }
0xf: {  	s7 =	sadd.s32 s26, s8;
	s23 =	simm.s32 $0x3;
	s24 =	simm.s32 $0x4  }
0x10: {  	s25 =	simm.s32 $0x5;
	s26 =	simm.s32 $0x6;
	s0 =	sadd.s32 s6, s0  }
0x11: {  	s6 =	sor.u32 $0x1C09, s31;
	s7 =	sadd.s32 $0x3A00, s7;
	s9 =	smax.u32 s10, $0x1  }
0x12: {  	s10 =	sshrl.u32 s11, $0x3;
	s11 =	simm.s32 $0x9;
	s8 =	sadd.s32 $0x64A00, s0  }
.LBB2_1:
0x13: {  	[spmem:s10], [sflag:s6] =	dma.local [hbm:s4], $0x2800  }
0x14: {  	_ =	swait.ge [sflag:s11], $0x2800  }
0x15: {  	[sflag:s11] =	ssyncset.done $0x0  }
0x16: {  	[sflag:s11] =	ssyncadd.s32 $0xFFFFD800  }
0x17: {  	[tilespmem:s12], [sflag:$0x9] =	stream.linear.gather [hbm4b:s5+s3], $0x2800, $0x38;
	[tilespmem:$0x1A300] =	vst v63  }
0x18: {  	_ =	swait.ge [sflag:s11], $0x2800  }
0x19: {  	[sflag:s11] =	ssyncset.done $0x0  }
0x1a: {  	[sflag:s11] =	ssyncadd.s32 $0xFFFFD800  }
0x1b: {  	[tilespmem:s3], [sflag:$0x9] =	stream.linear.gather [hbm4b:s7+s3], $0x4000, $0x38;
	[tilespmem:$0x1A300] =	vst v63  }
0x1c: {  	_ =	swait.ge [sflag:s11], $0x4000  }
0x1d: {  	[sflag:s11] =	ssyncset.done $0x0  }
0x1e: {  	[sflag:s11] =	ssyncadd.s32 $0xFFFFC000  }
0x1f: {  	[bflag:$0x0] =	sbarrier.arrive $0xFFFF  }
0x20: {  	[spmem:s2] =	stream.indirect.scatter.add.f32 [tilespmem:s12], [sflag:$0x1], $0x80, s3, s13, $0xb8;
	[tilespmem:$0x1A300] =	vst v63  }
0x21: {  	_ = 	snop  }
0x22: {  	[spmem:s2] =	stream.indirect.scatter.add.f32 [tilespmem:s12], [sflag:$0x2], $0x80, s14, s13, $0xb8;
	[tilespmem:$0x1A300] =	vst v63  }
0x23: {  	_ = 	snop  }
0x24: {  	[spmem:s2] =	stream.indirect.scatter.add.f32 [tilespmem:s12], [sflag:$0x3], $0x80, s15, s13, $0xb8;
	[tilespmem:$0x1A300] =	vst v63  }
0x25: {  	_ = 	snop  }
0x26: {  	[spmem:s2] =	stream.indirect.scatter.add.f32 [tilespmem:s12], [sflag:$0x4], $0x80, s16, s13, $0xb8;
	[tilespmem:$0x1A300] =	vst v63  }
0x27: {  	_ = 	snop  }
0x28: {  	[spmem:s2] =	stream.indirect.scatter.add.f32 [tilespmem:s12], [sflag:$0x5], $0x80, s17, s13, $0xb8;
	[tilespmem:$0x1A300] =	vst v63  }
0x29: {  	_ = 	snop  }
0x2a: {  	[spmem:s2] =	stream.indirect.scatter.add.f32 [tilespmem:s12], [sflag:$0x6], $0x80, s18, s13, $0xb8;
	[tilespmem:$0x1A300] =	vst v63  }
0x2b: {  	_ = 	snop  }
0x2c: {  	[spmem:s2] =	stream.indirect.scatter.add.f32 [tilespmem:s12], [sflag:$0x7], $0x80, s19, s13, $0xb8;
	[tilespmem:$0x1A300] =	vst v63  }
0x2d: {  	_ = 	snop  }
0x2e: {  	[spmem:s2] =	stream.indirect.scatter.add.f32 [tilespmem:s12], [sflag:$0x8], $0x80, s20, s13, $0xb8;
	[tilespmem:$0x1A300] =	vst v63  }
0x2f: {  	_ =	swait.ge [sflag:s21], $0x2800  }
0x30: {  	[sflag:s21] =	ssyncset.done $0x0  }
0x31: {  	s0 =	simm.s32 $0x400;
	[sflag:s21] =	ssyncadd.s32 $0xFFFFD800  }
0x32: {  	[spmem:s2] =	stream.indirect.scatter.add.f32 [tilespmem:s12], [sflag:$0x1], $0x80, s0, s13, $0xb8;
	[tilespmem:$0x1A300] =	vst v63  }
0x33: {  	_ =	swait.ge [sflag:s22], $0x2800  }
0x34: {  	[sflag:s22] =	ssyncset.done $0x0  }
0x35: {  	s1 =	simm.s32 $0x480;
	[sflag:s22] =	ssyncadd.s32 $0xFFFFD800  }
0x36: {  	[spmem:s2] =	stream.indirect.scatter.add.f32 [tilespmem:s12], [sflag:$0x2], $0x80, s1, s13, $0xb8;
	[tilespmem:$0x1A300] =	vst v63  }
0x37: {  	_ =	swait.ge [sflag:s23], $0x2800  }
0x38: {  	[sflag:s23] =	ssyncset.done $0x0  }
0x39: {  	s1 =	simm.s32 $0x500;
	[sflag:s23] =	ssyncadd.s32 $0xFFFFD800  }
0x3a: {  	[spmem:s2] =	stream.indirect.scatter.add.f32 [tilespmem:s12], [sflag:$0x3], $0x80, s1, s13, $0xb8;
	[tilespmem:$0x1A300] =	vst v63  }
0x3b: {  	_ =	swait.ge [sflag:s24], $0x2800  }
0x3c: {  	[sflag:s24] =	ssyncset.done $0x0  }
0x3d: {  	s1 =	simm.s32 $0x580;
	[sflag:s24] =	ssyncadd.s32 $0xFFFFD800  }
0x3e: {  	[spmem:s2] =	stream.indirect.scatter.add.f32 [tilespmem:s12], [sflag:$0x4], $0x80, s1, s13, $0xb8;
	[tilespmem:$0x1A300] =	vst v63  }
0x3f: {  	_ =	swait.ge [sflag:s25], $0x2800  }
0x40: {  	[sflag:s25] =	ssyncset.done $0x0  }
0x41: {  	s1 =	simm.s32 $0x600;
	[sflag:s25] =	ssyncadd.s32 $0xFFFFD800  }
0x42: {  	[spmem:s2] =	stream.indirect.scatter.add.f32 [tilespmem:s12], [sflag:$0x5], $0x80, s1, s13, $0xb8;
	[tilespmem:$0x1A300] =	vst v63  }
0x43: {  	_ =	swait.ge [sflag:s26], $0x2800  }
0x44: {  	[sflag:s26] =	ssyncset.done $0x0  }
0x45: {  	s1 =	simm.s32 $0x680;
	[sflag:s26] =	ssyncadd.s32 $0xFFFFD800  }
0x46: {  	[spmem:s2] =	stream.indirect.scatter.add.f32 [tilespmem:s12], [sflag:$0x6], $0x80, s1, s13, $0xb8;
	[tilespmem:$0x1A300] =	vst v63  }
0x47: {  	_ =	swait.ge [sflag:s28], $0x2800  }
0x48: {  	[sflag:s28] =	ssyncset.done $0x0  }
0x49: {  	s1 =	simm.s32 $0x700;
	[sflag:s28] =	ssyncadd.s32 $0xFFFFD800  }
0x4a: {  	[spmem:s2] =	stream.indirect.scatter.add.f32 [tilespmem:s12], [sflag:$0x7], $0x80, s1, s13, $0xb8;
	[tilespmem:$0x1A300] =	vst v63  }
0x4b: {  	_ =	swait.ge [sflag:s29], $0x2800  }
0x4c: {  	[sflag:s29] =	ssyncset.done $0x0  }
0x4d: {  	s31 =	simm.s32 $0x1000;
	s0 =	simm.s32 $0x780;
	[sflag:s29] =	ssyncadd.s32 $0xFFFFD800  }
.LBB2_2:
0x4e: {  	[spmem:s2] =	stream.indirect.scatter.add.f32 [tilespmem:s12], [sflag:$0x8], $0x80, s0, s13, $0xb8;
	[tilespmem:$0x1A300] =	vst v63  }
0x4f: {  	s0 =	smov.u32 s31  }
0x50: {  	p0 =	sne.s32 s31, $0xE000;
	s31 =	sadd.s32 $0x1000, s31;
	_ =	swait.ge [sflag:s21], $0x2800  }
0x51: {  	s0 =	sshra.s32 s0, $0x2;
	[sflag:s21] =	ssyncset.done $0x0  }
0x52: {  	s1 =	sadd.s32 $0x400, s0;
	[sflag:s21] =	ssyncadd.s32 $0xFFFFD800  }
0x53: {  	[spmem:s2] =	stream.indirect.scatter.add.f32 [tilespmem:s12], [sflag:$0x1], $0x80, s1, s13, $0xb8;
	[tilespmem:$0x1A300] =	vst v63  }
0x54: {  	_ =	swait.ge [sflag:s22], $0x2800  }
0x55: {  	[sflag:s22] =	ssyncset.done $0x0  }
0x56: {  	s1 =	sadd.s32 $0x480, s0;
	[sflag:s22] =	ssyncadd.s32 $0xFFFFD800  }
0x57: {  	[spmem:s2] =	stream.indirect.scatter.add.f32 [tilespmem:s12], [sflag:$0x2], $0x80, s1, s13, $0xb8;
	[tilespmem:$0x1A300] =	vst v63  }
0x58: {  	_ =	swait.ge [sflag:s23], $0x2800  }
0x59: {  	[sflag:s23] =	ssyncset.done $0x0  }
0x5a: {  	s1 =	sadd.s32 $0x500, s0;
	[sflag:s23] =	ssyncadd.s32 $0xFFFFD800  }
0x5b: {  	[spmem:s2] =	stream.indirect.scatter.add.f32 [tilespmem:s12], [sflag:$0x3], $0x80, s1, s13, $0xb8;
	[tilespmem:$0x1A300] =	vst v63  }
0x5c: {  	_ =	swait.ge [sflag:s24], $0x2800  }
0x5d: {  	[sflag:s24] =	ssyncset.done $0x0  }
0x5e: {  	s1 =	sadd.s32 $0x580, s0;
	[sflag:s24] =	ssyncadd.s32 $0xFFFFD800  }
0x5f: {  	[spmem:s2] =	stream.indirect.scatter.add.f32 [tilespmem:s12], [sflag:$0x4], $0x80, s1, s13, $0xb8;
	[tilespmem:$0x1A300] =	vst v63  }
0x60: {  	_ =	swait.ge [sflag:s25], $0x2800  }
0x61: {  	[sflag:s25] =	ssyncset.done $0x0  }
0x62: {  	s1 =	sadd.s32 $0x600, s0;
	[sflag:s25] =	ssyncadd.s32 $0xFFFFD800  }
0x63: {  	[spmem:s2] =	stream.indirect.scatter.add.f32 [tilespmem:s12], [sflag:$0x5], $0x80, s1, s13, $0xb8;
	[tilespmem:$0x1A300] =	vst v63  }
0x64: {  	_ =	swait.ge [sflag:s26], $0x2800  }
0x65: {  	[sflag:s26] =	ssyncset.done $0x0  }
0x66: {  	s1 =	sadd.s32 $0x680, s0;
	[sflag:s26] =	ssyncadd.s32 $0xFFFFD800  }
0x67: {  	[spmem:s2] =	stream.indirect.scatter.add.f32 [tilespmem:s12], [sflag:$0x6], $0x80, s1, s13, $0xb8;
	[tilespmem:$0x1A300] =	vst v63  }
0x68: {  	_ =	swait.ge [sflag:s28], $0x2800  }
0x69: {  	[sflag:s28] =	ssyncset.done $0x0  }
.Ltmp0:
0x6a: {  	s1 =	sadd.s32 $0x700, s0;
	[sflag:s28] =	ssyncadd.s32 $0xFFFFD800;
	(pc) =	sbr.rel @p0 .LBB2_2-.Ltmp0, $4  }
0x6b: {  	[spmem:s2] =	stream.indirect.scatter.add.f32 [tilespmem:s12], [sflag:$0x7], $0x80, s1, s13, $0xb8;
	[tilespmem:$0x1A300] =	vst v63  }
0x6c: {  	_ =	swait.ge [sflag:s29], $0x2800  }
0x6d: {  	[sflag:s29] =	ssyncset.done $0x0  }
0x6e: {  	s0 =	sadd.s32 $0x780, s0;
	[sflag:s29] =	ssyncadd.s32 $0xFFFFD800  }
0x6f: {  	[spmem:s2] =	stream.indirect.scatter.add.f32 [tilespmem:s12], [sflag:$0x8], $0x80, s0, s13, $0xb8;
	[tilespmem:$0x1A300] =	vst v63  }
0x70: {  	_ =	swait.ge [sflag:s21], $0x2800  }
0x71: {  	[sflag:s21] =	ssyncset.done $0x0  }
0x72: {  	[sflag:s21] =	ssyncadd.s32 $0xFFFFD800  }
0x73: {  	_ =	swait.ge [sflag:s22], $0x2800  }
0x74: {  	[sflag:s22] =	ssyncset.done $0x0  }
0x75: {  	[sflag:s22] =	ssyncadd.s32 $0xFFFFD800  }
0x76: {  	_ =	swait.ge [sflag:s23], $0x2800  }
0x77: {  	[sflag:s23] =	ssyncset.done $0x0  }
0x78: {  	[sflag:s23] =	ssyncadd.s32 $0xFFFFD800  }
0x79: {  	_ =	swait.ge [sflag:s24], $0x2800  }
0x7a: {  	[sflag:s24] =	ssyncset.done $0x0  }
0x7b: {  	[sflag:s24] =	ssyncadd.s32 $0xFFFFD800  }
0x7c: {  	_ =	swait.ge [sflag:s25], $0x2800  }
0x7d: {  	[sflag:s25] =	ssyncset.done $0x0  }
0x7e: {  	[sflag:s25] =	ssyncadd.s32 $0xFFFFD800  }
0x7f: {  	_ =	swait.ge [sflag:s26], $0x2800  }
0x80: {  	[sflag:s26] =	ssyncset.done $0x0  }
0x81: {  	[sflag:s26] =	ssyncadd.s32 $0xFFFFD800  }
0x82: {  	_ =	swait.ge [sflag:s28], $0x2800  }
0x83: {  	[sflag:s28] =	ssyncset.done $0x0  }
0x84: {  	[sflag:s28] =	ssyncadd.s32 $0xFFFFD800  }
0x85: {  	_ =	swait.ge [sflag:s29], $0x2800  }
0x86: {  	s30 =	sadd.s32 $0x1, s30;
	[sflag:s29] =	ssyncset.done $0x0  }
0x87: {  	p0 =	sne.s32 s30, s9;
	[sflag:s29] =	ssyncadd.s32 $0xFFFFD800  }
.Ltmp1:
0x88: {  	[bflag:$0x0] =	sbarrier.arrive $0xFFFF;
	(pc) =	sbr.rel @p0 .LBB2_1-.Ltmp1, $4  }
0x89: {  	[hbm:s8], [sflag:s6] =	dma.local [spmem:s10], $0x2800  }
0x8a: {  	_ =	swait.ge [sflag:s11], $0x2800  }
0x8b: {  	[sflag:s11] =	ssyncset.done $0x0  }
0x8c: {  	[sflag:s11] =	ssyncadd.s32 $0xFFFFD800  }
0x8d: {  	_ =	sfence.sel $0x180000  }
0x8e: {  	[bflag:$0x0] =	sbarrier.arrive $0xFFFF  }
0x8f: {  	_ =	strace $0x9000004A  }
0x90: {  	s0 =	stileid.u32;
	[bflag:$0x2] =	sbarrier.arrive $0xFFFF  }
0x91: {  	p0 =	sne.s32 s0, $0x0;
	s0 =	rddreg [dreg:$0x2]  }
0x92: {  	s0 =	sadd.s32 @!p0 $0x100000, s0  }
0x93: {  	[sflag:s0] =	ssyncadd.tile.s32 @!p0 $0x1;
	_ =	shalt  }
.Lfunc_end2:
_tile_overlayer_lowered:
.L_overlay_start_2:
0x94: {  	(tag) =	ssettag $0x2  }
0x95: {  	s0 =	rddreg [dreg:$0x0];
	s2 =	stileid.u32  }
0x96: {  	s1 =	rddreg [dreg:$0x1];
	p0 =	sne.s32 s2, $0x0  }
0x97: {  	s3 =	rddreg [dreg:$0x2];
	[bflag:$0x3] =	sbarrier.arrive $0xFFFF;
	s2 =	simm.s32 @!p0 $0x1C09  }
0x98: {  	[timem:s3], [sflag:s2] =	dma.local @!p0 [hbm:s0], s1  }
0x99: {  	s0 =	simm.s32 @!p0 $0x9  }
0x9a: {  	_ =	swait.ge @!p0 [sflag:s0], s1  }
0x9b: {  	s1 =	ssub.s32 @!p0 $0x0, s1;
	[sflag:s0] =	ssyncset.done @!p0 $0x0  }
0x9c: {  	[sflag:s0] =	ssyncadd.s32 @!p0 s1  }
0x9d: {  	[bflag:$0x3] =	sbarrier.arrive $0xFFFF  }
0x9e: {  	_ =	shalt  }

</sc_bundles>
